<compile_context>
chip_gen: v7x
topology: tpu7x:2x2x1
jax: 0.10.2.dev20260603
libtpu: 0.0.44.dev20260713+nightly
codegen_flags: <defaults>
</compile_context>

<pallas_src>
import functools

import jax
import jax.numpy as jnp
from jax import lax
from jax.experimental import pallas as pl
from jax.experimental.pallas import tpu as pltpu
from jax.experimental.pallas import tpu_sc as plsc

_N = 4096
_T = 200
_EMB = 64
_NC = 2
_NS = 16
_NW = _NC * _NS
_SPW = _N // _NW
_NBUF = 8
_CB = _T - 128


def _split_tc(toks):
    def body(x_ref, o0_ref, o1_ref):
        x = x_ref[...]
        o0_ref[...] = x[:, 0:128]
        o1_ref[...] = x[:, _T - 128:_T]

    return pl.pallas_call(
        body,
        out_shape=(
            jax.ShapeDtypeStruct((_N, 128), jnp.int32),
            jax.ShapeDtypeStruct((_N, 128), jnp.int32),
        ),
    )(toks)


def _pooled_sc(flat0, flat1, tok_emb):
    mesh = plsc.VectorSubcoreMesh(core_axis_name="c", subcore_axis_name="s")

    @functools.partial(
        pl.kernel,
        out_type=jax.ShapeDtypeStruct((_N, _EMB), jnp.float32),
        mesh=mesh,
        scratch_types=[
            pltpu.VMEM((_SPW, 128), jnp.int32),
            pltpu.VMEM((_SPW, 128), jnp.int32),
            [pltpu.VMEM((128 if b % 2 == 0 else _CB, _EMB), jnp.float32)
             for b in range(_NBUF)],
            pltpu.VMEM((_SPW, _EMB), jnp.float32),
            [pltpu.SemaphoreType.DMA for _ in range(_NBUF)],
        ],
        compiler_params=pltpu.CompilerParams(use_tc_tiling_on_sc=False),
    )
    def k(f0_hbm, f1_hbm, table_hbm, out_hbm, idx0, idx1, rows, pool_v, sems):
        wid = lax.axis_index("s") * _NC + lax.axis_index("c")
        base = wid * _SPW
        pltpu.sync_copy(f0_hbm.at[pl.ds(base, _SPW)], idx0)
        pltpu.sync_copy(f1_hbm.at[pl.ds(base, _SPW)], idx1)

        def start(q, slot, odd):
            s = q // 2
            if odd:
                pltpu.async_copy(
                    table_hbm.at[idx1.at[s, pl.ds(128 - _CB, _CB)]],
                    rows[slot], sems[slot],
                )
            else:
                pltpu.async_copy(
                    table_hbm.at[idx0.at[s]], rows[slot], sems[slot]
                )

        def wait(q, slot, odd):
            s = q // 2
            if odd:
                pltpu.make_async_copy(
                    table_hbm.at[idx1.at[s, pl.ds(128 - _CB, _CB)]],
                    rows[slot], sems[slot],
                ).wait()
            else:
                pltpu.make_async_copy(
                    table_hbm.at[idx0.at[s]], rows[slot], sems[slot]
                ).wait()

        def accum(ref, cnt, accs8):
            def body(i, accs8):
                a, b = accs8
                for dt in range(8):
                    t = i * 8 + dt
                    tgt = a if dt % 2 == 0 else b
                    tgt = tuple(
                        x + ref[t, pl.ds(16 * cc, 16)] for cc, x in enumerate(tgt)
                    )
                    if dt % 2 == 0:
                        a = tgt
                    else:
                        b = tgt
                return (a, b)
            return lax.fori_loop(0, cnt // 8, body, accs8)

        inv_t = jnp.float32(1.0 / _T)
        zero4 = (jnp.zeros((16,), jnp.float32),) * 4
        qmask = 2 * _SPW - 1

        for c in range(_NBUF - 1):
            start(c, c, c % 2 == 1)

        def quad_body(p, carry):
            q0 = _NBUF * p
            for half in range(_NBUF // 2):
                s = (_NBUF // 2) * p + half
                accs8 = (zero4, zero4)
                for j2 in range(2):
                    j = 2 * half + j2
                    nq = (q0 + j + _NBUF - 1) & qmask
                    start(nq, (j + _NBUF - 1) % _NBUF, (j + _NBUF - 1) % 2 == 1)
                    wait(q0 + j, j, j2 == 1)
                    accs8 = accum(rows[j], 128 if j2 == 0 else _CB, accs8)
                for cc, (aa, bb) in enumerate(zip(accs8[0], accs8[1])):
                    pool_v[s, pl.ds(16 * cc, 16)] = (aa + bb) * inv_t
            return carry

        lax.fori_loop(0, 2 * _SPW // _NBUF, quad_body, 0)
        for c in range(_NBUF - 1):
            wait(c, c, c % 2 == 1)
        pltpu.sync_copy(pool_v, out_hbm.at[pl.ds(base, _SPW)])

    return k(flat0, flat1, tok_emb)


def _head_tc(pooled, W, b2, stdev11, noise):
    def body(p_ref, w_ref, b_ref, s_ref, n_ref, o_ref):
        p = p_ref[...]
        w = w_ref[...]
        logits = lax.dot_general(
            p, w, (((1,), (0,)), ((), ())), preferred_element_type=jnp.float32
        )
        x = logits + b_ref[...] + n_ref[...] * s_ref[0, 0]
        m = jnp.max(x, axis=-1, keepdims=True)
        e = jnp.exp(x - m)
        o_ref[...] = (x - m) - jnp.log(jnp.sum(e, axis=-1, keepdims=True))

    return pl.pallas_call(
        body,
        out_shape=jax.ShapeDtypeStruct((_N, 2), jnp.float32),
    )(pooled, W, b2, stdev11, noise)


def kernel(toks, tok_emb, W, b, stdev):
    flat0, flat1 = _split_tc(toks)
    pooled = _pooled_sc(flat0, flat1, tok_emb)
    noise = jax.random.normal(jax.random.key(1234), (_N, 2), dtype=jnp.float32)
    return _head_tc(pooled, W, b.reshape(1, 2), stdev.reshape(1, 1), noise)

# --- scband reference (transcript-rebuilt; emitter-appended) ---
"""Pipeline reference for scband-discriminator-36893769073471 (READ-ONLY COPY).

The authoritative reference and input builder live on the scoring server;
editing this copy changes nothing except your own understanding.
"""

import jax, jax.numpy as jnp
import numpy as np

VOCAB = 1000000
EMB = 64
N = 4096
T = 200
NUM_CLASSES = 2

def setup_inputs(seed: int = 0) -> dict:
    key = jax.random.key(seed)
    k_tok, k_emb, k_w, k_b, k_s = jax.random.split(key, 5)
    toks = jax.random.randint(k_tok, (N, T), 0, VOCAB, dtype=jnp.int64 if jax.config.jax_enable_x64 else jnp.int32).astype(jnp.int32)
    tok_emb = jax.random.normal(k_emb, (VOCAB, EMB), dtype=jnp.float32)
    # emulate padding_idx=0 (env != SYNTH branch): zero row 0
    tok_emb = tok_emb.at[0].set(0.0)
    W = jax.random.normal(k_w, (EMB, NUM_CLASSES), dtype=jnp.float32) * (1.0 / np.sqrt(EMB))
    b = jnp.zeros((NUM_CLASSES,), dtype=jnp.float32)
    stdev = jax.random.normal(k_s, (1,), dtype=jnp.float32) * 0.1
    return {"toks": toks, "tok_emb": tok_emb, "W": W, "b": b, "stdev": stdev}

def reference(toks, tok_emb, W, b, stdev):
    # _forward: embedding lookup (the core memory-bound op), mean-pool over time,
    # linear head to discriminator logits
    embs = jnp.take(tok_emb, toks, axis=0)          # (N, T, EMB) gather
    pooled = jnp.mean(embs, axis=1)                  # (N, EMB)
    logits = pooled @ W + b                          # (N, 2)
    # fuzz = Normal noise (constant sample) scaled by learned stdev
    noise = jax.random.normal(jax.random.key(1234), logits.shape, dtype=jnp.float32)
    fuzz = noise * stdev
    log_probs = jax.nn.log_softmax(logits + fuzz, axis=1)
    return log_probs

if __name__ == "__main__":
    import jax
    _d = setup_inputs()
    print(jax.jit(kernel)(*tuple(_d.values())))

</pallas_src>

<mosaic_0001>
#map = affine_map<(d0, d1) -> (0, 0)>
module attributes {stable_mosaic.version = 14 : i64} {
  func.func @k(%arg0: i32, %arg1: i32, %arg2: memref<4096x128xi32, #tpu.memory_space<hbm>>, %arg3: memref<4096x128xi32, #tpu.memory_space<hbm>>, %arg4: memref<1000000x64xf32, #tpu.memory_space<hbm>>, %arg5: memref<4096x64xf32, #tpu.memory_space<hbm>>, %arg6: memref<128x128xi32, #tpu.memory_space<vmem>>, %arg7: memref<128x128xi32, #tpu.memory_space<vmem>>, %arg8: memref<128x64xf32, #tpu.memory_space<vmem>>, %arg9: memref<72x64xf32, #tpu.memory_space<vmem>>, %arg10: memref<128x64xf32, #tpu.memory_space<vmem>>, %arg11: memref<72x64xf32, #tpu.memory_space<vmem>>, %arg12: memref<128x64xf32, #tpu.memory_space<vmem>>, %arg13: memref<72x64xf32, #tpu.memory_space<vmem>>, %arg14: memref<128x64xf32, #tpu.memory_space<vmem>>, %arg15: memref<72x64xf32, #tpu.memory_space<vmem>>, %arg16: memref<128x64xf32, #tpu.memory_space<vmem>>, %arg17: memref<!tpu.dma_semaphore, #tpu.memory_space<semaphore_mem>>, %arg18: memref<!tpu.dma_semaphore, #tpu.memory_space<semaphore_mem>>, %arg19: memref<!tpu.dma_semaphore, #tpu.memory_space<semaphore_mem>>, %arg20: memref<!tpu.dma_semaphore, #tpu.memory_space<semaphore_mem>>, %arg21: memref<!tpu.dma_semaphore, #tpu.memory_space<semaphore_mem>>, %arg22: memref<!tpu.dma_semaphore, #tpu.memory_space<semaphore_mem>>, %arg23: memref<!tpu.dma_semaphore, #tpu.memory_space<semaphore_mem>>, %arg24: memref<!tpu.dma_semaphore, #tpu.memory_space<semaphore_mem>>) attributes {dimension_semantics = [#tpu.dimension_semantics<core_parallel>, #tpu.dimension_semantics<subcore_parallel>], iteration_bounds = array<i64: 2, 16>, scalar_prefetch = 0 : i64, scratch_operands = 19 : i64, tpu.core_type = #tpu.core_type<sc_vector_subcore>, window_params = [{transform_indices = #map}, {transform_indices = #map}, {transform_indices = #map}, {transform_indices = #map}]} {
    %mul3A = arith.constant 2 : i32
    %mul3A_0 = arith.muli %arg1, %mul3A : i32
    %add3A = arith.addi %mul3A_0, %arg0 : i32
    %mul3A_1 = arith.constant 128 : i32
    %mul3A_2 = arith.muli %add3A, %mul3A_1 : i32
    "tpu.region"() ({
      %run_scoped3A = tpu.sem_alloc : memref<!tpu.dma_semaphore, #tpu.memory_space<semaphore_mem>>
      %dma_start3A_106 = arith.constant 0 : i32
      %dma_start3A_107 = tpu.memref_slice %arg2[%mul3A_2, %dma_start3A_106] : memref<4096x128xi32, #tpu.memory_space<hbm>> -> memref<128x128xi32, #tpu.memory_space<hbm>>
      %dma_start3A_108 = arith.constant 0 : i32
      %dma_start3A_109 = tpu.memref_slice %arg2[%mul3A_2, %dma_start3A_108] : memref<4096x128xi32, #tpu.memory_space<hbm>> -> memref<128x128xi32, #tpu.memory_space<hbm>>
      tpu.enqueue_dma source(%dma_start3A_109 : memref<128x128xi32, #tpu.memory_space<hbm>>) target(%arg6 : memref<128x128xi32, #tpu.memory_space<vmem>>) target_semaphore(%run_scoped3A : memref<!tpu.dma_semaphore, #tpu.memory_space<semaphore_mem>>)
      %dma_wait3A_110 = arith.constant 0 : i32
      %dma_wait3A_111 = tpu.memref_slice %arg2[%mul3A_2, %dma_wait3A_110] : memref<4096x128xi32, #tpu.memory_space<hbm>> -> memref<128x128xi32, #tpu.memory_space<hbm>>
      %dma_wait3A_112 = arith.constant 0 : i32
      %dma_wait3A_113 = tpu.memref_slice %arg2[%mul3A_2, %dma_wait3A_112] : memref<4096x128xi32, #tpu.memory_space<hbm>> -> memref<128x128xi32, #tpu.memory_space<hbm>>
      tpu.wait_dma2 semaphore(%run_scoped3A : memref<!tpu.dma_semaphore, #tpu.memory_space<semaphore_mem>>) src(%dma_wait3A_113 : memref<128x128xi32, #tpu.memory_space<hbm>>) dst(%arg6 : memref<128x128xi32, #tpu.memory_space<vmem>>)
      tpu.yield
    }) : () -> ()
    "tpu.region"() ({
      %run_scoped3A = tpu.sem_alloc : memref<!tpu.dma_semaphore, #tpu.memory_space<semaphore_mem>>
      %dma_start3A_106 = arith.constant 0 : i32
      %dma_start3A_107 = tpu.memref_slice %arg3[%mul3A_2, %dma_start3A_106] : memref<4096x128xi32, #tpu.memory_space<hbm>> -> memref<128x128xi32, #tpu.memory_space<hbm>>
      %dma_start3A_108 = arith.constant 0 : i32
      %dma_start3A_109 = tpu.memref_slice %arg3[%mul3A_2, %dma_start3A_108] : memref<4096x128xi32, #tpu.memory_space<hbm>> -> memref<128x128xi32, #tpu.memory_space<hbm>>
      tpu.enqueue_dma source(%dma_start3A_109 : memref<128x128xi32, #tpu.memory_space<hbm>>) target(%arg7 : memref<128x128xi32, #tpu.memory_space<vmem>>) target_semaphore(%run_scoped3A : memref<!tpu.dma_semaphore, #tpu.memory_space<semaphore_mem>>)
      %dma_wait3A_110 = arith.constant 0 : i32
      %dma_wait3A_111 = tpu.memref_slice %arg3[%mul3A_2, %dma_wait3A_110] : memref<4096x128xi32, #tpu.memory_space<hbm>> -> memref<128x128xi32, #tpu.memory_space<hbm>>
      %dma_wait3A_112 = arith.constant 0 : i32
      %dma_wait3A_113 = tpu.memref_slice %arg3[%mul3A_2, %dma_wait3A_112] : memref<4096x128xi32, #tpu.memory_space<hbm>> -> memref<128x128xi32, #tpu.memory_space<hbm>>
      tpu.wait_dma2 semaphore(%run_scoped3A : memref<!tpu.dma_semaphore, #tpu.memory_space<semaphore_mem>>) src(%dma_wait3A_113 : memref<128x128xi32, #tpu.memory_space<hbm>>) dst(%arg7 : memref<128x128xi32, #tpu.memory_space<vmem>>)
      tpu.yield
    }) : () -> ()
    %broadcast_in_dim3A = arith.constant 0.000000e+00 : f32
    %broadcast_in_dim3A_3 = vector.broadcast %broadcast_in_dim3A : f32 to vector<16xf32>
    %dma_start3A = arith.constant 0 : i32
    %dma_start3A_4 = arith.constant 0 : i32
    %dma_start3A_5 = tpu.memref_slice %arg6[%dma_start3A, %dma_start3A_4] : memref<128x128xi32, #tpu.memory_space<vmem>> -> memref<1x128xi32, #tpu.memory_space<vmem>>
    %dma_start3A_6 = tpu.memref_squeeze %dma_start3A_5 : memref<1x128xi32, #tpu.memory_space<vmem>> -> memref<128xi32, #tpu.memory_space<vmem>>
    %dma_start3A_7 = arith.constant 0 : i32
    %dma_start3A_8 = arith.constant 0 : i32
    %dma_start3A_9 = tpu.memref_slice %arg4[%dma_start3A_7, %dma_start3A_8] : memref<1000000x64xf32, #tpu.memory_space<hbm>> -> memref<1000000x64xf32, #tpu.memory_space<hbm>>
    tpu.enqueue_indirect_dma source(%dma_start3A_9 : memref<1000000x64xf32, #tpu.memory_space<hbm>>) target(%arg8 : memref<128x64xf32, #tpu.memory_space<vmem>>) offsets(%dma_start3A_6 : memref<128xi32, #tpu.memory_space<vmem>>) semaphore(%arg17 : memref<!tpu.dma_semaphore, #tpu.memory_space<semaphore_mem>>)
    %dma_start3A_10 = arith.constant 0 : i32
    %dma_start3A_11 = arith.constant 56 : i32
    %dma_start3A_12 = tpu.memref_slice %arg7[%dma_start3A_10, %dma_start3A_11] : memref<128x128xi32, #tpu.memory_space<vmem>> -> memref<1x72xi32, #tpu.memory_space<vmem>>
    %dma_start3A_13 = tpu.memref_squeeze %dma_start3A_12 : memref<1x72xi32, #tpu.memory_space<vmem>> -> memref<72xi32, #tpu.memory_space<vmem>>
    %dma_start3A_14 = arith.constant 0 : i32
    %dma_start3A_15 = arith.constant 0 : i32
    %dma_start3A_16 = tpu.memref_slice %arg4[%dma_start3A_14, %dma_start3A_15] : memref<1000000x64xf32, #tpu.memory_space<hbm>> -> memref<1000000x64xf32, #tpu.memory_space<hbm>>
    tpu.enqueue_indirect_dma source(%dma_start3A_16 : memref<1000000x64xf32, #tpu.memory_space<hbm>>) target(%arg9 : memref<72x64xf32, #tpu.memory_space<vmem>>) offsets(%dma_start3A_13 : memref<72xi32, #tpu.memory_space<vmem>>) semaphore(%arg18 : memref<!tpu.dma_semaphore, #tpu.memory_space<semaphore_mem>>)
    %dma_start3A_17 = arith.constant 1 : i32
    %dma_start3A_18 = arith.constant 0 : i32
    %dma_start3A_19 = tpu.memref_slice %arg6[%dma_start3A_17, %dma_start3A_18] : memref<128x128xi32, #tpu.memory_space<vmem>> -> memref<1x128xi32, #tpu.memory_space<vmem>>
    %dma_start3A_20 = tpu.memref_squeeze %dma_start3A_19 : memref<1x128xi32, #tpu.memory_space<vmem>> -> memref<128xi32, #tpu.memory_space<vmem>>
    %dma_start3A_21 = arith.constant 0 : i32
    %dma_start3A_22 = arith.constant 0 : i32
    %dma_start3A_23 = tpu.memref_slice %arg4[%dma_start3A_21, %dma_start3A_22] : memref<1000000x64xf32, #tpu.memory_space<hbm>> -> memref<1000000x64xf32, #tpu.memory_space<hbm>>
    tpu.enqueue_indirect_dma source(%dma_start3A_23 : memref<1000000x64xf32, #tpu.memory_space<hbm>>) target(%arg10 : memref<128x64xf32, #tpu.memory_space<vmem>>) offsets(%dma_start3A_20 : memref<128xi32, #tpu.memory_space<vmem>>) semaphore(%arg19 : memref<!tpu.dma_semaphore, #tpu.memory_space<semaphore_mem>>)
    %dma_start3A_24 = arith.constant 1 : i32
    %dma_start3A_25 = arith.constant 56 : i32
    %dma_start3A_26 = tpu.memref_slice %arg7[%dma_start3A_24, %dma_start3A_25] : memref<128x128xi32, #tpu.memory_space<vmem>> -> memref<1x72xi32, #tpu.memory_space<vmem>>
    %dma_start3A_27 = tpu.memref_squeeze %dma_start3A_26 : memref<1x72xi32, #tpu.memory_space<vmem>> -> memref<72xi32, #tpu.memory_space<vmem>>
    %dma_start3A_28 = arith.constant 0 : i32
    %dma_start3A_29 = arith.constant 0 : i32
    %dma_start3A_30 = tpu.memref_slice %arg4[%dma_start3A_28, %dma_start3A_29] : memref<1000000x64xf32, #tpu.memory_space<hbm>> -> memref<1000000x64xf32, #tpu.memory_space<hbm>>
    tpu.enqueue_indirect_dma source(%dma_start3A_30 : memref<1000000x64xf32, #tpu.memory_space<hbm>>) target(%arg11 : memref<72x64xf32, #tpu.memory_space<vmem>>) offsets(%dma_start3A_27 : memref<72xi32, #tpu.memory_space<vmem>>) semaphore(%arg20 : memref<!tpu.dma_semaphore, #tpu.memory_space<semaphore_mem>>)
    %dma_start3A_31 = arith.constant 2 : i32
    %dma_start3A_32 = arith.constant 0 : i32
    %dma_start3A_33 = tpu.memref_slice %arg6[%dma_start3A_31, %dma_start3A_32] : memref<128x128xi32, #tpu.memory_space<vmem>> -> memref<1x128xi32, #tpu.memory_space<vmem>>
    %dma_start3A_34 = tpu.memref_squeeze %dma_start3A_33 : memref<1x128xi32, #tpu.memory_space<vmem>> -> memref<128xi32, #tpu.memory_space<vmem>>
    %dma_start3A_35 = arith.constant 0 : i32
    %dma_start3A_36 = arith.constant 0 : i32
    %dma_start3A_37 = tpu.memref_slice %arg4[%dma_start3A_35, %dma_start3A_36] : memref<1000000x64xf32, #tpu.memory_space<hbm>> -> memref<1000000x64xf32, #tpu.memory_space<hbm>>
    tpu.enqueue_indirect_dma source(%dma_start3A_37 : memref<1000000x64xf32, #tpu.memory_space<hbm>>) target(%arg12 : memref<128x64xf32, #tpu.memory_space<vmem>>) offsets(%dma_start3A_34 : memref<128xi32, #tpu.memory_space<vmem>>) semaphore(%arg21 : memref<!tpu.dma_semaphore, #tpu.memory_space<semaphore_mem>>)
    %dma_start3A_38 = arith.constant 2 : i32
    %dma_start3A_39 = arith.constant 56 : i32
    %dma_start3A_40 = tpu.memref_slice %arg7[%dma_start3A_38, %dma_start3A_39] : memref<128x128xi32, #tpu.memory_space<vmem>> -> memref<1x72xi32, #tpu.memory_space<vmem>>
    %dma_start3A_41 = tpu.memref_squeeze %dma_start3A_40 : memref<1x72xi32, #tpu.memory_space<vmem>> -> memref<72xi32, #tpu.memory_space<vmem>>
    %dma_start3A_42 = arith.constant 0 : i32
    %dma_start3A_43 = arith.constant 0 : i32
    %dma_start3A_44 = tpu.memref_slice %arg4[%dma_start3A_42, %dma_start3A_43] : memref<1000000x64xf32, #tpu.memory_space<hbm>> -> memref<1000000x64xf32, #tpu.memory_space<hbm>>
    tpu.enqueue_indirect_dma source(%dma_start3A_44 : memref<1000000x64xf32, #tpu.memory_space<hbm>>) target(%arg13 : memref<72x64xf32, #tpu.memory_space<vmem>>) offsets(%dma_start3A_41 : memref<72xi32, #tpu.memory_space<vmem>>) semaphore(%arg22 : memref<!tpu.dma_semaphore, #tpu.memory_space<semaphore_mem>>)
    %dma_start3A_45 = arith.constant 3 : i32
    %dma_start3A_46 = arith.constant 0 : i32
    %dma_start3A_47 = tpu.memref_slice %arg6[%dma_start3A_45, %dma_start3A_46] : memref<128x128xi32, #tpu.memory_space<vmem>> -> memref<1x128xi32, #tpu.memory_space<vmem>>
    %dma_start3A_48 = tpu.memref_squeeze %dma_start3A_47 : memref<1x128xi32, #tpu.memory_space<vmem>> -> memref<128xi32, #tpu.memory_space<vmem>>
    %dma_start3A_49 = arith.constant 0 : i32
    %dma_start3A_50 = arith.constant 0 : i32
    %dma_start3A_51 = tpu.memref_slice %arg4[%dma_start3A_49, %dma_start3A_50] : memref<1000000x64xf32, #tpu.memory_space<hbm>> -> memref<1000000x64xf32, #tpu.memory_space<hbm>>
    tpu.enqueue_indirect_dma source(%dma_start3A_51 : memref<1000000x64xf32, #tpu.memory_space<hbm>>) target(%arg14 : memref<128x64xf32, #tpu.memory_space<vmem>>) offsets(%dma_start3A_48 : memref<128xi32, #tpu.memory_space<vmem>>) semaphore(%arg23 : memref<!tpu.dma_semaphore, #tpu.memory_space<semaphore_mem>>)
    %scan3A = arith.constant 0 : i32
    %scan3A_52 = arith.constant 5.000000e-03 : f32
    %scan3A_53 = arith.constant 0 : i32
    %scan3A_54 = arith.constant 32 : i32
    %scan3A_55 = arith.addi %scan3A_53, %scan3A_54 : i32
    %scan3A_56 = arith.constant 1 : i32
    scf.for %scan3A_106 = %scan3A_53 to %scan3A_55 step %scan3A_56  : i32 {
      %mul3A_107 = arith.constant 8 : i32
      %mul3A_108 = arith.muli %mul3A_107, %scan3A_106 : i32
      %mul3A_109 = arith.constant 4 : i32
      %mul3A_110 = arith.muli %mul3A_109, %scan3A_106 : i32
      %add3A_111 = arith.constant 0 : i32
      %add3A_112 = arith.addi %mul3A_110, %add3A_111 : i32
      %add3A_113 = arith.constant 0 : i32
      %add3A_114 = arith.addi %mul3A_108, %add3A_113 : i32
      %add3A_115 = arith.constant 8 : i32
      %add3A_116 = arith.addi %add3A_114, %add3A_115 : i32
      %sub3A = arith.constant 1 : i32
      %sub3A_117 = arith.subi %add3A_116, %sub3A : i32
      %and3A = arith.constant 255 : i32
      %and3A_118 = arith.andi %sub3A_117, %and3A : i32
      %jit3A = arith.constant 2 : i32
      %div3A = arith.divsi %and3A_118, %jit3A : i32
      %sign3A = arith.constant 0 : i32
      %sign3A_119 = arith.cmpi sgt, %and3A_118, %sign3A : i32
      %sign3A_120 = arith.extui %sign3A_119 : i1 to i32
      %sign3A_121 = arith.constant 0 : i32
      %sign3A_122 = arith.cmpi slt, %and3A_118, %sign3A_121 : i32
      %sign3A_123 = arith.extui %sign3A_122 : i1 to i32
      %sign3A_124 = arith.subi %sign3A_120, %sign3A_123 : i32
      %sign3A_125 = arith.constant 0 : i32
      %sign3A_126 = arith.cmpi sgt, %jit3A, %sign3A_125 : i32
      %sign3A_127 = arith.extui %sign3A_126 : i1 to i32
      %sign3A_128 = arith.constant 0 : i32
      %sign3A_129 = arith.cmpi slt, %jit3A, %sign3A_128 : i32
      %sign3A_130 = arith.extui %sign3A_129 : i1 to i32
      %sign3A_131 = arith.subi %sign3A_127, %sign3A_130 : i32
      %ne3A = arith.cmpi ne, %sign3A_124, %sign3A_131 : i32
      %rem3A = arith.remsi %and3A_118, %jit3A : i32
      %ne3A_132 = arith.constant 0 : i32
      %ne3A_133 = arith.cmpi ne, %rem3A, %ne3A_132 : i32
      %and3A_134 = arith.andi %ne3A, %ne3A_133 : i1
      %sub3A_135 = arith.constant 1 : i32
      %sub3A_136 = arith.subi %div3A, %sub3A_135 : i32
      %select_n3A = arith.select %and3A_134, %sub3A_136, %div3A : i32
      %dma_start3A_137 = arith.constant 56 : i32
      %dma_start3A_138 = tpu.memref_slice %arg7[%select_n3A, %dma_start3A_137] : memref<128x128xi32, #tpu.memory_space<vmem>> -> memref<1x72xi32, #tpu.memory_space<vmem>>
      %dma_start3A_139 = tpu.memref_squeeze %dma_start3A_138 : memref<1x72xi32, #tpu.memory_space<vmem>> -> memref<72xi32, #tpu.memory_space<vmem>>
      %dma_start3A_140 = arith.constant 0 : i32
      %dma_start3A_141 = arith.constant 0 : i32
      %dma_start3A_142 = tpu.memref_slice %arg4[%dma_start3A_140, %dma_start3A_141] : memref<1000000x64xf32, #tpu.memory_space<hbm>> -> memref<1000000x64xf32, #tpu.memory_space<hbm>>
      tpu.enqueue_indirect_dma source(%dma_start3A_142 : memref<1000000x64xf32, #tpu.memory_space<hbm>>) target(%arg15 : memref<72x64xf32, #tpu.memory_space<vmem>>) offsets(%dma_start3A_139 : memref<72xi32, #tpu.memory_space<vmem>>) semaphore(%arg24 : memref<!tpu.dma_semaphore, #tpu.memory_space<semaphore_mem>>)
      %add3A_143 = arith.constant 0 : i32
      %add3A_144 = arith.addi %mul3A_108, %add3A_143 : i32
      %jit3A_145 = arith.constant 2 : i32
      %div3A_146 = arith.divsi %add3A_144, %jit3A_145 : i32
      %sign3A_147 = arith.constant 0 : i32
      %sign3A_148 = arith.cmpi sgt, %add3A_144, %sign3A_147 : i32
      %sign3A_149 = arith.extui %sign3A_148 : i1 to i32
      %sign3A_150 = arith.constant 0 : i32
      %sign3A_151 = arith.cmpi slt, %add3A_144, %sign3A_150 : i32
      %sign3A_152 = arith.extui %sign3A_151 : i1 to i32
      %sign3A_153 = arith.subi %sign3A_149, %sign3A_152 : i32
      %sign3A_154 = arith.constant 0 : i32
      %sign3A_155 = arith.cmpi sgt, %jit3A_145, %sign3A_154 : i32
      %sign3A_156 = arith.extui %sign3A_155 : i1 to i32
      %sign3A_157 = arith.constant 0 : i32
      %sign3A_158 = arith.cmpi slt, %jit3A_145, %sign3A_157 : i32
      %sign3A_159 = arith.extui %sign3A_158 : i1 to i32
      %sign3A_160 = arith.subi %sign3A_156, %sign3A_159 : i32
      %ne3A_161 = arith.cmpi ne, %sign3A_153, %sign3A_160 : i32
      %rem3A_162 = arith.remsi %add3A_144, %jit3A_145 : i32
      %ne3A_163 = arith.constant 0 : i32
      %ne3A_164 = arith.cmpi ne, %rem3A_162, %ne3A_163 : i32
      %and3A_165 = arith.andi %ne3A_161, %ne3A_164 : i1
      %sub3A_166 = arith.constant 1 : i32
      %sub3A_167 = arith.subi %div3A_146, %sub3A_166 : i32
      %select_n3A_168 = arith.select %and3A_165, %sub3A_167, %div3A_146 : i32
      %dma_wait3A_169 = arith.constant 0 : i32
      %dma_wait3A_170 = tpu.memref_slice %arg6[%select_n3A_168, %dma_wait3A_169] : memref<128x128xi32, #tpu.memory_space<vmem>> -> memref<1x128xi32, #tpu.memory_space<vmem>>
      %dma_wait3A_171 = tpu.memref_squeeze %dma_wait3A_170 : memref<1x128xi32, #tpu.memory_space<vmem>> -> memref<128xi32, #tpu.memory_space<vmem>>
      %dma_wait3A_172 = arith.constant 0 : i32
      %dma_wait3A_173 = arith.constant 0 : i32
      %dma_wait3A_174 = tpu.memref_slice %arg4[%dma_wait3A_172, %dma_wait3A_173] : memref<1000000x64xf32, #tpu.memory_space<hbm>> -> memref<1000000x64xf32, #tpu.memory_space<hbm>>
      tpu.wait_indirect_dma semaphore(%arg17 : memref<!tpu.dma_semaphore, #tpu.memory_space<semaphore_mem>>) src(%dma_wait3A_174 : memref<1000000x64xf32, #tpu.memory_space<hbm>>) dst(%arg8 : memref<128x64xf32, #tpu.memory_space<vmem>>)
      %scan3A_175 = arith.constant 0 : i32
      %scan3A_176 = arith.constant 16 : i32
      %scan3A_177 = arith.addi %scan3A_175, %scan3A_176 : i32
      %scan3A_178 = arith.constant 1 : i32
      %scan3A_179:8 = scf.for %scan3A_852 = %scan3A_175 to %scan3A_177 step %scan3A_178 iter_args(%scan3A_853 = %broadcast_in_dim3A_3, %scan3A_854 = %broadcast_in_dim3A_3, %scan3A_855 = %broadcast_in_dim3A_3, %scan3A_856 = %broadcast_in_dim3A_3, %scan3A_857 = %broadcast_in_dim3A_3, %scan3A_858 = %broadcast_in_dim3A_3, %scan3A_859 = %broadcast_in_dim3A_3, %scan3A_860 = %broadcast_in_dim3A_3) -> (vector<16xf32>, vector<16xf32>, vector<16xf32>, vector<16xf32>, vector<16xf32>, vector<16xf32>, vector<16xf32>, vector<16xf32>)  : i32 {
        %mul3A_861 = arith.constant 8 : i32
        %mul3A_862 = arith.muli %scan3A_852, %mul3A_861 : i32
        %add3A_863 = arith.constant 0 : i32
        %add3A_864 = arith.addi %mul3A_862, %add3A_863 : i32
        %get3A = arith.index_cast %add3A_864 : i32 to index
        %get3A_865 = arith.constant 0 : index
        %get3A_866 = tpu.vector_load %arg8[%get3A, %get3A_865] {strides = array<i32>} : memref<128x64xf32, #tpu.memory_space<vmem>>, vector<1x16xf32>,
        %get3A_867 = vector.shape_cast %get3A_866 : vector<1x16xf32> to vector<16xf32>
        %add3A_868 = arith.addf %scan3A_853, %get3A_867 : vector<16xf32>
        %get3A_869 = arith.index_cast %add3A_864 : i32 to index
        %get3A_870 = arith.constant 16 : index
        %get3A_871 = tpu.vector_load %arg8[%get3A_869, %get3A_870] {strides = array<i32>} : memref<128x64xf32, #tpu.memory_space<vmem>>, vector<1x16xf32>,
        %get3A_872 = vector.shape_cast %get3A_871 : vector<1x16xf32> to vector<16xf32>
        %add3A_873 = arith.addf %scan3A_854, %get3A_872 : vector<16xf32>
        %get3A_874 = arith.index_cast %add3A_864 : i32 to index
        %get3A_875 = arith.constant 32 : index
        %get3A_876 = tpu.vector_load %arg8[%get3A_874, %get3A_875] {strides = array<i32>} : memref<128x64xf32, #tpu.memory_space<vmem>>, vector<1x16xf32>,
        %get3A_877 = vector.shape_cast %get3A_876 : vector<1x16xf32> to vector<16xf32>
        %add3A_878 = arith.addf %scan3A_855, %get3A_877 : vector<16xf32>
        %get3A_879 = arith.index_cast %add3A_864 : i32 to index
        %get3A_880 = arith.constant 48 : index
        %get3A_881 = tpu.vector_load %arg8[%get3A_879, %get3A_880] {strides = array<i32>} : memref<128x64xf32, #tpu.memory_space<vmem>>, vector<1x16xf32>,
        %get3A_882 = vector.shape_cast %get3A_881 : vector<1x16xf32> to vector<16xf32>
        %add3A_883 = arith.addf %scan3A_856, %get3A_882 : vector<16xf32>
        %mul3A_884 = arith.constant 8 : i32
        %mul3A_885 = arith.muli %scan3A_852, %mul3A_884 : i32
        %add3A_886 = arith.constant 1 : i32
        %add3A_887 = arith.addi %mul3A_885, %add3A_886 : i32
        %get3A_888 = arith.index_cast %add3A_887 : i32 to index
        %get3A_889 = arith.constant 0 : index
        %get3A_890 = tpu.vector_load %arg8[%get3A_888, %get3A_889] {strides = array<i32>} : memref<128x64xf32, #tpu.memory_space<vmem>>, vector<1x16xf32>,
        %get3A_891 = vector.shape_cast %get3A_890 : vector<1x16xf32> to vector<16xf32>
        %add3A_892 = arith.addf %scan3A_857, %get3A_891 : vector<16xf32>
        %get3A_893 = arith.index_cast %add3A_887 : i32 to index
        %get3A_894 = arith.constant 16 : index
        %get3A_895 = tpu.vector_load %arg8[%get3A_893, %get3A_894] {strides = array<i32>} : memref<128x64xf32, #tpu.memory_space<vmem>>, vector<1x16xf32>,
        %get3A_896 = vector.shape_cast %get3A_895 : vector<1x16xf32> to vector<16xf32>
        %add3A_897 = arith.addf %scan3A_858, %get3A_896 : vector<16xf32>
        %get3A_898 = arith.index_cast %add3A_887 : i32 to index
        %get3A_899 = arith.constant 32 : index
        %get3A_900 = tpu.vector_load %arg8[%get3A_898, %get3A_899] {strides = array<i32>} : memref<128x64xf32, #tpu.memory_space<vmem>>, vector<1x16xf32>,
        %get3A_901 = vector.shape_cast %get3A_900 : vector<1x16xf32> to vector<16xf32>
        %add3A_902 = arith.addf %scan3A_859, %get3A_901 : vector<16xf32>
        %get3A_903 = arith.index_cast %add3A_887 : i32 to index
        %get3A_904 = arith.constant 48 : index
        %get3A_905 = tpu.vector_load %arg8[%get3A_903, %get3A_904] {strides = array<i32>} : memref<128x64xf32, #tpu.memory_space<vmem>>, vector<1x16xf32>,
        %get3A_906 = vector.shape_cast %get3A_905 : vector<1x16xf32> to vector<16xf32>
        %add3A_907 = arith.addf %scan3A_860, %get3A_906 : vector<16xf32>
        %mul3A_908 = arith.constant 8 : i32
        %mul3A_909 = arith.muli %scan3A_852, %mul3A_908 : i32
        %add3A_910 = arith.constant 2 : i32
        %add3A_911 = arith.addi %mul3A_909, %add3A_910 : i32
        %get3A_912 = arith.index_cast %add3A_911 : i32 to index
        %get3A_913 = arith.constant 0 : index
        %get3A_914 = tpu.vector_load %arg8[%get3A_912, %get3A_913] {strides = array<i32>} : memref<128x64xf32, #tpu.memory_space<vmem>>, vector<1x16xf32>,
        %get3A_915 = vector.shape_cast %get3A_914 : vector<1x16xf32> to vector<16xf32>
        %add3A_916 = arith.addf %add3A_868, %get3A_915 : vector<16xf32>
        %get3A_917 = arith.index_cast %add3A_911 : i32 to index
        %get3A_918 = arith.constant 16 : index
        %get3A_919 = tpu.vector_load %arg8[%get3A_917, %get3A_918] {strides = array<i32>} : memref<128x64xf32, #tpu.memory_space<vmem>>, vector<1x16xf32>,
        %get3A_920 = vector.shape_cast %get3A_919 : vector<1x16xf32> to vector<16xf32>
        %add3A_921 = arith.addf %add3A_873, %get3A_920 : vector<16xf32>
        %get3A_922 = arith.index_cast %add3A_911 : i32 to index
        %get3A_923 = arith.constant 32 : index
        %get3A_924 = tpu.vector_load %arg8[%get3A_922, %get3A_923] {strides = array<i32>} : memref<128x64xf32, #tpu.memory_space<vmem>>, vector<1x16xf32>,
        %get3A_925 = vector.shape_cast %get3A_924 : vector<1x16xf32> to vector<16xf32>
        %add3A_926 = arith.addf %add3A_878, %get3A_925 : vector<16xf32>
        %get3A_927 = arith.index_cast %add3A_911 : i32 to index
        %get3A_928 = arith.constant 48 : index
        %get3A_929 = tpu.vector_load %arg8[%get3A_927, %get3A_928] {strides = array<i32>} : memref<128x64xf32, #tpu.memory_space<vmem>>, vector<1x16xf32>,
        %get3A_930 = vector.shape_cast %get3A_929 : vector<1x16xf32> to vector<16xf32>
        %add3A_931 = arith.addf %add3A_883, %get3A_930 : vector<16xf32>
        %mul3A_932 = arith.constant 8 : i32
        %mul3A_933 = arith.muli %scan3A_852, %mul3A_932 : i32
        %add3A_934 = arith.constant 3 : i32
        %add3A_935 = arith.addi %mul3A_933, %add3A_934 : i32
        %get3A_936 = arith.index_cast %add3A_935 : i32 to index
        %get3A_937 = arith.constant 0 : index
        %get3A_938 = tpu.vector_load %arg8[%get3A_936, %get3A_937] {strides = array<i32>} : memref<128x64xf32, #tpu.memory_space<vmem>>, vector<1x16xf32>,
        %get3A_939 = vector.shape_cast %get3A_938 : vector<1x16xf32> to vector<16xf32>
        %add3A_940 = arith.addf %add3A_892, %get3A_939 : vector<16xf32>
        %get3A_941 = arith.index_cast %add3A_935 : i32 to index
        %get3A_942 = arith.constant 16 : index
        %get3A_943 = tpu.vector_load %arg8[%get3A_941, %get3A_942] {strides = array<i32>} : memref<128x64xf32, #tpu.memory_space<vmem>>, vector<1x16xf32>,
        %get3A_944 = vector.shape_cast %get3A_943 : vector<1x16xf32> to vector<16xf32>
        %add3A_945 = arith.addf %add3A_897, %get3A_944 : vector<16xf32>
        %get3A_946 = arith.index_cast %add3A_935 : i32 to index
        %get3A_947 = arith.constant 32 : index
        %get3A_948 = tpu.vector_load %arg8[%get3A_946, %get3A_947] {strides = array<i32>} : memref<128x64xf32, #tpu.memory_space<vmem>>, vector<1x16xf32>,
        %get3A_949 = vector.shape_cast %get3A_948 : vector<1x16xf32> to vector<16xf32>
        %add3A_950 = arith.addf %add3A_902, %get3A_949 : vector<16xf32>
        %get3A_951 = arith.index_cast %add3A_935 : i32 to index
        %get3A_952 = arith.constant 48 : index
        %get3A_953 = tpu.vector_load %arg8[%get3A_951, %get3A_952] {strides = array<i32>} : memref<128x64xf32, #tpu.memory_space<vmem>>, vector<1x16xf32>,
        %get3A_954 = vector.shape_cast %get3A_953 : vector<1x16xf32> to vector<16xf32>
        %add3A_955 = arith.addf %add3A_907, %get3A_954 : vector<16xf32>
        %mul3A_956 = arith.constant 8 : i32
        %mul3A_957 = arith.muli %scan3A_852, %mul3A_956 : i32
        %add3A_958 = arith.constant 4 : i32
        %add3A_959 = arith.addi %mul3A_957, %add3A_958 : i32
        %get3A_960 = arith.index_cast %add3A_959 : i32 to index
        %get3A_961 = arith.constant 0 : index
        %get3A_962 = tpu.vector_load %arg8[%get3A_960, %get3A_961] {strides = array<i32>} : memref<128x64xf32, #tpu.memory_space<vmem>>, vector<1x16xf32>,
        %get3A_963 = vector.shape_cast %get3A_962 : vector<1x16xf32> to vector<16xf32>
        %add3A_964 = arith.addf %add3A_916, %get3A_963 : vector<16xf32>
        %get3A_965 = arith.index_cast %add3A_959 : i32 to index
        %get3A_966 = arith.constant 16 : index
        %get3A_967 = tpu.vector_load %arg8[%get3A_965, %get3A_966] {strides = array<i32>} : memref<128x64xf32, #tpu.memory_space<vmem>>, vector<1x16xf32>,
        %get3A_968 = vector.shape_cast %get3A_967 : vector<1x16xf32> to vector<16xf32>
        %add3A_969 = arith.addf %add3A_921, %get3A_968 : vector<16xf32>
        %get3A_970 = arith.index_cast %add3A_959 : i32 to index
        %get3A_971 = arith.constant 32 : index
        %get3A_972 = tpu.vector_load %arg8[%get3A_970, %get3A_971] {strides = array<i32>} : memref<128x64xf32, #tpu.memory_space<vmem>>, vector<1x16xf32>,
        %get3A_973 = vector.shape_cast %get3A_972 : vector<1x16xf32> to vector<16xf32>
        %add3A_974 = arith.addf %add3A_926, %get3A_973 : vector<16xf32>
        %get3A_975 = arith.index_cast %add3A_959 : i32 to index
        %get3A_976 = arith.constant 48 : index
        %get3A_977 = tpu.vector_load %arg8[%get3A_975, %get3A_976] {strides = array<i32>} : memref<128x64xf32, #tpu.memory_space<vmem>>, vector<1x16xf32>,
        %get3A_978 = vector.shape_cast %get3A_977 : vector<1x16xf32> to vector<16xf32>
        %add3A_979 = arith.addf %add3A_931, %get3A_978 : vector<16xf32>
        %mul3A_980 = arith.constant 8 : i32
        %mul3A_981 = arith.muli %scan3A_852, %mul3A_980 : i32
        %add3A_982 = arith.constant 5 : i32
        %add3A_983 = arith.addi %mul3A_981, %add3A_982 : i32
        %get3A_984 = arith.index_cast %add3A_983 : i32 to index
        %get3A_985 = arith.constant 0 : index
        %get3A_986 = tpu.vector_load %arg8[%get3A_984, %get3A_985] {strides = array<i32>} : memref<128x64xf32, #tpu.memory_space<vmem>>, vector<1x16xf32>,
        %get3A_987 = vector.shape_cast %get3A_986 : vector<1x16xf32> to vector<16xf32>
        %add3A_988 = arith.addf %add3A_940, %get3A_987 : vector<16xf32>
        %get3A_989 = arith.index_cast %add3A_983 : i32 to index
        %get3A_990 = arith.constant 16 : index
        %get3A_991 = tpu.vector_load %arg8[%get3A_989, %get3A_990] {strides = array<i32>} : memref<128x64xf32, #tpu.memory_space<vmem>>, vector<1x16xf32>,
        %get3A_992 = vector.shape_cast %get3A_991 : vector<1x16xf32> to vector<16xf32>
        %add3A_993 = arith.addf %add3A_945, %get3A_992 : vector<16xf32>
        %get3A_994 = arith.index_cast %add3A_983 : i32 to index
        %get3A_995 = arith.constant 32 : index
        %get3A_996 = tpu.vector_load %arg8[%get3A_994, %get3A_995] {strides = array<i32>} : memref<128x64xf32, #tpu.memory_space<vmem>>, vector<1x16xf32>,
        %get3A_997 = vector.shape_cast %get3A_996 : vector<1x16xf32> to vector<16xf32>
        %add3A_998 = arith.addf %add3A_950, %get3A_997 : vector<16xf32>
        %get3A_999 = arith.index_cast %add3A_983 : i32 to index
        %get3A_1000 = arith.constant 48 : index
        %get3A_1001 = tpu.vector_load %arg8[%get3A_999, %get3A_1000] {strides = array<i32>} : memref<128x64xf32, #tpu.memory_space<vmem>>, vector<1x16xf32>,
        %get3A_1002 = vector.shape_cast %get3A_1001 : vector<1x16xf32> to vector<16xf32>
        %add3A_1003 = arith.addf %add3A_955, %get3A_1002 : vector<16xf32>
        %mul3A_1004 = arith.constant 8 : i32
        %mul3A_1005 = arith.muli %scan3A_852, %mul3A_1004 : i32
        %add3A_1006 = arith.constant 6 : i32
        %add3A_1007 = arith.addi %mul3A_1005, %add3A_1006 : i32
        %get3A_1008 = arith.index_cast %add3A_1007 : i32 to index
        %get3A_1009 = arith.constant 0 : index
        %get3A_1010 = tpu.vector_load %arg8[%get3A_1008, %get3A_1009] {strides = array<i32>} : memref<128x64xf32, #tpu.memory_space<vmem>>, vector<1x16xf32>,
        %get3A_1011 = vector.shape_cast %get3A_1010 : vector<1x16xf32> to vector<16xf32>
        %add3A_1012 = arith.addf %add3A_964, %get3A_1011 : vector<16xf32>
        %get3A_1013 = arith.index_cast %add3A_1007 : i32 to index
        %get3A_1014 = arith.constant 16 : index
        %get3A_1015 = tpu.vector_load %arg8[%get3A_1013, %get3A_1014] {strides = array<i32>} : memref<128x64xf32, #tpu.memory_space<vmem>>, vector<1x16xf32>,
        %get3A_1016 = vector.shape_cast %get3A_1015 : vector<1x16xf32> to vector<16xf32>
        %add3A_1017 = arith.addf %add3A_969, %get3A_1016 : vector<16xf32>
        %get3A_1018 = arith.index_cast %add3A_1007 : i32 to index
        %get3A_1019 = arith.constant 32 : index
        %get3A_1020 = tpu.vector_load %arg8[%get3A_1018, %get3A_1019] {strides = array<i32>} : memref<128x64xf32, #tpu.memory_space<vmem>>, vector<1x16xf32>,
        %get3A_1021 = vector.shape_cast %get3A_1020 : vector<1x16xf32> to vector<16xf32>
        %add3A_1022 = arith.addf %add3A_974, %get3A_1021 : vector<16xf32>
        %get3A_1023 = arith.index_cast %add3A_1007 : i32 to index
        %get3A_1024 = arith.constant 48 : index
        %get3A_1025 = tpu.vector_load %arg8[%get3A_1023, %get3A_1024] {strides = array<i32>} : memref<128x64xf32, #tpu.memory_space<vmem>>, vector<1x16xf32>,
        %get3A_1026 = vector.shape_cast %get3A_1025 : vector<1x16xf32> to vector<16xf32>
        %add3A_1027 = arith.addf %add3A_979, %get3A_1026 : vector<16xf32>
        %mul3A_1028 = arith.constant 8 : i32
        %mul3A_1029 = arith.muli %scan3A_852, %mul3A_1028 : i32
        %add3A_1030 = arith.constant 7 : i32
        %add3A_1031 = arith.addi %mul3A_1029, %add3A_1030 : i32
        %get3A_1032 = arith.index_cast %add3A_1031 : i32 to index
        %get3A_1033 = arith.constant 0 : index
        %get3A_1034 = tpu.vector_load %arg8[%get3A_1032, %get3A_1033] {strides = array<i32>} : memref<128x64xf32, #tpu.memory_space<vmem>>, vector<1x16xf32>,
        %get3A_1035 = vector.shape_cast %get3A_1034 : vector<1x16xf32> to vector<16xf32>
        %add3A_1036 = arith.addf %add3A_988, %get3A_1035 : vector<16xf32>
        %get3A_1037 = arith.index_cast %add3A_1031 : i32 to index
        %get3A_1038 = arith.constant 16 : index
        %get3A_1039 = tpu.vector_load %arg8[%get3A_1037, %get3A_1038] {strides = array<i32>} : memref<128x64xf32, #tpu.memory_space<vmem>>, vector<1x16xf32>,
        %get3A_1040 = vector.shape_cast %get3A_1039 : vector<1x16xf32> to vector<16xf32>
        %add3A_1041 = arith.addf %add3A_993, %get3A_1040 : vector<16xf32>
        %get3A_1042 = arith.index_cast %add3A_1031 : i32 to index
        %get3A_1043 = arith.constant 32 : index
        %get3A_1044 = tpu.vector_load %arg8[%get3A_1042, %get3A_1043] {strides = array<i32>} : memref<128x64xf32, #tpu.memory_space<vmem>>, vector<1x16xf32>,
        %get3A_1045 = vector.shape_cast %get3A_1044 : vector<1x16xf32> to vector<16xf32>
        %add3A_1046 = arith.addf %add3A_998, %get3A_1045 : vector<16xf32>
        %get3A_1047 = arith.index_cast %add3A_1031 : i32 to index
        %get3A_1048 = arith.constant 48 : index
        %get3A_1049 = tpu.vector_load %arg8[%get3A_1047, %get3A_1048] {strides = array<i32>} : memref<128x64xf32, #tpu.memory_space<vmem>>, vector<1x16xf32>,
        %get3A_1050 = vector.shape_cast %get3A_1049 : vector<1x16xf32> to vector<16xf32>
        %add3A_1051 = arith.addf %add3A_1003, %get3A_1050 : vector<16xf32>
        scf.yield %add3A_1012, %add3A_1017, %add3A_1022, %add3A_1027, %add3A_1036, %add3A_1041, %add3A_1046, %add3A_1051 : vector<16xf32>, vector<16xf32>, vector<16xf32>, vector<16xf32>, vector<16xf32>, vector<16xf32>, vector<16xf32>, vector<16xf32>
      }
      %scan3A_180 = arith.constant 16 : i32
      %add3A_181 = arith.constant 1 : i32
      %add3A_182 = arith.addi %mul3A_108, %add3A_181 : i32
      %add3A_183 = arith.constant 8 : i32
      %add3A_184 = arith.addi %add3A_182, %add3A_183 : i32
      %sub3A_185 = arith.constant 1 : i32
      %sub3A_186 = arith.subi %add3A_184, %sub3A_185 : i32
      %and3A_187 = arith.constant 255 : i32
      %and3A_188 = arith.andi %sub3A_186, %and3A_187 : i32
      %jit3A_189 = arith.constant 2 : i32
      %div3A_190 = arith.divsi %and3A_188, %jit3A_189 : i32
      %sign3A_191 = arith.constant 0 : i32
      %sign3A_192 = arith.cmpi sgt, %and3A_188, %sign3A_191 : i32
      %sign3A_193 = arith.extui %sign3A_192 : i1 to i32
      %sign3A_194 = arith.constant 0 : i32
      %sign3A_195 = arith.cmpi slt, %and3A_188, %sign3A_194 : i32
      %sign3A_196 = arith.extui %sign3A_195 : i1 to i32
      %sign3A_197 = arith.subi %sign3A_193, %sign3A_196 : i32
      %sign3A_198 = arith.constant 0 : i32
      %sign3A_199 = arith.cmpi sgt, %jit3A_189, %sign3A_198 : i32
      %sign3A_200 = arith.extui %sign3A_199 : i1 to i32
      %sign3A_201 = arith.constant 0 : i32
      %sign3A_202 = arith.cmpi slt, %jit3A_189, %sign3A_201 : i32
      %sign3A_203 = arith.extui %sign3A_202 : i1 to i32
      %sign3A_204 = arith.subi %sign3A_200, %sign3A_203 : i32
      %ne3A_205 = arith.cmpi ne, %sign3A_197, %sign3A_204 : i32
      %rem3A_206 = arith.remsi %and3A_188, %jit3A_189 : i32
      %ne3A_207 = arith.constant 0 : i32
      %ne3A_208 = arith.cmpi ne, %rem3A_206, %ne3A_207 : i32
      %and3A_209 = arith.andi %ne3A_205, %ne3A_208 : i1
      %sub3A_210 = arith.constant 1 : i32
      %sub3A_211 = arith.subi %div3A_190, %sub3A_210 : i32
      %select_n3A_212 = arith.select %and3A_209, %sub3A_211, %div3A_190 : i32
      %dma_start3A_213 = arith.constant 0 : i32
      %dma_start3A_214 = tpu.memref_slice %arg6[%select_n3A_212, %dma_start3A_213] : memref<128x128xi32, #tpu.memory_space<vmem>> -> memref<1x128xi32, #tpu.memory_space<vmem>>
      %dma_start3A_215 = tpu.memref_squeeze %dma_start3A_214 : memref<1x128xi32, #tpu.memory_space<vmem>> -> memref<128xi32, #tpu.memory_space<vmem>>
      %dma_start3A_216 = arith.constant 0 : i32
      %dma_start3A_217 = arith.constant 0 : i32
      %dma_start3A_218 = tpu.memref_slice %arg4[%dma_start3A_216, %dma_start3A_217] : memref<1000000x64xf32, #tpu.memory_space<hbm>> -> memref<1000000x64xf32, #tpu.memory_space<hbm>>
      tpu.enqueue_indirect_dma source(%dma_start3A_218 : memref<1000000x64xf32, #tpu.memory_space<hbm>>) target(%arg8 : memref<128x64xf32, #tpu.memory_space<vmem>>) offsets(%dma_start3A_215 : memref<128xi32, #tpu.memory_space<vmem>>) semaphore(%arg17 : memref<!tpu.dma_semaphore, #tpu.memory_space<semaphore_mem>>)
      %add3A_219 = arith.constant 1 : i32
      %add3A_220 = arith.addi %mul3A_108, %add3A_219 : i32
      %jit3A_221 = arith.constant 2 : i32
      %div3A_222 = arith.divsi %add3A_220, %jit3A_221 : i32
      %sign3A_223 = arith.constant 0 : i32
      %sign3A_224 = arith.cmpi sgt, %add3A_220, %sign3A_223 : i32
      %sign3A_225 = arith.extui %sign3A_224 : i1 to i32
      %sign3A_226 = arith.constant 0 : i32
      %sign3A_227 = arith.cmpi slt, %add3A_220, %sign3A_226 : i32
      %sign3A_228 = arith.extui %sign3A_227 : i1 to i32
      %sign3A_229 = arith.subi %sign3A_225, %sign3A_228 : i32
      %sign3A_230 = arith.constant 0 : i32
      %sign3A_231 = arith.cmpi sgt, %jit3A_221, %sign3A_230 : i32
      %sign3A_232 = arith.extui %sign3A_231 : i1 to i32
      %sign3A_233 = arith.constant 0 : i32
      %sign3A_234 = arith.cmpi slt, %jit3A_221, %sign3A_233 : i32
      %sign3A_235 = arith.extui %sign3A_234 : i1 to i32
      %sign3A_236 = arith.subi %sign3A_232, %sign3A_235 : i32
      %ne3A_237 = arith.cmpi ne, %sign3A_229, %sign3A_236 : i32
      %rem3A_238 = arith.remsi %add3A_220, %jit3A_221 : i32
      %ne3A_239 = arith.constant 0 : i32
      %ne3A_240 = arith.cmpi ne, %rem3A_238, %ne3A_239 : i32
      %and3A_241 = arith.andi %ne3A_237, %ne3A_240 : i1
      %sub3A_242 = arith.constant 1 : i32
      %sub3A_243 = arith.subi %div3A_222, %sub3A_242 : i32
      %select_n3A_244 = arith.select %and3A_241, %sub3A_243, %div3A_222 : i32
      %dma_wait3A_245 = arith.constant 56 : i32
      %dma_wait3A_246 = tpu.memref_slice %arg7[%select_n3A_244, %dma_wait3A_245] : memref<128x128xi32, #tpu.memory_space<vmem>> -> memref<1x72xi32, #tpu.memory_space<vmem>>
      %dma_wait3A_247 = tpu.memref_squeeze %dma_wait3A_246 : memref<1x72xi32, #tpu.memory_space<vmem>> -> memref<72xi32, #tpu.memory_space<vmem>>
      %dma_wait3A_248 = arith.constant 0 : i32
      %dma_wait3A_249 = arith.constant 0 : i32
      %dma_wait3A_250 = tpu.memref_slice %arg4[%dma_wait3A_248, %dma_wait3A_249] : memref<1000000x64xf32, #tpu.memory_space<hbm>> -> memref<1000000x64xf32, #tpu.memory_space<hbm>>
      tpu.wait_indirect_dma semaphore(%arg18 : memref<!tpu.dma_semaphore, #tpu.memory_space<semaphore_mem>>) src(%dma_wait3A_250 : memref<1000000x64xf32, #tpu.memory_space<hbm>>) dst(%arg9 : memref<72x64xf32, #tpu.memory_space<vmem>>)
      %scan3A_251 = arith.constant 0 : i32
      %scan3A_252 = arith.constant 9 : i32
      %scan3A_253 = arith.addi %scan3A_251, %scan3A_252 : i32
      %scan3A_254 = arith.constant 1 : i32
      %scan3A_255:8 = scf.for %scan3A_852 = %scan3A_251 to %scan3A_253 step %scan3A_254 iter_args(%scan3A_853 = %scan3A_179#0, %scan3A_854 = %scan3A_179#1, %scan3A_855 = %scan3A_179#2, %scan3A_856 = %scan3A_179#3, %scan3A_857 = %scan3A_179#4, %scan3A_858 = %scan3A_179#5, %scan3A_859 = %scan3A_179#6, %scan3A_860 = %scan3A_179#7) -> (vector<16xf32>, vector<16xf32>, vector<16xf32>, vector<16xf32>, vector<16xf32>, vector<16xf32>, vector<16xf32>, vector<16xf32>)  : i32 {
        %mul3A_861 = arith.constant 8 : i32
        %mul3A_862 = arith.muli %scan3A_852, %mul3A_861 : i32
        %add3A_863 = arith.constant 0 : i32
        %add3A_864 = arith.addi %mul3A_862, %add3A_863 : i32
        %get3A = arith.index_cast %add3A_864 : i32 to index
        %get3A_865 = arith.constant 0 : index
        %get3A_866 = tpu.vector_load %arg9[%get3A, %get3A_865] {strides = array<i32>} : memref<72x64xf32, #tpu.memory_space<vmem>>, vector<1x16xf32>,
        %get3A_867 = vector.shape_cast %get3A_866 : vector<1x16xf32> to vector<16xf32>
        %add3A_868 = arith.addf %scan3A_853, %get3A_867 : vector<16xf32>
        %get3A_869 = arith.index_cast %add3A_864 : i32 to index
        %get3A_870 = arith.constant 16 : index
        %get3A_871 = tpu.vector_load %arg9[%get3A_869, %get3A_870] {strides = array<i32>} : memref<72x64xf32, #tpu.memory_space<vmem>>, vector<1x16xf32>,
        %get3A_872 = vector.shape_cast %get3A_871 : vector<1x16xf32> to vector<16xf32>
        %add3A_873 = arith.addf %scan3A_854, %get3A_872 : vector<16xf32>
        %get3A_874 = arith.index_cast %add3A_864 : i32 to index
        %get3A_875 = arith.constant 32 : index
        %get3A_876 = tpu.vector_load %arg9[%get3A_874, %get3A_875] {strides = array<i32>} : memref<72x64xf32, #tpu.memory_space<vmem>>, vector<1x16xf32>,
        %get3A_877 = vector.shape_cast %get3A_876 : vector<1x16xf32> to vector<16xf32>
        %add3A_878 = arith.addf %scan3A_855, %get3A_877 : vector<16xf32>
        %get3A_879 = arith.index_cast %add3A_864 : i32 to index
        %get3A_880 = arith.constant 48 : index
        %get3A_881 = tpu.vector_load %arg9[%get3A_879, %get3A_880] {strides = array<i32>} : memref<72x64xf32, #tpu.memory_space<vmem>>, vector<1x16xf32>,
        %get3A_882 = vector.shape_cast %get3A_881 : vector<1x16xf32> to vector<16xf32>
        %add3A_883 = arith.addf %scan3A_856, %get3A_882 : vector<16xf32>
        %mul3A_884 = arith.constant 8 : i32
        %mul3A_885 = arith.muli %scan3A_852, %mul3A_884 : i32
        %add3A_886 = arith.constant 1 : i32
        %add3A_887 = arith.addi %mul3A_885, %add3A_886 : i32
        %get3A_888 = arith.index_cast %add3A_887 : i32 to index
        %get3A_889 = arith.constant 0 : index
        %get3A_890 = tpu.vector_load %arg9[%get3A_888, %get3A_889] {strides = array<i32>} : memref<72x64xf32, #tpu.memory_space<vmem>>, vector<1x16xf32>,
        %get3A_891 = vector.shape_cast %get3A_890 : vector<1x16xf32> to vector<16xf32>
        %add3A_892 = arith.addf %scan3A_857, %get3A_891 : vector<16xf32>
        %get3A_893 = arith.index_cast %add3A_887 : i32 to index
        %get3A_894 = arith.constant 16 : index
        %get3A_895 = tpu.vector_load %arg9[%get3A_893, %get3A_894] {strides = array<i32>} : memref<72x64xf32, #tpu.memory_space<vmem>>, vector<1x16xf32>,
        %get3A_896 = vector.shape_cast %get3A_895 : vector<1x16xf32> to vector<16xf32>
        %add3A_897 = arith.addf %scan3A_858, %get3A_896 : vector<16xf32>
        %get3A_898 = arith.index_cast %add3A_887 : i32 to index
        %get3A_899 = arith.constant 32 : index
        %get3A_900 = tpu.vector_load %arg9[%get3A_898, %get3A_899] {strides = array<i32>} : memref<72x64xf32, #tpu.memory_space<vmem>>, vector<1x16xf32>,
        %get3A_901 = vector.shape_cast %get3A_900 : vector<1x16xf32> to vector<16xf32>
        %add3A_902 = arith.addf %scan3A_859, %get3A_901 : vector<16xf32>
        %get3A_903 = arith.index_cast %add3A_887 : i32 to index
        %get3A_904 = arith.constant 48 : index
        %get3A_905 = tpu.vector_load %arg9[%get3A_903, %get3A_904] {strides = array<i32>} : memref<72x64xf32, #tpu.memory_space<vmem>>, vector<1x16xf32>,
        %get3A_906 = vector.shape_cast %get3A_905 : vector<1x16xf32> to vector<16xf32>
        %add3A_907 = arith.addf %scan3A_860, %get3A_906 : vector<16xf32>
        %mul3A_908 = arith.constant 8 : i32
        %mul3A_909 = arith.muli %scan3A_852, %mul3A_908 : i32
        %add3A_910 = arith.constant 2 : i32
        %add3A_911 = arith.addi %mul3A_909, %add3A_910 : i32
        %get3A_912 = arith.index_cast %add3A_911 : i32 to index
        %get3A_913 = arith.constant 0 : index
        %get3A_914 = tpu.vector_load %arg9[%get3A_912, %get3A_913] {strides = array<i32>} : memref<72x64xf32, #tpu.memory_space<vmem>>, vector<1x16xf32>,
        %get3A_915 = vector.shape_cast %get3A_914 : vector<1x16xf32> to vector<16xf32>
        %add3A_916 = arith.addf %add3A_868, %get3A_915 : vector<16xf32>
        %get3A_917 = arith.index_cast %add3A_911 : i32 to index
        %get3A_918 = arith.constant 16 : index
        %get3A_919 = tpu.vector_load %arg9[%get3A_917, %get3A_918] {strides = array<i32>} : memref<72x64xf32, #tpu.memory_space<vmem>>, vector<1x16xf32>,
        %get3A_920 = vector.shape_cast %get3A_919 : vector<1x16xf32> to vector<16xf32>
        %add3A_921 = arith.addf %add3A_873, %get3A_920 : vector<16xf32>
        %get3A_922 = arith.index_cast %add3A_911 : i32 to index
        %get3A_923 = arith.constant 32 : index
        %get3A_924 = tpu.vector_load %arg9[%get3A_922, %get3A_923] {strides = array<i32>} : memref<72x64xf32, #tpu.memory_space<vmem>>, vector<1x16xf32>,
        %get3A_925 = vector.shape_cast %get3A_924 : vector<1x16xf32> to vector<16xf32>
        %add3A_926 = arith.addf %add3A_878, %get3A_925 : vector<16xf32>
        %get3A_927 = arith.index_cast %add3A_911 : i32 to index
        %get3A_928 = arith.constant 48 : index
        %get3A_929 = tpu.vector_load %arg9[%get3A_927, %get3A_928] {strides = array<i32>} : memref<72x64xf32, #tpu.memory_space<vmem>>, vector<1x16xf32>,
        %get3A_930 = vector.shape_cast %get3A_929 : vector<1x16xf32> to vector<16xf32>
        %add3A_931 = arith.addf %add3A_883, %get3A_930 : vector<16xf32>
        %mul3A_932 = arith.constant 8 : i32
        %mul3A_933 = arith.muli %scan3A_852, %mul3A_932 : i32
        %add3A_934 = arith.constant 3 : i32
        %add3A_935 = arith.addi %mul3A_933, %add3A_934 : i32
        %get3A_936 = arith.index_cast %add3A_935 : i32 to index
        %get3A_937 = arith.constant 0 : index
        %get3A_938 = tpu.vector_load %arg9[%get3A_936, %get3A_937] {strides = array<i32>} : memref<72x64xf32, #tpu.memory_space<vmem>>, vector<1x16xf32>,
        %get3A_939 = vector.shape_cast %get3A_938 : vector<1x16xf32> to vector<16xf32>
        %add3A_940 = arith.addf %add3A_892, %get3A_939 : vector<16xf32>
        %get3A_941 = arith.index_cast %add3A_935 : i32 to index
        %get3A_942 = arith.constant 16 : index
        %get3A_943 = tpu.vector_load %arg9[%get3A_941, %get3A_942] {strides = array<i32>} : memref<72x64xf32, #tpu.memory_space<vmem>>, vector<1x16xf32>,
        %get3A_944 = vector.shape_cast %get3A_943 : vector<1x16xf32> to vector<16xf32>
        %add3A_945 = arith.addf %add3A_897, %get3A_944 : vector<16xf32>
        %get3A_946 = arith.index_cast %add3A_935 : i32 to index
        %get3A_947 = arith.constant 32 : index
        %get3A_948 = tpu.vector_load %arg9[%get3A_946, %get3A_947] {strides = array<i32>} : memref<72x64xf32, #tpu.memory_space<vmem>>, vector<1x16xf32>,
        %get3A_949 = vector.shape_cast %get3A_948 : vector<1x16xf32> to vector<16xf32>
        %add3A_950 = arith.addf %add3A_902, %get3A_949 : vector<16xf32>
        %get3A_951 = arith.index_cast %add3A_935 : i32 to index
        %get3A_952 = arith.constant 48 : index
        %get3A_953 = tpu.vector_load %arg9[%get3A_951, %get3A_952] {strides = array<i32>} : memref<72x64xf32, #tpu.memory_space<vmem>>, vector<1x16xf32>,
        %get3A_954 = vector.shape_cast %get3A_953 : vector<1x16xf32> to vector<16xf32>
        %add3A_955 = arith.addf %add3A_907, %get3A_954 : vector<16xf32>
        %mul3A_956 = arith.constant 8 : i32
        %mul3A_957 = arith.muli %scan3A_852, %mul3A_956 : i32
        %add3A_958 = arith.constant 4 : i32
        %add3A_959 = arith.addi %mul3A_957, %add3A_958 : i32
        %get3A_960 = arith.index_cast %add3A_959 : i32 to index
        %get3A_961 = arith.constant 0 : index
        %get3A_962 = tpu.vector_load %arg9[%get3A_960, %get3A_961] {strides = array<i32>} : memref<72x64xf32, #tpu.memory_space<vmem>>, vector<1x16xf32>,
        %get3A_963 = vector.shape_cast %get3A_962 : vector<1x16xf32> to vector<16xf32>
        %add3A_964 = arith.addf %add3A_916, %get3A_963 : vector<16xf32>
        %get3A_965 = arith.index_cast %add3A_959 : i32 to index
        %get3A_966 = arith.constant 16 : index
        %get3A_967 = tpu.vector_load %arg9[%get3A_965, %get3A_966] {strides = array<i32>} : memref<72x64xf32, #tpu.memory_space<vmem>>, vector<1x16xf32>,
        %get3A_968 = vector.shape_cast %get3A_967 : vector<1x16xf32> to vector<16xf32>
        %add3A_969 = arith.addf %add3A_921, %get3A_968 : vector<16xf32>
        %get3A_970 = arith.index_cast %add3A_959 : i32 to index
        %get3A_971 = arith.constant 32 : index
        %get3A_972 = tpu.vector_load %arg9[%get3A_970, %get3A_971] {strides = array<i32>} : memref<72x64xf32, #tpu.memory_space<vmem>>, vector<1x16xf32>,
        %get3A_973 = vector.shape_cast %get3A_972 : vector<1x16xf32> to vector<16xf32>
        %add3A_974 = arith.addf %add3A_926, %get3A_973 : vector<16xf32>
        %get3A_975 = arith.index_cast %add3A_959 : i32 to index
        %get3A_976 = arith.constant 48 : index
        %get3A_977 = tpu.vector_load %arg9[%get3A_975, %get3A_976] {strides = array<i32>} : memref<72x64xf32, #tpu.memory_space<vmem>>, vector<1x16xf32>,
        %get3A_978 = vector.shape_cast %get3A_977 : vector<1x16xf32> to vector<16xf32>
        %add3A_979 = arith.addf %add3A_931, %get3A_978 : vector<16xf32>
        %mul3A_980 = arith.constant 8 : i32
        %mul3A_981 = arith.muli %scan3A_852, %mul3A_980 : i32
        %add3A_982 = arith.constant 5 : i32
        %add3A_983 = arith.addi %mul3A_981, %add3A_982 : i32
        %get3A_984 = arith.index_cast %add3A_983 : i32 to index
        %get3A_985 = arith.constant 0 : index
        %get3A_986 = tpu.vector_load %arg9[%get3A_984, %get3A_985] {strides = array<i32>} : memref<72x64xf32, #tpu.memory_space<vmem>>, vector<1x16xf32>,
        %get3A_987 = vector.shape_cast %get3A_986 : vector<1x16xf32> to vector<16xf32>
        %add3A_988 = arith.addf %add3A_940, %get3A_987 : vector<16xf32>
        %get3A_989 = arith.index_cast %add3A_983 : i32 to index
        %get3A_990 = arith.constant 16 : index
        %get3A_991 = tpu.vector_load %arg9[%get3A_989, %get3A_990] {strides = array<i32>} : memref<72x64xf32, #tpu.memory_space<vmem>>, vector<1x16xf32>,
        %get3A_992 = vector.shape_cast %get3A_991 : vector<1x16xf32> to vector<16xf32>
        %add3A_993 = arith.addf %add3A_945, %get3A_992 : vector<16xf32>
        %get3A_994 = arith.index_cast %add3A_983 : i32 to index
        %get3A_995 = arith.constant 32 : index
        %get3A_996 = tpu.vector_load %arg9[%get3A_994, %get3A_995] {strides = array<i32>} : memref<72x64xf32, #tpu.memory_space<vmem>>, vector<1x16xf32>,
        %get3A_997 = vector.shape_cast %get3A_996 : vector<1x16xf32> to vector<16xf32>
        %add3A_998 = arith.addf %add3A_950, %get3A_997 : vector<16xf32>
        %get3A_999 = arith.index_cast %add3A_983 : i32 to index
        %get3A_1000 = arith.constant 48 : index
        %get3A_1001 = tpu.vector_load %arg9[%get3A_999, %get3A_1000] {strides = array<i32>} : memref<72x64xf32, #tpu.memory_space<vmem>>, vector<1x16xf32>,
        %get3A_1002 = vector.shape_cast %get3A_1001 : vector<1x16xf32> to vector<16xf32>
        %add3A_1003 = arith.addf %add3A_955, %get3A_1002 : vector<16xf32>
        %mul3A_1004 = arith.constant 8 : i32
        %mul3A_1005 = arith.muli %scan3A_852, %mul3A_1004 : i32
        %add3A_1006 = arith.constant 6 : i32
        %add3A_1007 = arith.addi %mul3A_1005, %add3A_1006 : i32
        %get3A_1008 = arith.index_cast %add3A_1007 : i32 to index
        %get3A_1009 = arith.constant 0 : index
        %get3A_1010 = tpu.vector_load %arg9[%get3A_1008, %get3A_1009] {strides = array<i32>} : memref<72x64xf32, #tpu.memory_space<vmem>>, vector<1x16xf32>,
        %get3A_1011 = vector.shape_cast %get3A_1010 : vector<1x16xf32> to vector<16xf32>
        %add3A_1012 = arith.addf %add3A_964, %get3A_1011 : vector<16xf32>
        %get3A_1013 = arith.index_cast %add3A_1007 : i32 to index
        %get3A_1014 = arith.constant 16 : index
        %get3A_1015 = tpu.vector_load %arg9[%get3A_1013, %get3A_1014] {strides = array<i32>} : memref<72x64xf32, #tpu.memory_space<vmem>>, vector<1x16xf32>,
        %get3A_1016 = vector.shape_cast %get3A_1015 : vector<1x16xf32> to vector<16xf32>
        %add3A_1017 = arith.addf %add3A_969, %get3A_1016 : vector<16xf32>
        %get3A_1018 = arith.index_cast %add3A_1007 : i32 to index
        %get3A_1019 = arith.constant 32 : index
        %get3A_1020 = tpu.vector_load %arg9[%get3A_1018, %get3A_1019] {strides = array<i32>} : memref<72x64xf32, #tpu.memory_space<vmem>>, vector<1x16xf32>,
        %get3A_1021 = vector.shape_cast %get3A_1020 : vector<1x16xf32> to vector<16xf32>
        %add3A_1022 = arith.addf %add3A_974, %get3A_1021 : vector<16xf32>
        %get3A_1023 = arith.index_cast %add3A_1007 : i32 to index
        %get3A_1024 = arith.constant 48 : index
        %get3A_1025 = tpu.vector_load %arg9[%get3A_1023, %get3A_1024] {strides = array<i32>} : memref<72x64xf32, #tpu.memory_space<vmem>>, vector<1x16xf32>,
        %get3A_1026 = vector.shape_cast %get3A_1025 : vector<1x16xf32> to vector<16xf32>
        %add3A_1027 = arith.addf %add3A_979, %get3A_1026 : vector<16xf32>
        %mul3A_1028 = arith.constant 8 : i32
        %mul3A_1029 = arith.muli %scan3A_852, %mul3A_1028 : i32
        %add3A_1030 = arith.constant 7 : i32
        %add3A_1031 = arith.addi %mul3A_1029, %add3A_1030 : i32
        %get3A_1032 = arith.index_cast %add3A_1031 : i32 to index
        %get3A_1033 = arith.constant 0 : index
        %get3A_1034 = tpu.vector_load %arg9[%get3A_1032, %get3A_1033] {strides = array<i32>} : memref<72x64xf32, #tpu.memory_space<vmem>>, vector<1x16xf32>,
        %get3A_1035 = vector.shape_cast %get3A_1034 : vector<1x16xf32> to vector<16xf32>
        %add3A_1036 = arith.addf %add3A_988, %get3A_1035 : vector<16xf32>
        %get3A_1037 = arith.index_cast %add3A_1031 : i32 to index
        %get3A_1038 = arith.constant 16 : index
        %get3A_1039 = tpu.vector_load %arg9[%get3A_1037, %get3A_1038] {strides = array<i32>} : memref<72x64xf32, #tpu.memory_space<vmem>>, vector<1x16xf32>,
        %get3A_1040 = vector.shape_cast %get3A_1039 : vector<1x16xf32> to vector<16xf32>
        %add3A_1041 = arith.addf %add3A_993, %get3A_1040 : vector<16xf32>
        %get3A_1042 = arith.index_cast %add3A_1031 : i32 to index
        %get3A_1043 = arith.constant 32 : index
        %get3A_1044 = tpu.vector_load %arg9[%get3A_1042, %get3A_1043] {strides = array<i32>} : memref<72x64xf32, #tpu.memory_space<vmem>>, vector<1x16xf32>,
        %get3A_1045 = vector.shape_cast %get3A_1044 : vector<1x16xf32> to vector<16xf32>
        %add3A_1046 = arith.addf %add3A_998, %get3A_1045 : vector<16xf32>
        %get3A_1047 = arith.index_cast %add3A_1031 : i32 to index
        %get3A_1048 = arith.constant 48 : index
        %get3A_1049 = tpu.vector_load %arg9[%get3A_1047, %get3A_1048] {strides = array<i32>} : memref<72x64xf32, #tpu.memory_space<vmem>>, vector<1x16xf32>,
        %get3A_1050 = vector.shape_cast %get3A_1049 : vector<1x16xf32> to vector<16xf32>
        %add3A_1051 = arith.addf %add3A_1003, %get3A_1050 : vector<16xf32>
        scf.yield %add3A_1012, %add3A_1017, %add3A_1022, %add3A_1027, %add3A_1036, %add3A_1041, %add3A_1046, %add3A_1051 : vector<16xf32>, vector<16xf32>, vector<16xf32>, vector<16xf32>, vector<16xf32>, vector<16xf32>, vector<16xf32>, vector<16xf32>
      }
      %scan3A_256 = arith.constant 9 : i32
      %add3A_257 = arith.addf %scan3A_255#0, %scan3A_255#4 : vector<16xf32>
      %mul3A_258 = vector.broadcast %scan3A_52 : f32 to vector<16xf32>
      %mul3A_259 = arith.mulf %add3A_257, %mul3A_258 : vector<16xf32>
      %swap3A = arith.index_cast %add3A_112 : i32 to index
      %swap3A_260 = arith.constant 0 : index
      %swap3A_261 = tpu.vector_load %arg16[%swap3A, %swap3A_260] {strides = array<i32>} : memref<128x64xf32, #tpu.memory_space<vmem>>, vector<1x16xf32>,
      %swap3A_262 = vector.shape_cast %swap3A_261 : vector<1x16xf32> to vector<16xf32>
      %swap3A_263 = vector.shape_cast %mul3A_259 : vector<16xf32> to vector<1x16xf32>
      tpu.vector_store %arg16[%swap3A, %swap3A_260], %swap3A_263 {strides = array<i32>} : memref<128x64xf32, #tpu.memory_space<vmem>>, vector<1x16xf32>,
      %add3A_264 = arith.addf %scan3A_255#1, %scan3A_255#5 : vector<16xf32>
      %mul3A_265 = vector.broadcast %scan3A_52 : f32 to vector<16xf32>
      %mul3A_266 = arith.mulf %add3A_264, %mul3A_265 : vector<16xf32>
      %swap3A_267 = arith.index_cast %add3A_112 : i32 to index
      %swap3A_268 = arith.constant 16 : index
      %swap3A_269 = tpu.vector_load %arg16[%swap3A_267, %swap3A_268] {strides = array<i32>} : memref<128x64xf32, #tpu.memory_space<vmem>>, vector<1x16xf32>,
      %swap3A_270 = vector.shape_cast %swap3A_269 : vector<1x16xf32> to vector<16xf32>
      %swap3A_271 = vector.shape_cast %mul3A_266 : vector<16xf32> to vector<1x16xf32>
      tpu.vector_store %arg16[%swap3A_267, %swap3A_268], %swap3A_271 {strides = array<i32>} : memref<128x64xf32, #tpu.memory_space<vmem>>, vector<1x16xf32>,
      %add3A_272 = arith.addf %scan3A_255#2, %scan3A_255#6 : vector<16xf32>
      %mul3A_273 = vector.broadcast %scan3A_52 : f32 to vector<16xf32>
      %mul3A_274 = arith.mulf %add3A_272, %mul3A_273 : vector<16xf32>
      %swap3A_275 = arith.index_cast %add3A_112 : i32 to index
      %swap3A_276 = arith.constant 32 : index
      %swap3A_277 = tpu.vector_load %arg16[%swap3A_275, %swap3A_276] {strides = array<i32>} : memref<128x64xf32, #tpu.memory_space<vmem>>, vector<1x16xf32>,
      %swap3A_278 = vector.shape_cast %swap3A_277 : vector<1x16xf32> to vector<16xf32>
      %swap3A_279 = vector.shape_cast %mul3A_274 : vector<16xf32> to vector<1x16xf32>
      tpu.vector_store %arg16[%swap3A_275, %swap3A_276], %swap3A_279 {strides = array<i32>} : memref<128x64xf32, #tpu.memory_space<vmem>>, vector<1x16xf32>,
      %add3A_280 = arith.addf %scan3A_255#3, %scan3A_255#7 : vector<16xf32>
      %mul3A_281 = vector.broadcast %scan3A_52 : f32 to vector<16xf32>
      %mul3A_282 = arith.mulf %add3A_280, %mul3A_281 : vector<16xf32>
      %swap3A_283 = arith.index_cast %add3A_112 : i32 to index
      %swap3A_284 = arith.constant 48 : index
      %swap3A_285 = tpu.vector_load %arg16[%swap3A_283, %swap3A_284] {strides = array<i32>} : memref<128x64xf32, #tpu.memory_space<vmem>>, vector<1x16xf32>,
      %swap3A_286 = vector.shape_cast %swap3A_285 : vector<1x16xf32> to vector<16xf32>
      %swap3A_287 = vector.shape_cast %mul3A_282 : vector<16xf32> to vector<1x16xf32>
      tpu.vector_store %arg16[%swap3A_283, %swap3A_284], %swap3A_287 {strides = array<i32>} : memref<128x64xf32, #tpu.memory_space<vmem>>, vector<1x16xf32>,
      %mul3A_288 = arith.constant 4 : i32
      %mul3A_289 = arith.muli %mul3A_288, %scan3A_106 : i32
      %add3A_290 = arith.constant 1 : i32
      %add3A_291 = arith.addi %mul3A_289, %add3A_290 : i32
      %add3A_292 = arith.constant 2 : i32
      %add3A_293 = arith.addi %mul3A_108, %add3A_292 : i32
      %add3A_294 = arith.constant 8 : i32
      %add3A_295 = arith.addi %add3A_293, %add3A_294 : i32
      %sub3A_296 = arith.constant 1 : i32
      %sub3A_297 = arith.subi %add3A_295, %sub3A_296 : i32
      %and3A_298 = arith.constant 255 : i32
      %and3A_299 = arith.andi %sub3A_297, %and3A_298 : i32
      %jit3A_300 = arith.constant 2 : i32
      %div3A_301 = arith.divsi %and3A_299, %jit3A_300 : i32
      %sign3A_302 = arith.constant 0 : i32
      %sign3A_303 = arith.cmpi sgt, %and3A_299, %sign3A_302 : i32
      %sign3A_304 = arith.extui %sign3A_303 : i1 to i32
      %sign3A_305 = arith.constant 0 : i32
      %sign3A_306 = arith.cmpi slt, %and3A_299, %sign3A_305 : i32
      %sign3A_307 = arith.extui %sign3A_306 : i1 to i32
      %sign3A_308 = arith.subi %sign3A_304, %sign3A_307 : i32
      %sign3A_309 = arith.constant 0 : i32
      %sign3A_310 = arith.cmpi sgt, %jit3A_300, %sign3A_309 : i32
      %sign3A_311 = arith.extui %sign3A_310 : i1 to i32
      %sign3A_312 = arith.constant 0 : i32
      %sign3A_313 = arith.cmpi slt, %jit3A_300, %sign3A_312 : i32
      %sign3A_314 = arith.extui %sign3A_313 : i1 to i32
      %sign3A_315 = arith.subi %sign3A_311, %sign3A_314 : i32
      %ne3A_316 = arith.cmpi ne, %sign3A_308, %sign3A_315 : i32
      %rem3A_317 = arith.remsi %and3A_299, %jit3A_300 : i32
      %ne3A_318 = arith.constant 0 : i32
      %ne3A_319 = arith.cmpi ne, %rem3A_317, %ne3A_318 : i32
      %and3A_320 = arith.andi %ne3A_316, %ne3A_319 : i1
      %sub3A_321 = arith.constant 1 : i32
      %sub3A_322 = arith.subi %div3A_301, %sub3A_321 : i32
      %select_n3A_323 = arith.select %and3A_320, %sub3A_322, %div3A_301 : i32
      %dma_start3A_324 = arith.constant 56 : i32
      %dma_start3A_325 = tpu.memref_slice %arg7[%select_n3A_323, %dma_start3A_324] : memref<128x128xi32, #tpu.memory_space<vmem>> -> memref<1x72xi32, #tpu.memory_space<vmem>>
      %dma_start3A_326 = tpu.memref_squeeze %dma_start3A_325 : memref<1x72xi32, #tpu.memory_space<vmem>> -> memref<72xi32, #tpu.memory_space<vmem>>
      %dma_start3A_327 = arith.constant 0 : i32
      %dma_start3A_328 = arith.constant 0 : i32
      %dma_start3A_329 = tpu.memref_slice %arg4[%dma_start3A_327, %dma_start3A_328] : memref<1000000x64xf32, #tpu.memory_space<hbm>> -> memref<1000000x64xf32, #tpu.memory_space<hbm>>
      tpu.enqueue_indirect_dma source(%dma_start3A_329 : memref<1000000x64xf32, #tpu.memory_space<hbm>>) target(%arg9 : memref<72x64xf32, #tpu.memory_space<vmem>>) offsets(%dma_start3A_326 : memref<72xi32, #tpu.memory_space<vmem>>) semaphore(%arg18 : memref<!tpu.dma_semaphore, #tpu.memory_space<semaphore_mem>>)
      %add3A_330 = arith.constant 2 : i32
      %add3A_331 = arith.addi %mul3A_108, %add3A_330 : i32
      %jit3A_332 = arith.constant 2 : i32
      %div3A_333 = arith.divsi %add3A_331, %jit3A_332 : i32
      %sign3A_334 = arith.constant 0 : i32
      %sign3A_335 = arith.cmpi sgt, %add3A_331, %sign3A_334 : i32
      %sign3A_336 = arith.extui %sign3A_335 : i1 to i32
      %sign3A_337 = arith.constant 0 : i32
      %sign3A_338 = arith.cmpi slt, %add3A_331, %sign3A_337 : i32
      %sign3A_339 = arith.extui %sign3A_338 : i1 to i32
      %sign3A_340 = arith.subi %sign3A_336, %sign3A_339 : i32
      %sign3A_341 = arith.constant 0 : i32
      %sign3A_342 = arith.cmpi sgt, %jit3A_332, %sign3A_341 : i32
      %sign3A_343 = arith.extui %sign3A_342 : i1 to i32
      %sign3A_344 = arith.constant 0 : i32
      %sign3A_345 = arith.cmpi slt, %jit3A_332, %sign3A_344 : i32
      %sign3A_346 = arith.extui %sign3A_345 : i1 to i32
      %sign3A_347 = arith.subi %sign3A_343, %sign3A_346 : i32
      %ne3A_348 = arith.cmpi ne, %sign3A_340, %sign3A_347 : i32
      %rem3A_349 = arith.remsi %add3A_331, %jit3A_332 : i32
      %ne3A_350 = arith.constant 0 : i32
      %ne3A_351 = arith.cmpi ne, %rem3A_349, %ne3A_350 : i32
      %and3A_352 = arith.andi %ne3A_348, %ne3A_351 : i1
      %sub3A_353 = arith.constant 1 : i32
      %sub3A_354 = arith.subi %div3A_333, %sub3A_353 : i32
      %select_n3A_355 = arith.select %and3A_352, %sub3A_354, %div3A_333 : i32
      %dma_wait3A_356 = arith.constant 0 : i32
      %dma_wait3A_357 = tpu.memref_slice %arg6[%select_n3A_355, %dma_wait3A_356] : memref<128x128xi32, #tpu.memory_space<vmem>> -> memref<1x128xi32, #tpu.memory_space<vmem>>
      %dma_wait3A_358 = tpu.memref_squeeze %dma_wait3A_357 : memref<1x128xi32, #tpu.memory_space<vmem>> -> memref<128xi32, #tpu.memory_space<vmem>>
      %dma_wait3A_359 = arith.constant 0 : i32
      %dma_wait3A_360 = arith.constant 0 : i32
      %dma_wait3A_361 = tpu.memref_slice %arg4[%dma_wait3A_359, %dma_wait3A_360] : memref<1000000x64xf32, #tpu.memory_space<hbm>> -> memref<1000000x64xf32, #tpu.memory_space<hbm>>
      tpu.wait_indirect_dma semaphore(%arg19 : memref<!tpu.dma_semaphore, #tpu.memory_space<semaphore_mem>>) src(%dma_wait3A_361 : memref<1000000x64xf32, #tpu.memory_space<hbm>>) dst(%arg10 : memref<128x64xf32, #tpu.memory_space<vmem>>)
      %scan3A_362 = arith.constant 0 : i32
      %scan3A_363 = arith.constant 16 : i32
      %scan3A_364 = arith.addi %scan3A_362, %scan3A_363 : i32
      %scan3A_365 = arith.constant 1 : i32
      %scan3A_366:8 = scf.for %scan3A_852 = %scan3A_362 to %scan3A_364 step %scan3A_365 iter_args(%scan3A_853 = %broadcast_in_dim3A_3, %scan3A_854 = %broadcast_in_dim3A_3, %scan3A_855 = %broadcast_in_dim3A_3, %scan3A_856 = %broadcast_in_dim3A_3, %scan3A_857 = %broadcast_in_dim3A_3, %scan3A_858 = %broadcast_in_dim3A_3, %scan3A_859 = %broadcast_in_dim3A_3, %scan3A_860 = %broadcast_in_dim3A_3) -> (vector<16xf32>, vector<16xf32>, vector<16xf32>, vector<16xf32>, vector<16xf32>, vector<16xf32>, vector<16xf32>, vector<16xf32>)  : i32 {
        %mul3A_861 = arith.constant 8 : i32
        %mul3A_862 = arith.muli %scan3A_852, %mul3A_861 : i32
        %add3A_863 = arith.constant 0 : i32
        %add3A_864 = arith.addi %mul3A_862, %add3A_863 : i32
        %get3A = arith.index_cast %add3A_864 : i32 to index
        %get3A_865 = arith.constant 0 : index
        %get3A_866 = tpu.vector_load %arg10[%get3A, %get3A_865] {strides = array<i32>} : memref<128x64xf32, #tpu.memory_space<vmem>>, vector<1x16xf32>,
        %get3A_867 = vector.shape_cast %get3A_866 : vector<1x16xf32> to vector<16xf32>
        %add3A_868 = arith.addf %scan3A_853, %get3A_867 : vector<16xf32>
        %get3A_869 = arith.index_cast %add3A_864 : i32 to index
        %get3A_870 = arith.constant 16 : index
        %get3A_871 = tpu.vector_load %arg10[%get3A_869, %get3A_870] {strides = array<i32>} : memref<128x64xf32, #tpu.memory_space<vmem>>, vector<1x16xf32>,
        %get3A_872 = vector.shape_cast %get3A_871 : vector<1x16xf32> to vector<16xf32>
        %add3A_873 = arith.addf %scan3A_854, %get3A_872 : vector<16xf32>
        %get3A_874 = arith.index_cast %add3A_864 : i32 to index
        %get3A_875 = arith.constant 32 : index
        %get3A_876 = tpu.vector_load %arg10[%get3A_874, %get3A_875] {strides = array<i32>} : memref<128x64xf32, #tpu.memory_space<vmem>>, vector<1x16xf32>,
        %get3A_877 = vector.shape_cast %get3A_876 : vector<1x16xf32> to vector<16xf32>
        %add3A_878 = arith.addf %scan3A_855, %get3A_877 : vector<16xf32>
        %get3A_879 = arith.index_cast %add3A_864 : i32 to index
        %get3A_880 = arith.constant 48 : index
        %get3A_881 = tpu.vector_load %arg10[%get3A_879, %get3A_880] {strides = array<i32>} : memref<128x64xf32, #tpu.memory_space<vmem>>, vector<1x16xf32>,
        %get3A_882 = vector.shape_cast %get3A_881 : vector<1x16xf32> to vector<16xf32>
        %add3A_883 = arith.addf %scan3A_856, %get3A_882 : vector<16xf32>
        %mul3A_884 = arith.constant 8 : i32
        %mul3A_885 = arith.muli %scan3A_852, %mul3A_884 : i32
        %add3A_886 = arith.constant 1 : i32
        %add3A_887 = arith.addi %mul3A_885, %add3A_886 : i32
        %get3A_888 = arith.index_cast %add3A_887 : i32 to index
        %get3A_889 = arith.constant 0 : index
        %get3A_890 = tpu.vector_load %arg10[%get3A_888, %get3A_889] {strides = array<i32>} : memref<128x64xf32, #tpu.memory_space<vmem>>, vector<1x16xf32>,
        %get3A_891 = vector.shape_cast %get3A_890 : vector<1x16xf32> to vector<16xf32>
        %add3A_892 = arith.addf %scan3A_857, %get3A_891 : vector<16xf32>
        %get3A_893 = arith.index_cast %add3A_887 : i32 to index
        %get3A_894 = arith.constant 16 : index
        %get3A_895 = tpu.vector_load %arg10[%get3A_893, %get3A_894] {strides = array<i32>} : memref<128x64xf32, #tpu.memory_space<vmem>>, vector<1x16xf32>,
        %get3A_896 = vector.shape_cast %get3A_895 : vector<1x16xf32> to vector<16xf32>
        %add3A_897 = arith.addf %scan3A_858, %get3A_896 : vector<16xf32>
        %get3A_898 = arith.index_cast %add3A_887 : i32 to index
        %get3A_899 = arith.constant 32 : index
        %get3A_900 = tpu.vector_load %arg10[%get3A_898, %get3A_899] {strides = array<i32>} : memref<128x64xf32, #tpu.memory_space<vmem>>, vector<1x16xf32>,
        %get3A_901 = vector.shape_cast %get3A_900 : vector<1x16xf32> to vector<16xf32>
        %add3A_902 = arith.addf %scan3A_859, %get3A_901 : vector<16xf32>
        %get3A_903 = arith.index_cast %add3A_887 : i32 to index
        %get3A_904 = arith.constant 48 : index
        %get3A_905 = tpu.vector_load %arg10[%get3A_903, %get3A_904] {strides = array<i32>} : memref<128x64xf32, #tpu.memory_space<vmem>>, vector<1x16xf32>,
        %get3A_906 = vector.shape_cast %get3A_905 : vector<1x16xf32> to vector<16xf32>
        %add3A_907 = arith.addf %scan3A_860, %get3A_906 : vector<16xf32>
        %mul3A_908 = arith.constant 8 : i32
        %mul3A_909 = arith.muli %scan3A_852, %mul3A_908 : i32
        %add3A_910 = arith.constant 2 : i32
        %add3A_911 = arith.addi %mul3A_909, %add3A_910 : i32
        %get3A_912 = arith.index_cast %add3A_911 : i32 to index
        %get3A_913 = arith.constant 0 : index
        %get3A_914 = tpu.vector_load %arg10[%get3A_912, %get3A_913] {strides = array<i32>} : memref<128x64xf32, #tpu.memory_space<vmem>>, vector<1x16xf32>,
        %get3A_915 = vector.shape_cast %get3A_914 : vector<1x16xf32> to vector<16xf32>
        %add3A_916 = arith.addf %add3A_868, %get3A_915 : vector<16xf32>
        %get3A_917 = arith.index_cast %add3A_911 : i32 to index
        %get3A_918 = arith.constant 16 : index
        %get3A_919 = tpu.vector_load %arg10[%get3A_917, %get3A_918] {strides = array<i32>} : memref<128x64xf32, #tpu.memory_space<vmem>>, vector<1x16xf32>,
        %get3A_920 = vector.shape_cast %get3A_919 : vector<1x16xf32> to vector<16xf32>
        %add3A_921 = arith.addf %add3A_873, %get3A_920 : vector<16xf32>
        %get3A_922 = arith.index_cast %add3A_911 : i32 to index
        %get3A_923 = arith.constant 32 : index
        %get3A_924 = tpu.vector_load %arg10[%get3A_922, %get3A_923] {strides = array<i32>} : memref<128x64xf32, #tpu.memory_space<vmem>>, vector<1x16xf32>,
        %get3A_925 = vector.shape_cast %get3A_924 : vector<1x16xf32> to vector<16xf32>
        %add3A_926 = arith.addf %add3A_878, %get3A_925 : vector<16xf32>
        %get3A_927 = arith.index_cast %add3A_911 : i32 to index
        %get3A_928 = arith.constant 48 : index
        %get3A_929 = tpu.vector_load %arg10[%get3A_927, %get3A_928] {strides = array<i32>} : memref<128x64xf32, #tpu.memory_space<vmem>>, vector<1x16xf32>,
        %get3A_930 = vector.shape_cast %get3A_929 : vector<1x16xf32> to vector<16xf32>
        %add3A_931 = arith.addf %add3A_883, %get3A_930 : vector<16xf32>
        %mul3A_932 = arith.constant 8 : i32
        %mul3A_933 = arith.muli %scan3A_852, %mul3A_932 : i32
        %add3A_934 = arith.constant 3 : i32
        %add3A_935 = arith.addi %mul3A_933, %add3A_934 : i32
        %get3A_936 = arith.index_cast %add3A_935 : i32 to index
        %get3A_937 = arith.constant 0 : index
        %get3A_938 = tpu.vector_load %arg10[%get3A_936, %get3A_937] {strides = array<i32>} : memref<128x64xf32, #tpu.memory_space<vmem>>, vector<1x16xf32>,
        %get3A_939 = vector.shape_cast %get3A_938 : vector<1x16xf32> to vector<16xf32>
        %add3A_940 = arith.addf %add3A_892, %get3A_939 : vector<16xf32>
        %get3A_941 = arith.index_cast %add3A_935 : i32 to index
        %get3A_942 = arith.constant 16 : index
        %get3A_943 = tpu.vector_load %arg10[%get3A_941, %get3A_942] {strides = array<i32>} : memref<128x64xf32, #tpu.memory_space<vmem>>, vector<1x16xf32>,
        %get3A_944 = vector.shape_cast %get3A_943 : vector<1x16xf32> to vector<16xf32>
        %add3A_945 = arith.addf %add3A_897, %get3A_944 : vector<16xf32>
        %get3A_946 = arith.index_cast %add3A_935 : i32 to index
        %get3A_947 = arith.constant 32 : index
        %get3A_948 = tpu.vector_load %arg10[%get3A_946, %get3A_947] {strides = array<i32>} : memref<128x64xf32, #tpu.memory_space<vmem>>, vector<1x16xf32>,
        %get3A_949 = vector.shape_cast %get3A_948 : vector<1x16xf32> to vector<16xf32>
        %add3A_950 = arith.addf %add3A_902, %get3A_949 : vector<16xf32>
        %get3A_951 = arith.index_cast %add3A_935 : i32 to index
        %get3A_952 = arith.constant 48 : index
        %get3A_953 = tpu.vector_load %arg10[%get3A_951, %get3A_952] {strides = array<i32>} : memref<128x64xf32, #tpu.memory_space<vmem>>, vector<1x16xf32>,
        %get3A_954 = vector.shape_cast %get3A_953 : vector<1x16xf32> to vector<16xf32>
        %add3A_955 = arith.addf %add3A_907, %get3A_954 : vector<16xf32>
        %mul3A_956 = arith.constant 8 : i32
        %mul3A_957 = arith.muli %scan3A_852, %mul3A_956 : i32
        %add3A_958 = arith.constant 4 : i32
        %add3A_959 = arith.addi %mul3A_957, %add3A_958 : i32
        %get3A_960 = arith.index_cast %add3A_959 : i32 to index
        %get3A_961 = arith.constant 0 : index
        %get3A_962 = tpu.vector_load %arg10[%get3A_960, %get3A_961] {strides = array<i32>} : memref<128x64xf32, #tpu.memory_space<vmem>>, vector<1x16xf32>,
        %get3A_963 = vector.shape_cast %get3A_962 : vector<1x16xf32> to vector<16xf32>
        %add3A_964 = arith.addf %add3A_916, %get3A_963 : vector<16xf32>
        %get3A_965 = arith.index_cast %add3A_959 : i32 to index
        %get3A_966 = arith.constant 16 : index
        %get3A_967 = tpu.vector_load %arg10[%get3A_965, %get3A_966] {strides = array<i32>} : memref<128x64xf32, #tpu.memory_space<vmem>>, vector<1x16xf32>,
        %get3A_968 = vector.shape_cast %get3A_967 : vector<1x16xf32> to vector<16xf32>
        %add3A_969 = arith.addf %add3A_921, %get3A_968 : vector<16xf32>
        %get3A_970 = arith.index_cast %add3A_959 : i32 to index
        %get3A_971 = arith.constant 32 : index
        %get3A_972 = tpu.vector_load %arg10[%get3A_970, %get3A_971] {strides = array<i32>} : memref<128x64xf32, #tpu.memory_space<vmem>>, vector<1x16xf32>,
        %get3A_973 = vector.shape_cast %get3A_972 : vector<1x16xf32> to vector<16xf32>
        %add3A_974 = arith.addf %add3A_926, %get3A_973 : vector<16xf32>
        %get3A_975 = arith.index_cast %add3A_959 : i32 to index
        %get3A_976 = arith.constant 48 : index
        %get3A_977 = tpu.vector_load %arg10[%get3A_975, %get3A_976] {strides = array<i32>} : memref<128x64xf32, #tpu.memory_space<vmem>>, vector<1x16xf32>,
        %get3A_978 = vector.shape_cast %get3A_977 : vector<1x16xf32> to vector<16xf32>
        %add3A_979 = arith.addf %add3A_931, %get3A_978 : vector<16xf32>
        %mul3A_980 = arith.constant 8 : i32
        %mul3A_981 = arith.muli %scan3A_852, %mul3A_980 : i32
        %add3A_982 = arith.constant 5 : i32
        %add3A_983 = arith.addi %mul3A_981, %add3A_982 : i32
        %get3A_984 = arith.index_cast %add3A_983 : i32 to index
        %get3A_985 = arith.constant 0 : index
        %get3A_986 = tpu.vector_load %arg10[%get3A_984, %get3A_985] {strides = array<i32>} : memref<128x64xf32, #tpu.memory_space<vmem>>, vector<1x16xf32>,
        %get3A_987 = vector.shape_cast %get3A_986 : vector<1x16xf32> to vector<16xf32>
        %add3A_988 = arith.addf %add3A_940, %get3A_987 : vector<16xf32>
        %get3A_989 = arith.index_cast %add3A_983 : i32 to index
        %get3A_990 = arith.constant 16 : index
        %get3A_991 = tpu.vector_load %arg10[%get3A_989, %get3A_990] {strides = array<i32>} : memref<128x64xf32, #tpu.memory_space<vmem>>, vector<1x16xf32>,
        %get3A_992 = vector.shape_cast %get3A_991 : vector<1x16xf32> to vector<16xf32>
        %add3A_993 = arith.addf %add3A_945, %get3A_992 : vector<16xf32>
        %get3A_994 = arith.index_cast %add3A_983 : i32 to index
        %get3A_995 = arith.constant 32 : index
        %get3A_996 = tpu.vector_load %arg10[%get3A_994, %get3A_995] {strides = array<i32>} : memref<128x64xf32, #tpu.memory_space<vmem>>, vector<1x16xf32>,
        %get3A_997 = vector.shape_cast %get3A_996 : vector<1x16xf32> to vector<16xf32>
        %add3A_998 = arith.addf %add3A_950, %get3A_997 : vector<16xf32>
        %get3A_999 = arith.index_cast %add3A_983 : i32 to index
        %get3A_1000 = arith.constant 48 : index
        %get3A_1001 = tpu.vector_load %arg10[%get3A_999, %get3A_1000] {strides = array<i32>} : memref<128x64xf32, #tpu.memory_space<vmem>>, vector<1x16xf32>,
        %get3A_1002 = vector.shape_cast %get3A_1001 : vector<1x16xf32> to vector<16xf32>
        %add3A_1003 = arith.addf %add3A_955, %get3A_1002 : vector<16xf32>
        %mul3A_1004 = arith.constant 8 : i32
        %mul3A_1005 = arith.muli %scan3A_852, %mul3A_1004 : i32
        %add3A_1006 = arith.constant 6 : i32
        %add3A_1007 = arith.addi %mul3A_1005, %add3A_1006 : i32
        %get3A_1008 = arith.index_cast %add3A_1007 : i32 to index
        %get3A_1009 = arith.constant 0 : index
        %get3A_1010 = tpu.vector_load %arg10[%get3A_1008, %get3A_1009] {strides = array<i32>} : memref<128x64xf32, #tpu.memory_space<vmem>>, vector<1x16xf32>,
        %get3A_1011 = vector.shape_cast %get3A_1010 : vector<1x16xf32> to vector<16xf32>
        %add3A_1012 = arith.addf %add3A_964, %get3A_1011 : vector<16xf32>
        %get3A_1013 = arith.index_cast %add3A_1007 : i32 to index
        %get3A_1014 = arith.constant 16 : index
        %get3A_1015 = tpu.vector_load %arg10[%get3A_1013, %get3A_1014] {strides = array<i32>} : memref<128x64xf32, #tpu.memory_space<vmem>>, vector<1x16xf32>,
        %get3A_1016 = vector.shape_cast %get3A_1015 : vector<1x16xf32> to vector<16xf32>
        %add3A_1017 = arith.addf %add3A_969, %get3A_1016 : vector<16xf32>
        %get3A_1018 = arith.index_cast %add3A_1007 : i32 to index
        %get3A_1019 = arith.constant 32 : index
        %get3A_1020 = tpu.vector_load %arg10[%get3A_1018, %get3A_1019] {strides = array<i32>} : memref<128x64xf32, #tpu.memory_space<vmem>>, vector<1x16xf32>,
        %get3A_1021 = vector.shape_cast %get3A_1020 : vector<1x16xf32> to vector<16xf32>
        %add3A_1022 = arith.addf %add3A_974, %get3A_1021 : vector<16xf32>
        %get3A_1023 = arith.index_cast %add3A_1007 : i32 to index
        %get3A_1024 = arith.constant 48 : index
        %get3A_1025 = tpu.vector_load %arg10[%get3A_1023, %get3A_1024] {strides = array<i32>} : memref<128x64xf32, #tpu.memory_space<vmem>>, vector<1x16xf32>,
        %get3A_1026 = vector.shape_cast %get3A_1025 : vector<1x16xf32> to vector<16xf32>
        %add3A_1027 = arith.addf %add3A_979, %get3A_1026 : vector<16xf32>
        %mul3A_1028 = arith.constant 8 : i32
        %mul3A_1029 = arith.muli %scan3A_852, %mul3A_1028 : i32
        %add3A_1030 = arith.constant 7 : i32
        %add3A_1031 = arith.addi %mul3A_1029, %add3A_1030 : i32
        %get3A_1032 = arith.index_cast %add3A_1031 : i32 to index
        %get3A_1033 = arith.constant 0 : index
        %get3A_1034 = tpu.vector_load %arg10[%get3A_1032, %get3A_1033] {strides = array<i32>} : memref<128x64xf32, #tpu.memory_space<vmem>>, vector<1x16xf32>,
        %get3A_1035 = vector.shape_cast %get3A_1034 : vector<1x16xf32> to vector<16xf32>
        %add3A_1036 = arith.addf %add3A_988, %get3A_1035 : vector<16xf32>
        %get3A_1037 = arith.index_cast %add3A_1031 : i32 to index
        %get3A_1038 = arith.constant 16 : index
        %get3A_1039 = tpu.vector_load %arg10[%get3A_1037, %get3A_1038] {strides = array<i32>} : memref<128x64xf32, #tpu.memory_space<vmem>>, vector<1x16xf32>,
        %get3A_1040 = vector.shape_cast %get3A_1039 : vector<1x16xf32> to vector<16xf32>
        %add3A_1041 = arith.addf %add3A_993, %get3A_1040 : vector<16xf32>
        %get3A_1042 = arith.index_cast %add3A_1031 : i32 to index
        %get3A_1043 = arith.constant 32 : index
        %get3A_1044 = tpu.vector_load %arg10[%get3A_1042, %get3A_1043] {strides = array<i32>} : memref<128x64xf32, #tpu.memory_space<vmem>>, vector<1x16xf32>,
        %get3A_1045 = vector.shape_cast %get3A_1044 : vector<1x16xf32> to vector<16xf32>
        %add3A_1046 = arith.addf %add3A_998, %get3A_1045 : vector<16xf32>
        %get3A_1047 = arith.index_cast %add3A_1031 : i32 to index
        %get3A_1048 = arith.constant 48 : index
        %get3A_1049 = tpu.vector_load %arg10[%get3A_1047, %get3A_1048] {strides = array<i32>} : memref<128x64xf32, #tpu.memory_space<vmem>>, vector<1x16xf32>,
        %get3A_1050 = vector.shape_cast %get3A_1049 : vector<1x16xf32> to vector<16xf32>
        %add3A_1051 = arith.addf %add3A_1003, %get3A_1050 : vector<16xf32>
        scf.yield %add3A_1012, %add3A_1017, %add3A_1022, %add3A_1027, %add3A_1036, %add3A_1041, %add3A_1046, %add3A_1051 : vector<16xf32>, vector<16xf32>, vector<16xf32>, vector<16xf32>, vector<16xf32>, vector<16xf32>, vector<16xf32>, vector<16xf32>
      }
      %scan3A_367 = arith.constant 16 : i32
      %add3A_368 = arith.constant 3 : i32
      %add3A_369 = arith.addi %mul3A_108, %add3A_368 : i32
      %add3A_370 = arith.constant 8 : i32
      %add3A_371 = arith.addi %add3A_369, %add3A_370 : i32
      %sub3A_372 = arith.constant 1 : i32
      %sub3A_373 = arith.subi %add3A_371, %sub3A_372 : i32
      %and3A_374 = arith.constant 255 : i32
      %and3A_375 = arith.andi %sub3A_373, %and3A_374 : i32
      %jit3A_376 = arith.constant 2 : i32
      %div3A_377 = arith.divsi %and3A_375, %jit3A_376 : i32
      %sign3A_378 = arith.constant 0 : i32
      %sign3A_379 = arith.cmpi sgt, %and3A_375, %sign3A_378 : i32
      %sign3A_380 = arith.extui %sign3A_379 : i1 to i32
      %sign3A_381 = arith.constant 0 : i32
      %sign3A_382 = arith.cmpi slt, %and3A_375, %sign3A_381 : i32
      %sign3A_383 = arith.extui %sign3A_382 : i1 to i32
      %sign3A_384 = arith.subi %sign3A_380, %sign3A_383 : i32
      %sign3A_385 = arith.constant 0 : i32
      %sign3A_386 = arith.cmpi sgt, %jit3A_376, %sign3A_385 : i32
      %sign3A_387 = arith.extui %sign3A_386 : i1 to i32
      %sign3A_388 = arith.constant 0 : i32
      %sign3A_389 = arith.cmpi slt, %jit3A_376, %sign3A_388 : i32
      %sign3A_390 = arith.extui %sign3A_389 : i1 to i32
      %sign3A_391 = arith.subi %sign3A_387, %sign3A_390 : i32
      %ne3A_392 = arith.cmpi ne, %sign3A_384, %sign3A_391 : i32
      %rem3A_393 = arith.remsi %and3A_375, %jit3A_376 : i32
      %ne3A_394 = arith.constant 0 : i32
      %ne3A_395 = arith.cmpi ne, %rem3A_393, %ne3A_394 : i32
      %and3A_396 = arith.andi %ne3A_392, %ne3A_395 : i1
      %sub3A_397 = arith.constant 1 : i32
      %sub3A_398 = arith.subi %div3A_377, %sub3A_397 : i32
      %select_n3A_399 = arith.select %and3A_396, %sub3A_398, %div3A_377 : i32
      %dma_start3A_400 = arith.constant 0 : i32
      %dma_start3A_401 = tpu.memref_slice %arg6[%select_n3A_399, %dma_start3A_400] : memref<128x128xi32, #tpu.memory_space<vmem>> -> memref<1x128xi32, #tpu.memory_space<vmem>>
      %dma_start3A_402 = tpu.memref_squeeze %dma_start3A_401 : memref<1x128xi32, #tpu.memory_space<vmem>> -> memref<128xi32, #tpu.memory_space<vmem>>
      %dma_start3A_403 = arith.constant 0 : i32
      %dma_start3A_404 = arith.constant 0 : i32
      %dma_start3A_405 = tpu.memref_slice %arg4[%dma_start3A_403, %dma_start3A_404] : memref<1000000x64xf32, #tpu.memory_space<hbm>> -> memref<1000000x64xf32, #tpu.memory_space<hbm>>
      tpu.enqueue_indirect_dma source(%dma_start3A_405 : memref<1000000x64xf32, #tpu.memory_space<hbm>>) target(%arg10 : memref<128x64xf32, #tpu.memory_space<vmem>>) offsets(%dma_start3A_402 : memref<128xi32, #tpu.memory_space<vmem>>) semaphore(%arg19 : memref<!tpu.dma_semaphore, #tpu.memory_space<semaphore_mem>>)
      %add3A_406 = arith.constant 3 : i32
      %add3A_407 = arith.addi %mul3A_108, %add3A_406 : i32
      %jit3A_408 = arith.constant 2 : i32
      %div3A_409 = arith.divsi %add3A_407, %jit3A_408 : i32
      %sign3A_410 = arith.constant 0 : i32
      %sign3A_411 = arith.cmpi sgt, %add3A_407, %sign3A_410 : i32
      %sign3A_412 = arith.extui %sign3A_411 : i1 to i32
      %sign3A_413 = arith.constant 0 : i32
      %sign3A_414 = arith.cmpi slt, %add3A_407, %sign3A_413 : i32
      %sign3A_415 = arith.extui %sign3A_414 : i1 to i32
      %sign3A_416 = arith.subi %sign3A_412, %sign3A_415 : i32
      %sign3A_417 = arith.constant 0 : i32
      %sign3A_418 = arith.cmpi sgt, %jit3A_408, %sign3A_417 : i32
      %sign3A_419 = arith.extui %sign3A_418 : i1 to i32
      %sign3A_420 = arith.constant 0 : i32
      %sign3A_421 = arith.cmpi slt, %jit3A_408, %sign3A_420 : i32
      %sign3A_422 = arith.extui %sign3A_421 : i1 to i32
      %sign3A_423 = arith.subi %sign3A_419, %sign3A_422 : i32
      %ne3A_424 = arith.cmpi ne, %sign3A_416, %sign3A_423 : i32
      %rem3A_425 = arith.remsi %add3A_407, %jit3A_408 : i32
      %ne3A_426 = arith.constant 0 : i32
      %ne3A_427 = arith.cmpi ne, %rem3A_425, %ne3A_426 : i32
      %and3A_428 = arith.andi %ne3A_424, %ne3A_427 : i1
      %sub3A_429 = arith.constant 1 : i32
      %sub3A_430 = arith.subi %div3A_409, %sub3A_429 : i32
      %select_n3A_431 = arith.select %and3A_428, %sub3A_430, %div3A_409 : i32
      %dma_wait3A_432 = arith.constant 56 : i32
      %dma_wait3A_433 = tpu.memref_slice %arg7[%select_n3A_431, %dma_wait3A_432] : memref<128x128xi32, #tpu.memory_space<vmem>> -> memref<1x72xi32, #tpu.memory_space<vmem>>
      %dma_wait3A_434 = tpu.memref_squeeze %dma_wait3A_433 : memref<1x72xi32, #tpu.memory_space<vmem>> -> memref<72xi32, #tpu.memory_space<vmem>>
      %dma_wait3A_435 = arith.constant 0 : i32
      %dma_wait3A_436 = arith.constant 0 : i32
      %dma_wait3A_437 = tpu.memref_slice %arg4[%dma_wait3A_435, %dma_wait3A_436] : memref<1000000x64xf32, #tpu.memory_space<hbm>> -> memref<1000000x64xf32, #tpu.memory_space<hbm>>
      tpu.wait_indirect_dma semaphore(%arg20 : memref<!tpu.dma_semaphore, #tpu.memory_space<semaphore_mem>>) src(%dma_wait3A_437 : memref<1000000x64xf32, #tpu.memory_space<hbm>>) dst(%arg11 : memref<72x64xf32, #tpu.memory_space<vmem>>)
      %scan3A_438 = arith.constant 0 : i32
      %scan3A_439 = arith.constant 9 : i32
      %scan3A_440 = arith.addi %scan3A_438, %scan3A_439 : i32
      %scan3A_441 = arith.constant 1 : i32
      %scan3A_442:8 = scf.for %scan3A_852 = %scan3A_438 to %scan3A_440 step %scan3A_441 iter_args(%scan3A_853 = %scan3A_366#0, %scan3A_854 = %scan3A_366#1, %scan3A_855 = %scan3A_366#2, %scan3A_856 = %scan3A_366#3, %scan3A_857 = %scan3A_366#4, %scan3A_858 = %scan3A_366#5, %scan3A_859 = %scan3A_366#6, %scan3A_860 = %scan3A_366#7) -> (vector<16xf32>, vector<16xf32>, vector<16xf32>, vector<16xf32>, vector<16xf32>, vector<16xf32>, vector<16xf32>, vector<16xf32>)  : i32 {
        %mul3A_861 = arith.constant 8 : i32
        %mul3A_862 = arith.muli %scan3A_852, %mul3A_861 : i32
        %add3A_863 = arith.constant 0 : i32
        %add3A_864 = arith.addi %mul3A_862, %add3A_863 : i32
        %get3A = arith.index_cast %add3A_864 : i32 to index
        %get3A_865 = arith.constant 0 : index
        %get3A_866 = tpu.vector_load %arg11[%get3A, %get3A_865] {strides = array<i32>} : memref<72x64xf32, #tpu.memory_space<vmem>>, vector<1x16xf32>,
        %get3A_867 = vector.shape_cast %get3A_866 : vector<1x16xf32> to vector<16xf32>
        %add3A_868 = arith.addf %scan3A_853, %get3A_867 : vector<16xf32>
        %get3A_869 = arith.index_cast %add3A_864 : i32 to index
        %get3A_870 = arith.constant 16 : index
        %get3A_871 = tpu.vector_load %arg11[%get3A_869, %get3A_870] {strides = array<i32>} : memref<72x64xf32, #tpu.memory_space<vmem>>, vector<1x16xf32>,
        %get3A_872 = vector.shape_cast %get3A_871 : vector<1x16xf32> to vector<16xf32>
        %add3A_873 = arith.addf %scan3A_854, %get3A_872 : vector<16xf32>
        %get3A_874 = arith.index_cast %add3A_864 : i32 to index
        %get3A_875 = arith.constant 32 : index
        %get3A_876 = tpu.vector_load %arg11[%get3A_874, %get3A_875] {strides = array<i32>} : memref<72x64xf32, #tpu.memory_space<vmem>>, vector<1x16xf32>,
        %get3A_877 = vector.shape_cast %get3A_876 : vector<1x16xf32> to vector<16xf32>
        %add3A_878 = arith.addf %scan3A_855, %get3A_877 : vector<16xf32>
        %get3A_879 = arith.index_cast %add3A_864 : i32 to index
        %get3A_880 = arith.constant 48 : index
        %get3A_881 = tpu.vector_load %arg11[%get3A_879, %get3A_880] {strides = array<i32>} : memref<72x64xf32, #tpu.memory_space<vmem>>, vector<1x16xf32>,
        %get3A_882 = vector.shape_cast %get3A_881 : vector<1x16xf32> to vector<16xf32>
        %add3A_883 = arith.addf %scan3A_856, %get3A_882 : vector<16xf32>
        %mul3A_884 = arith.constant 8 : i32
        %mul3A_885 = arith.muli %scan3A_852, %mul3A_884 : i32
        %add3A_886 = arith.constant 1 : i32
        %add3A_887 = arith.addi %mul3A_885, %add3A_886 : i32
        %get3A_888 = arith.index_cast %add3A_887 : i32 to index
        %get3A_889 = arith.constant 0 : index
        %get3A_890 = tpu.vector_load %arg11[%get3A_888, %get3A_889] {strides = array<i32>} : memref<72x64xf32, #tpu.memory_space<vmem>>, vector<1x16xf32>,
        %get3A_891 = vector.shape_cast %get3A_890 : vector<1x16xf32> to vector<16xf32>
        %add3A_892 = arith.addf %scan3A_857, %get3A_891 : vector<16xf32>
        %get3A_893 = arith.index_cast %add3A_887 : i32 to index
        %get3A_894 = arith.constant 16 : index
        %get3A_895 = tpu.vector_load %arg11[%get3A_893, %get3A_894] {strides = array<i32>} : memref<72x64xf32, #tpu.memory_space<vmem>>, vector<1x16xf32>,
        %get3A_896 = vector.shape_cast %get3A_895 : vector<1x16xf32> to vector<16xf32>
        %add3A_897 = arith.addf %scan3A_858, %get3A_896 : vector<16xf32>
        %get3A_898 = arith.index_cast %add3A_887 : i32 to index
        %get3A_899 = arith.constant 32 : index
        %get3A_900 = tpu.vector_load %arg11[%get3A_898, %get3A_899] {strides = array<i32>} : memref<72x64xf32, #tpu.memory_space<vmem>>, vector<1x16xf32>,
        %get3A_901 = vector.shape_cast %get3A_900 : vector<1x16xf32> to vector<16xf32>
        %add3A_902 = arith.addf %scan3A_859, %get3A_901 : vector<16xf32>
        %get3A_903 = arith.index_cast %add3A_887 : i32 to index
        %get3A_904 = arith.constant 48 : index
        %get3A_905 = tpu.vector_load %arg11[%get3A_903, %get3A_904] {strides = array<i32>} : memref<72x64xf32, #tpu.memory_space<vmem>>, vector<1x16xf32>,
        %get3A_906 = vector.shape_cast %get3A_905 : vector<1x16xf32> to vector<16xf32>
        %add3A_907 = arith.addf %scan3A_860, %get3A_906 : vector<16xf32>
        %mul3A_908 = arith.constant 8 : i32
        %mul3A_909 = arith.muli %scan3A_852, %mul3A_908 : i32
        %add3A_910 = arith.constant 2 : i32
        %add3A_911 = arith.addi %mul3A_909, %add3A_910 : i32
        %get3A_912 = arith.index_cast %add3A_911 : i32 to index
        %get3A_913 = arith.constant 0 : index
        %get3A_914 = tpu.vector_load %arg11[%get3A_912, %get3A_913] {strides = array<i32>} : memref<72x64xf32, #tpu.memory_space<vmem>>, vector<1x16xf32>,
        %get3A_915 = vector.shape_cast %get3A_914 : vector<1x16xf32> to vector<16xf32>
        %add3A_916 = arith.addf %add3A_868, %get3A_915 : vector<16xf32>
        %get3A_917 = arith.index_cast %add3A_911 : i32 to index
        %get3A_918 = arith.constant 16 : index
        %get3A_919 = tpu.vector_load %arg11[%get3A_917, %get3A_918] {strides = array<i32>} : memref<72x64xf32, #tpu.memory_space<vmem>>, vector<1x16xf32>,
        %get3A_920 = vector.shape_cast %get3A_919 : vector<1x16xf32> to vector<16xf32>
        %add3A_921 = arith.addf %add3A_873, %get3A_920 : vector<16xf32>
        %get3A_922 = arith.index_cast %add3A_911 : i32 to index
        %get3A_923 = arith.constant 32 : index
        %get3A_924 = tpu.vector_load %arg11[%get3A_922, %get3A_923] {strides = array<i32>} : memref<72x64xf32, #tpu.memory_space<vmem>>, vector<1x16xf32>,
        %get3A_925 = vector.shape_cast %get3A_924 : vector<1x16xf32> to vector<16xf32>
        %add3A_926 = arith.addf %add3A_878, %get3A_925 : vector<16xf32>
        %get3A_927 = arith.index_cast %add3A_911 : i32 to index
        %get3A_928 = arith.constant 48 : index
        %get3A_929 = tpu.vector_load %arg11[%get3A_927, %get3A_928] {strides = array<i32>} : memref<72x64xf32, #tpu.memory_space<vmem>>, vector<1x16xf32>,
        %get3A_930 = vector.shape_cast %get3A_929 : vector<1x16xf32> to vector<16xf32>
        %add3A_931 = arith.addf %add3A_883, %get3A_930 : vector<16xf32>
        %mul3A_932 = arith.constant 8 : i32
        %mul3A_933 = arith.muli %scan3A_852, %mul3A_932 : i32
        %add3A_934 = arith.constant 3 : i32
        %add3A_935 = arith.addi %mul3A_933, %add3A_934 : i32
        %get3A_936 = arith.index_cast %add3A_935 : i32 to index
        %get3A_937 = arith.constant 0 : index
        %get3A_938 = tpu.vector_load %arg11[%get3A_936, %get3A_937] {strides = array<i32>} : memref<72x64xf32, #tpu.memory_space<vmem>>, vector<1x16xf32>,
        %get3A_939 = vector.shape_cast %get3A_938 : vector<1x16xf32> to vector<16xf32>
        %add3A_940 = arith.addf %add3A_892, %get3A_939 : vector<16xf32>
        %get3A_941 = arith.index_cast %add3A_935 : i32 to index
        %get3A_942 = arith.constant 16 : index
        %get3A_943 = tpu.vector_load %arg11[%get3A_941, %get3A_942] {strides = array<i32>} : memref<72x64xf32, #tpu.memory_space<vmem>>, vector<1x16xf32>,
        %get3A_944 = vector.shape_cast %get3A_943 : vector<1x16xf32> to vector<16xf32>
        %add3A_945 = arith.addf %add3A_897, %get3A_944 : vector<16xf32>
        %get3A_946 = arith.index_cast %add3A_935 : i32 to index
        %get3A_947 = arith.constant 32 : index
        %get3A_948 = tpu.vector_load %arg11[%get3A_946, %get3A_947] {strides = array<i32>} : memref<72x64xf32, #tpu.memory_space<vmem>>, vector<1x16xf32>,
        %get3A_949 = vector.shape_cast %get3A_948 : vector<1x16xf32> to vector<16xf32>
        %add3A_950 = arith.addf %add3A_902, %get3A_949 : vector<16xf32>
        %get3A_951 = arith.index_cast %add3A_935 : i32 to index
        %get3A_952 = arith.constant 48 : index
        %get3A_953 = tpu.vector_load %arg11[%get3A_951, %get3A_952] {strides = array<i32>} : memref<72x64xf32, #tpu.memory_space<vmem>>, vector<1x16xf32>,
        %get3A_954 = vector.shape_cast %get3A_953 : vector<1x16xf32> to vector<16xf32>
        %add3A_955 = arith.addf %add3A_907, %get3A_954 : vector<16xf32>
        %mul3A_956 = arith.constant 8 : i32
        %mul3A_957 = arith.muli %scan3A_852, %mul3A_956 : i32
        %add3A_958 = arith.constant 4 : i32
        %add3A_959 = arith.addi %mul3A_957, %add3A_958 : i32
        %get3A_960 = arith.index_cast %add3A_959 : i32 to index
        %get3A_961 = arith.constant 0 : index
        %get3A_962 = tpu.vector_load %arg11[%get3A_960, %get3A_961] {strides = array<i32>} : memref<72x64xf32, #tpu.memory_space<vmem>>, vector<1x16xf32>,
        %get3A_963 = vector.shape_cast %get3A_962 : vector<1x16xf32> to vector<16xf32>
        %add3A_964 = arith.addf %add3A_916, %get3A_963 : vector<16xf32>
        %get3A_965 = arith.index_cast %add3A_959 : i32 to index
        %get3A_966 = arith.constant 16 : index
        %get3A_967 = tpu.vector_load %arg11[%get3A_965, %get3A_966] {strides = array<i32>} : memref<72x64xf32, #tpu.memory_space<vmem>>, vector<1x16xf32>,
        %get3A_968 = vector.shape_cast %get3A_967 : vector<1x16xf32> to vector<16xf32>
        %add3A_969 = arith.addf %add3A_921, %get3A_968 : vector<16xf32>
        %get3A_970 = arith.index_cast %add3A_959 : i32 to index
        %get3A_971 = arith.constant 32 : index
        %get3A_972 = tpu.vector_load %arg11[%get3A_970, %get3A_971] {strides = array<i32>} : memref<72x64xf32, #tpu.memory_space<vmem>>, vector<1x16xf32>,
        %get3A_973 = vector.shape_cast %get3A_972 : vector<1x16xf32> to vector<16xf32>
        %add3A_974 = arith.addf %add3A_926, %get3A_973 : vector<16xf32>
        %get3A_975 = arith.index_cast %add3A_959 : i32 to index
        %get3A_976 = arith.constant 48 : index
        %get3A_977 = tpu.vector_load %arg11[%get3A_975, %get3A_976] {strides = array<i32>} : memref<72x64xf32, #tpu.memory_space<vmem>>, vector<1x16xf32>,
        %get3A_978 = vector.shape_cast %get3A_977 : vector<1x16xf32> to vector<16xf32>
        %add3A_979 = arith.addf %add3A_931, %get3A_978 : vector<16xf32>
        %mul3A_980 = arith.constant 8 : i32
        %mul3A_981 = arith.muli %scan3A_852, %mul3A_980 : i32
        %add3A_982 = arith.constant 5 : i32
        %add3A_983 = arith.addi %mul3A_981, %add3A_982 : i32
        %get3A_984 = arith.index_cast %add3A_983 : i32 to index
        %get3A_985 = arith.constant 0 : index
        %get3A_986 = tpu.vector_load %arg11[%get3A_984, %get3A_985] {strides = array<i32>} : memref<72x64xf32, #tpu.memory_space<vmem>>, vector<1x16xf32>,
        %get3A_987 = vector.shape_cast %get3A_986 : vector<1x16xf32> to vector<16xf32>
        %add3A_988 = arith.addf %add3A_940, %get3A_987 : vector<16xf32>
        %get3A_989 = arith.index_cast %add3A_983 : i32 to index
        %get3A_990 = arith.constant 16 : index
        %get3A_991 = tpu.vector_load %arg11[%get3A_989, %get3A_990] {strides = array<i32>} : memref<72x64xf32, #tpu.memory_space<vmem>>, vector<1x16xf32>,
        %get3A_992 = vector.shape_cast %get3A_991 : vector<1x16xf32> to vector<16xf32>
        %add3A_993 = arith.addf %add3A_945, %get3A_992 : vector<16xf32>
        %get3A_994 = arith.index_cast %add3A_983 : i32 to index
        %get3A_995 = arith.constant 32 : index
        %get3A_996 = tpu.vector_load %arg11[%get3A_994, %get3A_995] {strides = array<i32>} : memref<72x64xf32, #tpu.memory_space<vmem>>, vector<1x16xf32>,
        %get3A_997 = vector.shape_cast %get3A_996 : vector<1x16xf32> to vector<16xf32>
        %add3A_998 = arith.addf %add3A_950, %get3A_997 : vector<16xf32>
        %get3A_999 = arith.index_cast %add3A_983 : i32 to index
        %get3A_1000 = arith.constant 48 : index
        %get3A_1001 = tpu.vector_load %arg11[%get3A_999, %get3A_1000] {strides = array<i32>} : memref<72x64xf32, #tpu.memory_space<vmem>>, vector<1x16xf32>,
        %get3A_1002 = vector.shape_cast %get3A_1001 : vector<1x16xf32> to vector<16xf32>
        %add3A_1003 = arith.addf %add3A_955, %get3A_1002 : vector<16xf32>
        %mul3A_1004 = arith.constant 8 : i32
        %mul3A_1005 = arith.muli %scan3A_852, %mul3A_1004 : i32
        %add3A_1006 = arith.constant 6 : i32
        %add3A_1007 = arith.addi %mul3A_1005, %add3A_1006 : i32
        %get3A_1008 = arith.index_cast %add3A_1007 : i32 to index
        %get3A_1009 = arith.constant 0 : index
        %get3A_1010 = tpu.vector_load %arg11[%get3A_1008, %get3A_1009] {strides = array<i32>} : memref<72x64xf32, #tpu.memory_space<vmem>>, vector<1x16xf32>,
        %get3A_1011 = vector.shape_cast %get3A_1010 : vector<1x16xf32> to vector<16xf32>
        %add3A_1012 = arith.addf %add3A_964, %get3A_1011 : vector<16xf32>
        %get3A_1013 = arith.index_cast %add3A_1007 : i32 to index
        %get3A_1014 = arith.constant 16 : index
        %get3A_1015 = tpu.vector_load %arg11[%get3A_1013, %get3A_1014] {strides = array<i32>} : memref<72x64xf32, #tpu.memory_space<vmem>>, vector<1x16xf32>,
        %get3A_1016 = vector.shape_cast %get3A_1015 : vector<1x16xf32> to vector<16xf32>
        %add3A_1017 = arith.addf %add3A_969, %get3A_1016 : vector<16xf32>
        %get3A_1018 = arith.index_cast %add3A_1007 : i32 to index
        %get3A_1019 = arith.constant 32 : index
        %get3A_1020 = tpu.vector_load %arg11[%get3A_1018, %get3A_1019] {strides = array<i32>} : memref<72x64xf32, #tpu.memory_space<vmem>>, vector<1x16xf32>,
        %get3A_1021 = vector.shape_cast %get3A_1020 : vector<1x16xf32> to vector<16xf32>
        %add3A_1022 = arith.addf %add3A_974, %get3A_1021 : vector<16xf32>
        %get3A_1023 = arith.index_cast %add3A_1007 : i32 to index
        %get3A_1024 = arith.constant 48 : index
        %get3A_1025 = tpu.vector_load %arg11[%get3A_1023, %get3A_1024] {strides = array<i32>} : memref<72x64xf32, #tpu.memory_space<vmem>>, vector<1x16xf32>,
        %get3A_1026 = vector.shape_cast %get3A_1025 : vector<1x16xf32> to vector<16xf32>
        %add3A_1027 = arith.addf %add3A_979, %get3A_1026 : vector<16xf32>
        %mul3A_1028 = arith.constant 8 : i32
        %mul3A_1029 = arith.muli %scan3A_852, %mul3A_1028 : i32
        %add3A_1030 = arith.constant 7 : i32
        %add3A_1031 = arith.addi %mul3A_1029, %add3A_1030 : i32
        %get3A_1032 = arith.index_cast %add3A_1031 : i32 to index
        %get3A_1033 = arith.constant 0 : index
        %get3A_1034 = tpu.vector_load %arg11[%get3A_1032, %get3A_1033] {strides = array<i32>} : memref<72x64xf32, #tpu.memory_space<vmem>>, vector<1x16xf32>,
        %get3A_1035 = vector.shape_cast %get3A_1034 : vector<1x16xf32> to vector<16xf32>
        %add3A_1036 = arith.addf %add3A_988, %get3A_1035 : vector<16xf32>
        %get3A_1037 = arith.index_cast %add3A_1031 : i32 to index
        %get3A_1038 = arith.constant 16 : index
        %get3A_1039 = tpu.vector_load %arg11[%get3A_1037, %get3A_1038] {strides = array<i32>} : memref<72x64xf32, #tpu.memory_space<vmem>>, vector<1x16xf32>,
        %get3A_1040 = vector.shape_cast %get3A_1039 : vector<1x16xf32> to vector<16xf32>
        %add3A_1041 = arith.addf %add3A_993, %get3A_1040 : vector<16xf32>
        %get3A_1042 = arith.index_cast %add3A_1031 : i32 to index
        %get3A_1043 = arith.constant 32 : index
        %get3A_1044 = tpu.vector_load %arg11[%get3A_1042, %get3A_1043] {strides = array<i32>} : memref<72x64xf32, #tpu.memory_space<vmem>>, vector<1x16xf32>,
        %get3A_1045 = vector.shape_cast %get3A_1044 : vector<1x16xf32> to vector<16xf32>
        %add3A_1046 = arith.addf %add3A_998, %get3A_1045 : vector<16xf32>
        %get3A_1047 = arith.index_cast %add3A_1031 : i32 to index
        %get3A_1048 = arith.constant 48 : index
        %get3A_1049 = tpu.vector_load %arg11[%get3A_1047, %get3A_1048] {strides = array<i32>} : memref<72x64xf32, #tpu.memory_space<vmem>>, vector<1x16xf32>,
        %get3A_1050 = vector.shape_cast %get3A_1049 : vector<1x16xf32> to vector<16xf32>
        %add3A_1051 = arith.addf %add3A_1003, %get3A_1050 : vector<16xf32>
        scf.yield %add3A_1012, %add3A_1017, %add3A_1022, %add3A_1027, %add3A_1036, %add3A_1041, %add3A_1046, %add3A_1051 : vector<16xf32>, vector<16xf32>, vector<16xf32>, vector<16xf32>, vector<16xf32>, vector<16xf32>, vector<16xf32>, vector<16xf32>
      }
      %scan3A_443 = arith.constant 9 : i32
      %add3A_444 = arith.addf %scan3A_442#0, %scan3A_442#4 : vector<16xf32>
      %mul3A_445 = vector.broadcast %scan3A_52 : f32 to vector<16xf32>
      %mul3A_446 = arith.mulf %add3A_444, %mul3A_445 : vector<16xf32>
      %swap3A_447 = arith.index_cast %add3A_291 : i32 to index
      %swap3A_448 = arith.constant 0 : index
      %swap3A_449 = tpu.vector_load %arg16[%swap3A_447, %swap3A_448] {strides = array<i32>} : memref<128x64xf32, #tpu.memory_space<vmem>>, vector<1x16xf32>,
      %swap3A_450 = vector.shape_cast %swap3A_449 : vector<1x16xf32> to vector<16xf32>
      %swap3A_451 = vector.shape_cast %mul3A_446 : vector<16xf32> to vector<1x16xf32>
      tpu.vector_store %arg16[%swap3A_447, %swap3A_448], %swap3A_451 {strides = array<i32>} : memref<128x64xf32, #tpu.memory_space<vmem>>, vector<1x16xf32>,
      %add3A_452 = arith.addf %scan3A_442#1, %scan3A_442#5 : vector<16xf32>
      %mul3A_453 = vector.broadcast %scan3A_52 : f32 to vector<16xf32>
      %mul3A_454 = arith.mulf %add3A_452, %mul3A_453 : vector<16xf32>
      %swap3A_455 = arith.index_cast %add3A_291 : i32 to index
      %swap3A_456 = arith.constant 16 : index
      %swap3A_457 = tpu.vector_load %arg16[%swap3A_455, %swap3A_456] {strides = array<i32>} : memref<128x64xf32, #tpu.memory_space<vmem>>, vector<1x16xf32>,
      %swap3A_458 = vector.shape_cast %swap3A_457 : vector<1x16xf32> to vector<16xf32>
      %swap3A_459 = vector.shape_cast %mul3A_454 : vector<16xf32> to vector<1x16xf32>
      tpu.vector_store %arg16[%swap3A_455, %swap3A_456], %swap3A_459 {strides = array<i32>} : memref<128x64xf32, #tpu.memory_space<vmem>>, vector<1x16xf32>,
      %add3A_460 = arith.addf %scan3A_442#2, %scan3A_442#6 : vector<16xf32>
      %mul3A_461 = vector.broadcast %scan3A_52 : f32 to vector<16xf32>
      %mul3A_462 = arith.mulf %add3A_460, %mul3A_461 : vector<16xf32>
      %swap3A_463 = arith.index_cast %add3A_291 : i32 to index
      %swap3A_464 = arith.constant 32 : index
      %swap3A_465 = tpu.vector_load %arg16[%swap3A_463, %swap3A_464] {strides = array<i32>} : memref<128x64xf32, #tpu.memory_space<vmem>>, vector<1x16xf32>,
      %swap3A_466 = vector.shape_cast %swap3A_465 : vector<1x16xf32> to vector<16xf32>
      %swap3A_467 = vector.shape_cast %mul3A_462 : vector<16xf32> to vector<1x16xf32>
      tpu.vector_store %arg16[%swap3A_463, %swap3A_464], %swap3A_467 {strides = array<i32>} : memref<128x64xf32, #tpu.memory_space<vmem>>, vector<1x16xf32>,
      %add3A_468 = arith.addf %scan3A_442#3, %scan3A_442#7 : vector<16xf32>
      %mul3A_469 = vector.broadcast %scan3A_52 : f32 to vector<16xf32>
      %mul3A_470 = arith.mulf %add3A_468, %mul3A_469 : vector<16xf32>
      %swap3A_471 = arith.index_cast %add3A_291 : i32 to index
      %swap3A_472 = arith.constant 48 : index
      %swap3A_473 = tpu.vector_load %arg16[%swap3A_471, %swap3A_472] {strides = array<i32>} : memref<128x64xf32, #tpu.memory_space<vmem>>, vector<1x16xf32>,
      %swap3A_474 = vector.shape_cast %swap3A_473 : vector<1x16xf32> to vector<16xf32>
      %swap3A_475 = vector.shape_cast %mul3A_470 : vector<16xf32> to vector<1x16xf32>
      tpu.vector_store %arg16[%swap3A_471, %swap3A_472], %swap3A_475 {strides = array<i32>} : memref<128x64xf32, #tpu.memory_space<vmem>>, vector<1x16xf32>,
      %mul3A_476 = arith.constant 4 : i32
      %mul3A_477 = arith.muli %mul3A_476, %scan3A_106 : i32
      %add3A_478 = arith.constant 2 : i32
      %add3A_479 = arith.addi %mul3A_477, %add3A_478 : i32
      %add3A_480 = arith.constant 4 : i32
      %add3A_481 = arith.addi %mul3A_108, %add3A_480 : i32
      %add3A_482 = arith.constant 8 : i32
      %add3A_483 = arith.addi %add3A_481, %add3A_482 : i32
      %sub3A_484 = arith.constant 1 : i32
      %sub3A_485 = arith.subi %add3A_483, %sub3A_484 : i32
      %and3A_486 = arith.constant 255 : i32
      %and3A_487 = arith.andi %sub3A_485, %and3A_486 : i32
      %jit3A_488 = arith.constant 2 : i32
      %div3A_489 = arith.divsi %and3A_487, %jit3A_488 : i32
      %sign3A_490 = arith.constant 0 : i32
      %sign3A_491 = arith.cmpi sgt, %and3A_487, %sign3A_490 : i32
      %sign3A_492 = arith.extui %sign3A_491 : i1 to i32
      %sign3A_493 = arith.constant 0 : i32
      %sign3A_494 = arith.cmpi slt, %and3A_487, %sign3A_493 : i32
      %sign3A_495 = arith.extui %sign3A_494 : i1 to i32
      %sign3A_496 = arith.subi %sign3A_492, %sign3A_495 : i32
      %sign3A_497 = arith.constant 0 : i32
      %sign3A_498 = arith.cmpi sgt, %jit3A_488, %sign3A_497 : i32
      %sign3A_499 = arith.extui %sign3A_498 : i1 to i32
      %sign3A_500 = arith.constant 0 : i32
      %sign3A_501 = arith.cmpi slt, %jit3A_488, %sign3A_500 : i32
      %sign3A_502 = arith.extui %sign3A_501 : i1 to i32
      %sign3A_503 = arith.subi %sign3A_499, %sign3A_502 : i32
      %ne3A_504 = arith.cmpi ne, %sign3A_496, %sign3A_503 : i32
      %rem3A_505 = arith.remsi %and3A_487, %jit3A_488 : i32
      %ne3A_506 = arith.constant 0 : i32
      %ne3A_507 = arith.cmpi ne, %rem3A_505, %ne3A_506 : i32
      %and3A_508 = arith.andi %ne3A_504, %ne3A_507 : i1
      %sub3A_509 = arith.constant 1 : i32
      %sub3A_510 = arith.subi %div3A_489, %sub3A_509 : i32
      %select_n3A_511 = arith.select %and3A_508, %sub3A_510, %div3A_489 : i32
      %dma_start3A_512 = arith.constant 56 : i32
      %dma_start3A_513 = tpu.memref_slice %arg7[%select_n3A_511, %dma_start3A_512] : memref<128x128xi32, #tpu.memory_space<vmem>> -> memref<1x72xi32, #tpu.memory_space<vmem>>
      %dma_start3A_514 = tpu.memref_squeeze %dma_start3A_513 : memref<1x72xi32, #tpu.memory_space<vmem>> -> memref<72xi32, #tpu.memory_space<vmem>>
      %dma_start3A_515 = arith.constant 0 : i32
      %dma_start3A_516 = arith.constant 0 : i32
      %dma_start3A_517 = tpu.memref_slice %arg4[%dma_start3A_515, %dma_start3A_516] : memref<1000000x64xf32, #tpu.memory_space<hbm>> -> memref<1000000x64xf32, #tpu.memory_space<hbm>>
      tpu.enqueue_indirect_dma source(%dma_start3A_517 : memref<1000000x64xf32, #tpu.memory_space<hbm>>) target(%arg11 : memref<72x64xf32, #tpu.memory_space<vmem>>) offsets(%dma_start3A_514 : memref<72xi32, #tpu.memory_space<vmem>>) semaphore(%arg20 : memref<!tpu.dma_semaphore, #tpu.memory_space<semaphore_mem>>)
      %add3A_518 = arith.constant 4 : i32
      %add3A_519 = arith.addi %mul3A_108, %add3A_518 : i32
      %jit3A_520 = arith.constant 2 : i32
      %div3A_521 = arith.divsi %add3A_519, %jit3A_520 : i32
      %sign3A_522 = arith.constant 0 : i32
      %sign3A_523 = arith.cmpi sgt, %add3A_519, %sign3A_522 : i32
      %sign3A_524 = arith.extui %sign3A_523 : i1 to i32
      %sign3A_525 = arith.constant 0 : i32
      %sign3A_526 = arith.cmpi slt, %add3A_519, %sign3A_525 : i32
      %sign3A_527 = arith.extui %sign3A_526 : i1 to i32
      %sign3A_528 = arith.subi %sign3A_524, %sign3A_527 : i32
      %sign3A_529 = arith.constant 0 : i32
      %sign3A_530 = arith.cmpi sgt, %jit3A_520, %sign3A_529 : i32
      %sign3A_531 = arith.extui %sign3A_530 : i1 to i32
      %sign3A_532 = arith.constant 0 : i32
      %sign3A_533 = arith.cmpi slt, %jit3A_520, %sign3A_532 : i32
      %sign3A_534 = arith.extui %sign3A_533 : i1 to i32
      %sign3A_535 = arith.subi %sign3A_531, %sign3A_534 : i32
      %ne3A_536 = arith.cmpi ne, %sign3A_528, %sign3A_535 : i32
      %rem3A_537 = arith.remsi %add3A_519, %jit3A_520 : i32
      %ne3A_538 = arith.constant 0 : i32
      %ne3A_539 = arith.cmpi ne, %rem3A_537, %ne3A_538 : i32
      %and3A_540 = arith.andi %ne3A_536, %ne3A_539 : i1
      %sub3A_541 = arith.constant 1 : i32
      %sub3A_542 = arith.subi %div3A_521, %sub3A_541 : i32
      %select_n3A_543 = arith.select %and3A_540, %sub3A_542, %div3A_521 : i32
      %dma_wait3A_544 = arith.constant 0 : i32
      %dma_wait3A_545 = tpu.memref_slice %arg6[%select_n3A_543, %dma_wait3A_544] : memref<128x128xi32, #tpu.memory_space<vmem>> -> memref<1x128xi32, #tpu.memory_space<vmem>>
      %dma_wait3A_546 = tpu.memref_squeeze %dma_wait3A_545 : memref<1x128xi32, #tpu.memory_space<vmem>> -> memref<128xi32, #tpu.memory_space<vmem>>
      %dma_wait3A_547 = arith.constant 0 : i32
      %dma_wait3A_548 = arith.constant 0 : i32
      %dma_wait3A_549 = tpu.memref_slice %arg4[%dma_wait3A_547, %dma_wait3A_548] : memref<1000000x64xf32, #tpu.memory_space<hbm>> -> memref<1000000x64xf32, #tpu.memory_space<hbm>>
      tpu.wait_indirect_dma semaphore(%arg21 : memref<!tpu.dma_semaphore, #tpu.memory_space<semaphore_mem>>) src(%dma_wait3A_549 : memref<1000000x64xf32, #tpu.memory_space<hbm>>) dst(%arg12 : memref<128x64xf32, #tpu.memory_space<vmem>>)
      %scan3A_550 = arith.constant 0 : i32
      %scan3A_551 = arith.constant 16 : i32
      %scan3A_552 = arith.addi %scan3A_550, %scan3A_551 : i32
      %scan3A_553 = arith.constant 1 : i32
      %scan3A_554:8 = scf.for %scan3A_852 = %scan3A_550 to %scan3A_552 step %scan3A_553 iter_args(%scan3A_853 = %broadcast_in_dim3A_3, %scan3A_854 = %broadcast_in_dim3A_3, %scan3A_855 = %broadcast_in_dim3A_3, %scan3A_856 = %broadcast_in_dim3A_3, %scan3A_857 = %broadcast_in_dim3A_3, %scan3A_858 = %broadcast_in_dim3A_3, %scan3A_859 = %broadcast_in_dim3A_3, %scan3A_860 = %broadcast_in_dim3A_3) -> (vector<16xf32>, vector<16xf32>, vector<16xf32>, vector<16xf32>, vector<16xf32>, vector<16xf32>, vector<16xf32>, vector<16xf32>)  : i32 {
        %mul3A_861 = arith.constant 8 : i32
        %mul3A_862 = arith.muli %scan3A_852, %mul3A_861 : i32
        %add3A_863 = arith.constant 0 : i32
        %add3A_864 = arith.addi %mul3A_862, %add3A_863 : i32
        %get3A = arith.index_cast %add3A_864 : i32 to index
        %get3A_865 = arith.constant 0 : index
        %get3A_866 = tpu.vector_load %arg12[%get3A, %get3A_865] {strides = array<i32>} : memref<128x64xf32, #tpu.memory_space<vmem>>, vector<1x16xf32>,
        %get3A_867 = vector.shape_cast %get3A_866 : vector<1x16xf32> to vector<16xf32>
        %add3A_868 = arith.addf %scan3A_853, %get3A_867 : vector<16xf32>
        %get3A_869 = arith.index_cast %add3A_864 : i32 to index
        %get3A_870 = arith.constant 16 : index
        %get3A_871 = tpu.vector_load %arg12[%get3A_869, %get3A_870] {strides = array<i32>} : memref<128x64xf32, #tpu.memory_space<vmem>>, vector<1x16xf32>,
        %get3A_872 = vector.shape_cast %get3A_871 : vector<1x16xf32> to vector<16xf32>
        %add3A_873 = arith.addf %scan3A_854, %get3A_872 : vector<16xf32>
        %get3A_874 = arith.index_cast %add3A_864 : i32 to index
        %get3A_875 = arith.constant 32 : index
        %get3A_876 = tpu.vector_load %arg12[%get3A_874, %get3A_875] {strides = array<i32>} : memref<128x64xf32, #tpu.memory_space<vmem>>, vector<1x16xf32>,
        %get3A_877 = vector.shape_cast %get3A_876 : vector<1x16xf32> to vector<16xf32>
        %add3A_878 = arith.addf %scan3A_855, %get3A_877 : vector<16xf32>
        %get3A_879 = arith.index_cast %add3A_864 : i32 to index
        %get3A_880 = arith.constant 48 : index
        %get3A_881 = tpu.vector_load %arg12[%get3A_879, %get3A_880] {strides = array<i32>} : memref<128x64xf32, #tpu.memory_space<vmem>>, vector<1x16xf32>,
        %get3A_882 = vector.shape_cast %get3A_881 : vector<1x16xf32> to vector<16xf32>
        %add3A_883 = arith.addf %scan3A_856, %get3A_882 : vector<16xf32>
        %mul3A_884 = arith.constant 8 : i32
        %mul3A_885 = arith.muli %scan3A_852, %mul3A_884 : i32
        %add3A_886 = arith.constant 1 : i32
        %add3A_887 = arith.addi %mul3A_885, %add3A_886 : i32
        %get3A_888 = arith.index_cast %add3A_887 : i32 to index
        %get3A_889 = arith.constant 0 : index
        %get3A_890 = tpu.vector_load %arg12[%get3A_888, %get3A_889] {strides = array<i32>} : memref<128x64xf32, #tpu.memory_space<vmem>>, vector<1x16xf32>,
        %get3A_891 = vector.shape_cast %get3A_890 : vector<1x16xf32> to vector<16xf32>
        %add3A_892 = arith.addf %scan3A_857, %get3A_891 : vector<16xf32>
        %get3A_893 = arith.index_cast %add3A_887 : i32 to index
        %get3A_894 = arith.constant 16 : index
        %get3A_895 = tpu.vector_load %arg12[%get3A_893, %get3A_894] {strides = array<i32>} : memref<128x64xf32, #tpu.memory_space<vmem>>, vector<1x16xf32>,
        %get3A_896 = vector.shape_cast %get3A_895 : vector<1x16xf32> to vector<16xf32>
        %add3A_897 = arith.addf %scan3A_858, %get3A_896 : vector<16xf32>
        %get3A_898 = arith.index_cast %add3A_887 : i32 to index
        %get3A_899 = arith.constant 32 : index
        %get3A_900 = tpu.vector_load %arg12[%get3A_898, %get3A_899] {strides = array<i32>} : memref<128x64xf32, #tpu.memory_space<vmem>>, vector<1x16xf32>,
        %get3A_901 = vector.shape_cast %get3A_900 : vector<1x16xf32> to vector<16xf32>
        %add3A_902 = arith.addf %scan3A_859, %get3A_901 : vector<16xf32>
        %get3A_903 = arith.index_cast %add3A_887 : i32 to index
        %get3A_904 = arith.constant 48 : index
        %get3A_905 = tpu.vector_load %arg12[%get3A_903, %get3A_904] {strides = array<i32>} : memref<128x64xf32, #tpu.memory_space<vmem>>, vector<1x16xf32>,
        %get3A_906 = vector.shape_cast %get3A_905 : vector<1x16xf32> to vector<16xf32>
        %add3A_907 = arith.addf %scan3A_860, %get3A_906 : vector<16xf32>
        %mul3A_908 = arith.constant 8 : i32
        %mul3A_909 = arith.muli %scan3A_852, %mul3A_908 : i32
        %add3A_910 = arith.constant 2 : i32
        %add3A_911 = arith.addi %mul3A_909, %add3A_910 : i32
        %get3A_912 = arith.index_cast %add3A_911 : i32 to index
        %get3A_913 = arith.constant 0 : index
        %get3A_914 = tpu.vector_load %arg12[%get3A_912, %get3A_913] {strides = array<i32>} : memref<128x64xf32, #tpu.memory_space<vmem>>, vector<1x16xf32>,
        %get3A_915 = vector.shape_cast %get3A_914 : vector<1x16xf32> to vector<16xf32>
        %add3A_916 = arith.addf %add3A_868, %get3A_915 : vector<16xf32>
        %get3A_917 = arith.index_cast %add3A_911 : i32 to index
        %get3A_918 = arith.constant 16 : index
        %get3A_919 = tpu.vector_load %arg12[%get3A_917, %get3A_918] {strides = array<i32>} : memref<128x64xf32, #tpu.memory_space<vmem>>, vector<1x16xf32>,
        %get3A_920 = vector.shape_cast %get3A_919 : vector<1x16xf32> to vector<16xf32>
        %add3A_921 = arith.addf %add3A_873, %get3A_920 : vector<16xf32>
        %get3A_922 = arith.index_cast %add3A_911 : i32 to index
        %get3A_923 = arith.constant 32 : index
        %get3A_924 = tpu.vector_load %arg12[%get3A_922, %get3A_923] {strides = array<i32>} : memref<128x64xf32, #tpu.memory_space<vmem>>, vector<1x16xf32>,
        %get3A_925 = vector.shape_cast %get3A_924 : vector<1x16xf32> to vector<16xf32>
        %add3A_926 = arith.addf %add3A_878, %get3A_925 : vector<16xf32>
        %get3A_927 = arith.index_cast %add3A_911 : i32 to index
        %get3A_928 = arith.constant 48 : index
        %get3A_929 = tpu.vector_load %arg12[%get3A_927, %get3A_928] {strides = array<i32>} : memref<128x64xf32, #tpu.memory_space<vmem>>, vector<1x16xf32>,
        %get3A_930 = vector.shape_cast %get3A_929 : vector<1x16xf32> to vector<16xf32>
        %add3A_931 = arith.addf %add3A_883, %get3A_930 : vector<16xf32>
        %mul3A_932 = arith.constant 8 : i32
        %mul3A_933 = arith.muli %scan3A_852, %mul3A_932 : i32
        %add3A_934 = arith.constant 3 : i32
        %add3A_935 = arith.addi %mul3A_933, %add3A_934 : i32
        %get3A_936 = arith.index_cast %add3A_935 : i32 to index
        %get3A_937 = arith.constant 0 : index
        %get3A_938 = tpu.vector_load %arg12[%get3A_936, %get3A_937] {strides = array<i32>} : memref<128x64xf32, #tpu.memory_space<vmem>>, vector<1x16xf32>,
        %get3A_939 = vector.shape_cast %get3A_938 : vector<1x16xf32> to vector<16xf32>
        %add3A_940 = arith.addf %add3A_892, %get3A_939 : vector<16xf32>
        %get3A_941 = arith.index_cast %add3A_935 : i32 to index
        %get3A_942 = arith.constant 16 : index
        %get3A_943 = tpu.vector_load %arg12[%get3A_941, %get3A_942] {strides = array<i32>} : memref<128x64xf32, #tpu.memory_space<vmem>>, vector<1x16xf32>,
        %get3A_944 = vector.shape_cast %get3A_943 : vector<1x16xf32> to vector<16xf32>
        %add3A_945 = arith.addf %add3A_897, %get3A_944 : vector<16xf32>
        %get3A_946 = arith.index_cast %add3A_935 : i32 to index
        %get3A_947 = arith.constant 32 : index
        %get3A_948 = tpu.vector_load %arg12[%get3A_946, %get3A_947] {strides = array<i32>} : memref<128x64xf32, #tpu.memory_space<vmem>>, vector<1x16xf32>,
        %get3A_949 = vector.shape_cast %get3A_948 : vector<1x16xf32> to vector<16xf32>
        %add3A_950 = arith.addf %add3A_902, %get3A_949 : vector<16xf32>
        %get3A_951 = arith.index_cast %add3A_935 : i32 to index
        %get3A_952 = arith.constant 48 : index
        %get3A_953 = tpu.vector_load %arg12[%get3A_951, %get3A_952] {strides = array<i32>} : memref<128x64xf32, #tpu.memory_space<vmem>>, vector<1x16xf32>,
        %get3A_954 = vector.shape_cast %get3A_953 : vector<1x16xf32> to vector<16xf32>
        %add3A_955 = arith.addf %add3A_907, %get3A_954 : vector<16xf32>
        %mul3A_956 = arith.constant 8 : i32
        %mul3A_957 = arith.muli %scan3A_852, %mul3A_956 : i32
        %add3A_958 = arith.constant 4 : i32
        %add3A_959 = arith.addi %mul3A_957, %add3A_958 : i32
        %get3A_960 = arith.index_cast %add3A_959 : i32 to index
        %get3A_961 = arith.constant 0 : index
        %get3A_962 = tpu.vector_load %arg12[%get3A_960, %get3A_961] {strides = array<i32>} : memref<128x64xf32, #tpu.memory_space<vmem>>, vector<1x16xf32>,
        %get3A_963 = vector.shape_cast %get3A_962 : vector<1x16xf32> to vector<16xf32>
        %add3A_964 = arith.addf %add3A_916, %get3A_963 : vector<16xf32>
        %get3A_965 = arith.index_cast %add3A_959 : i32 to index
        %get3A_966 = arith.constant 16 : index
        %get3A_967 = tpu.vector_load %arg12[%get3A_965, %get3A_966] {strides = array<i32>} : memref<128x64xf32, #tpu.memory_space<vmem>>, vector<1x16xf32>,
        %get3A_968 = vector.shape_cast %get3A_967 : vector<1x16xf32> to vector<16xf32>
        %add3A_969 = arith.addf %add3A_921, %get3A_968 : vector<16xf32>
        %get3A_970 = arith.index_cast %add3A_959 : i32 to index
        %get3A_971 = arith.constant 32 : index
        %get3A_972 = tpu.vector_load %arg12[%get3A_970, %get3A_971] {strides = array<i32>} : memref<128x64xf32, #tpu.memory_space<vmem>>, vector<1x16xf32>,
        %get3A_973 = vector.shape_cast %get3A_972 : vector<1x16xf32> to vector<16xf32>
        %add3A_974 = arith.addf %add3A_926, %get3A_973 : vector<16xf32>
        %get3A_975 = arith.index_cast %add3A_959 : i32 to index
        %get3A_976 = arith.constant 48 : index
        %get3A_977 = tpu.vector_load %arg12[%get3A_975, %get3A_976] {strides = array<i32>} : memref<128x64xf32, #tpu.memory_space<vmem>>, vector<1x16xf32>,
        %get3A_978 = vector.shape_cast %get3A_977 : vector<1x16xf32> to vector<16xf32>
        %add3A_979 = arith.addf %add3A_931, %get3A_978 : vector<16xf32>
        %mul3A_980 = arith.constant 8 : i32
        %mul3A_981 = arith.muli %scan3A_852, %mul3A_980 : i32
        %add3A_982 = arith.constant 5 : i32
        %add3A_983 = arith.addi %mul3A_981, %add3A_982 : i32
        %get3A_984 = arith.index_cast %add3A_983 : i32 to index
        %get3A_985 = arith.constant 0 : index
        %get3A_986 = tpu.vector_load %arg12[%get3A_984, %get3A_985] {strides = array<i32>} : memref<128x64xf32, #tpu.memory_space<vmem>>, vector<1x16xf32>,
        %get3A_987 = vector.shape_cast %get3A_986 : vector<1x16xf32> to vector<16xf32>
        %add3A_988 = arith.addf %add3A_940, %get3A_987 : vector<16xf32>
        %get3A_989 = arith.index_cast %add3A_983 : i32 to index
        %get3A_990 = arith.constant 16 : index
        %get3A_991 = tpu.vector_load %arg12[%get3A_989, %get3A_990] {strides = array<i32>} : memref<128x64xf32, #tpu.memory_space<vmem>>, vector<1x16xf32>,
        %get3A_992 = vector.shape_cast %get3A_991 : vector<1x16xf32> to vector<16xf32>
        %add3A_993 = arith.addf %add3A_945, %get3A_992 : vector<16xf32>
        %get3A_994 = arith.index_cast %add3A_983 : i32 to index
        %get3A_995 = arith.constant 32 : index
        %get3A_996 = tpu.vector_load %arg12[%get3A_994, %get3A_995] {strides = array<i32>} : memref<128x64xf32, #tpu.memory_space<vmem>>, vector<1x16xf32>,
        %get3A_997 = vector.shape_cast %get3A_996 : vector<1x16xf32> to vector<16xf32>
        %add3A_998 = arith.addf %add3A_950, %get3A_997 : vector<16xf32>
        %get3A_999 = arith.index_cast %add3A_983 : i32 to index
        %get3A_1000 = arith.constant 48 : index
        %get3A_1001 = tpu.vector_load %arg12[%get3A_999, %get3A_1000] {strides = array<i32>} : memref<128x64xf32, #tpu.memory_space<vmem>>, vector<1x16xf32>,
        %get3A_1002 = vector.shape_cast %get3A_1001 : vector<1x16xf32> to vector<16xf32>
        %add3A_1003 = arith.addf %add3A_955, %get3A_1002 : vector<16xf32>
        %mul3A_1004 = arith.constant 8 : i32
        %mul3A_1005 = arith.muli %scan3A_852, %mul3A_1004 : i32
        %add3A_1006 = arith.constant 6 : i32
        %add3A_1007 = arith.addi %mul3A_1005, %add3A_1006 : i32
        %get3A_1008 = arith.index_cast %add3A_1007 : i32 to index
        %get3A_1009 = arith.constant 0 : index
        %get3A_1010 = tpu.vector_load %arg12[%get3A_1008, %get3A_1009] {strides = array<i32>} : memref<128x64xf32, #tpu.memory_space<vmem>>, vector<1x16xf32>,
        %get3A_1011 = vector.shape_cast %get3A_1010 : vector<1x16xf32> to vector<16xf32>
        %add3A_1012 = arith.addf %add3A_964, %get3A_1011 : vector<16xf32>
        %get3A_1013 = arith.index_cast %add3A_1007 : i32 to index
        %get3A_1014 = arith.constant 16 : index
        %get3A_1015 = tpu.vector_load %arg12[%get3A_1013, %get3A_1014] {strides = array<i32>} : memref<128x64xf32, #tpu.memory_space<vmem>>, vector<1x16xf32>,
        %get3A_1016 = vector.shape_cast %get3A_1015 : vector<1x16xf32> to vector<16xf32>
        %add3A_1017 = arith.addf %add3A_969, %get3A_1016 : vector<16xf32>
        %get3A_1018 = arith.index_cast %add3A_1007 : i32 to index
        %get3A_1019 = arith.constant 32 : index
        %get3A_1020 = tpu.vector_load %arg12[%get3A_1018, %get3A_1019] {strides = array<i32>} : memref<128x64xf32, #tpu.memory_space<vmem>>, vector<1x16xf32>,
        %get3A_1021 = vector.shape_cast %get3A_1020 : vector<1x16xf32> to vector<16xf32>
        %add3A_1022 = arith.addf %add3A_974, %get3A_1021 : vector<16xf32>
        %get3A_1023 = arith.index_cast %add3A_1007 : i32 to index
        %get3A_1024 = arith.constant 48 : index
        %get3A_1025 = tpu.vector_load %arg12[%get3A_1023, %get3A_1024] {strides = array<i32>} : memref<128x64xf32, #tpu.memory_space<vmem>>, vector<1x16xf32>,
        %get3A_1026 = vector.shape_cast %get3A_1025 : vector<1x16xf32> to vector<16xf32>
        %add3A_1027 = arith.addf %add3A_979, %get3A_1026 : vector<16xf32>
        %mul3A_1028 = arith.constant 8 : i32
        %mul3A_1029 = arith.muli %scan3A_852, %mul3A_1028 : i32
        %add3A_1030 = arith.constant 7 : i32
        %add3A_1031 = arith.addi %mul3A_1029, %add3A_1030 : i32
        %get3A_1032 = arith.index_cast %add3A_1031 : i32 to index
        %get3A_1033 = arith.constant 0 : index
        %get3A_1034 = tpu.vector_load %arg12[%get3A_1032, %get3A_1033] {strides = array<i32>} : memref<128x64xf32, #tpu.memory_space<vmem>>, vector<1x16xf32>,
        %get3A_1035 = vector.shape_cast %get3A_1034 : vector<1x16xf32> to vector<16xf32>
        %add3A_1036 = arith.addf %add3A_988, %get3A_1035 : vector<16xf32>
        %get3A_1037 = arith.index_cast %add3A_1031 : i32 to index
        %get3A_1038 = arith.constant 16 : index
        %get3A_1039 = tpu.vector_load %arg12[%get3A_1037, %get3A_1038] {strides = array<i32>} : memref<128x64xf32, #tpu.memory_space<vmem>>, vector<1x16xf32>,
        %get3A_1040 = vector.shape_cast %get3A_1039 : vector<1x16xf32> to vector<16xf32>
        %add3A_1041 = arith.addf %add3A_993, %get3A_1040 : vector<16xf32>
        %get3A_1042 = arith.index_cast %add3A_1031 : i32 to index
        %get3A_1043 = arith.constant 32 : index
        %get3A_1044 = tpu.vector_load %arg12[%get3A_1042, %get3A_1043] {strides = array<i32>} : memref<128x64xf32, #tpu.memory_space<vmem>>, vector<1x16xf32>,
        %get3A_1045 = vector.shape_cast %get3A_1044 : vector<1x16xf32> to vector<16xf32>
        %add3A_1046 = arith.addf %add3A_998, %get3A_1045 : vector<16xf32>
        %get3A_1047 = arith.index_cast %add3A_1031 : i32 to index
        %get3A_1048 = arith.constant 48 : index
        %get3A_1049 = tpu.vector_load %arg12[%get3A_1047, %get3A_1048] {strides = array<i32>} : memref<128x64xf32, #tpu.memory_space<vmem>>, vector<1x16xf32>,
        %get3A_1050 = vector.shape_cast %get3A_1049 : vector<1x16xf32> to vector<16xf32>
        %add3A_1051 = arith.addf %add3A_1003, %get3A_1050 : vector<16xf32>
        scf.yield %add3A_1012, %add3A_1017, %add3A_1022, %add3A_1027, %add3A_1036, %add3A_1041, %add3A_1046, %add3A_1051 : vector<16xf32>, vector<16xf32>, vector<16xf32>, vector<16xf32>, vector<16xf32>, vector<16xf32>, vector<16xf32>, vector<16xf32>
      }
      %scan3A_555 = arith.constant 16 : i32
      %add3A_556 = arith.constant 5 : i32
      %add3A_557 = arith.addi %mul3A_108, %add3A_556 : i32
      %add3A_558 = arith.constant 8 : i32
      %add3A_559 = arith.addi %add3A_557, %add3A_558 : i32
      %sub3A_560 = arith.constant 1 : i32
      %sub3A_561 = arith.subi %add3A_559, %sub3A_560 : i32
      %and3A_562 = arith.constant 255 : i32
      %and3A_563 = arith.andi %sub3A_561, %and3A_562 : i32
      %jit3A_564 = arith.constant 2 : i32
      %div3A_565 = arith.divsi %and3A_563, %jit3A_564 : i32
      %sign3A_566 = arith.constant 0 : i32
      %sign3A_567 = arith.cmpi sgt, %and3A_563, %sign3A_566 : i32
      %sign3A_568 = arith.extui %sign3A_567 : i1 to i32
      %sign3A_569 = arith.constant 0 : i32
      %sign3A_570 = arith.cmpi slt, %and3A_563, %sign3A_569 : i32
      %sign3A_571 = arith.extui %sign3A_570 : i1 to i32
      %sign3A_572 = arith.subi %sign3A_568, %sign3A_571 : i32
      %sign3A_573 = arith.constant 0 : i32
      %sign3A_574 = arith.cmpi sgt, %jit3A_564, %sign3A_573 : i32
      %sign3A_575 = arith.extui %sign3A_574 : i1 to i32
      %sign3A_576 = arith.constant 0 : i32
      %sign3A_577 = arith.cmpi slt, %jit3A_564, %sign3A_576 : i32
      %sign3A_578 = arith.extui %sign3A_577 : i1 to i32
      %sign3A_579 = arith.subi %sign3A_575, %sign3A_578 : i32
      %ne3A_580 = arith.cmpi ne, %sign3A_572, %sign3A_579 : i32
      %rem3A_581 = arith.remsi %and3A_563, %jit3A_564 : i32
      %ne3A_582 = arith.constant 0 : i32
      %ne3A_583 = arith.cmpi ne, %rem3A_581, %ne3A_582 : i32
      %and3A_584 = arith.andi %ne3A_580, %ne3A_583 : i1
      %sub3A_585 = arith.constant 1 : i32
      %sub3A_586 = arith.subi %div3A_565, %sub3A_585 : i32
      %select_n3A_587 = arith.select %and3A_584, %sub3A_586, %div3A_565 : i32
      %dma_start3A_588 = arith.constant 0 : i32
      %dma_start3A_589 = tpu.memref_slice %arg6[%select_n3A_587, %dma_start3A_588] : memref<128x128xi32, #tpu.memory_space<vmem>> -> memref<1x128xi32, #tpu.memory_space<vmem>>
      %dma_start3A_590 = tpu.memref_squeeze %dma_start3A_589 : memref<1x128xi32, #tpu.memory_space<vmem>> -> memref<128xi32, #tpu.memory_space<vmem>>
      %dma_start3A_591 = arith.constant 0 : i32
      %dma_start3A_592 = arith.constant 0 : i32
      %dma_start3A_593 = tpu.memref_slice %arg4[%dma_start3A_591, %dma_start3A_592] : memref<1000000x64xf32, #tpu.memory_space<hbm>> -> memref<1000000x64xf32, #tpu.memory_space<hbm>>
      tpu.enqueue_indirect_dma source(%dma_start3A_593 : memref<1000000x64xf32, #tpu.memory_space<hbm>>) target(%arg12 : memref<128x64xf32, #tpu.memory_space<vmem>>) offsets(%dma_start3A_590 : memref<128xi32, #tpu.memory_space<vmem>>) semaphore(%arg21 : memref<!tpu.dma_semaphore, #tpu.memory_space<semaphore_mem>>)
      %add3A_594 = arith.constant 5 : i32
      %add3A_595 = arith.addi %mul3A_108, %add3A_594 : i32
      %jit3A_596 = arith.constant 2 : i32
      %div3A_597 = arith.divsi %add3A_595, %jit3A_596 : i32
      %sign3A_598 = arith.constant 0 : i32
      %sign3A_599 = arith.cmpi sgt, %add3A_595, %sign3A_598 : i32
      %sign3A_600 = arith.extui %sign3A_599 : i1 to i32
      %sign3A_601 = arith.constant 0 : i32
      %sign3A_602 = arith.cmpi slt, %add3A_595, %sign3A_601 : i32
      %sign3A_603 = arith.extui %sign3A_602 : i1 to i32
      %sign3A_604 = arith.subi %sign3A_600, %sign3A_603 : i32
      %sign3A_605 = arith.constant 0 : i32
      %sign3A_606 = arith.cmpi sgt, %jit3A_596, %sign3A_605 : i32
      %sign3A_607 = arith.extui %sign3A_606 : i1 to i32
      %sign3A_608 = arith.constant 0 : i32
      %sign3A_609 = arith.cmpi slt, %jit3A_596, %sign3A_608 : i32
      %sign3A_610 = arith.extui %sign3A_609 : i1 to i32
      %sign3A_611 = arith.subi %sign3A_607, %sign3A_610 : i32
      %ne3A_612 = arith.cmpi ne, %sign3A_604, %sign3A_611 : i32
      %rem3A_613 = arith.remsi %add3A_595, %jit3A_596 : i32
      %ne3A_614 = arith.constant 0 : i32
      %ne3A_615 = arith.cmpi ne, %rem3A_613, %ne3A_614 : i32
      %and3A_616 = arith.andi %ne3A_612, %ne3A_615 : i1
      %sub3A_617 = arith.constant 1 : i32
      %sub3A_618 = arith.subi %div3A_597, %sub3A_617 : i32
      %select_n3A_619 = arith.select %and3A_616, %sub3A_618, %div3A_597 : i32
      %dma_wait3A_620 = arith.constant 56 : i32
      %dma_wait3A_621 = tpu.memref_slice %arg7[%select_n3A_619, %dma_wait3A_620] : memref<128x128xi32, #tpu.memory_space<vmem>> -> memref<1x72xi32, #tpu.memory_space<vmem>>
      %dma_wait3A_622 = tpu.memref_squeeze %dma_wait3A_621 : memref<1x72xi32, #tpu.memory_space<vmem>> -> memref<72xi32, #tpu.memory_space<vmem>>
      %dma_wait3A_623 = arith.constant 0 : i32
      %dma_wait3A_624 = arith.constant 0 : i32
      %dma_wait3A_625 = tpu.memref_slice %arg4[%dma_wait3A_623, %dma_wait3A_624] : memref<1000000x64xf32, #tpu.memory_space<hbm>> -> memref<1000000x64xf32, #tpu.memory_space<hbm>>
      tpu.wait_indirect_dma semaphore(%arg22 : memref<!tpu.dma_semaphore, #tpu.memory_space<semaphore_mem>>) src(%dma_wait3A_625 : memref<1000000x64xf32, #tpu.memory_space<hbm>>) dst(%arg13 : memref<72x64xf32, #tpu.memory_space<vmem>>)
      %scan3A_626 = arith.constant 0 : i32
      %scan3A_627 = arith.constant 9 : i32
      %scan3A_628 = arith.addi %scan3A_626, %scan3A_627 : i32
      %scan3A_629 = arith.constant 1 : i32
      %scan3A_630:8 = scf.for %scan3A_852 = %scan3A_626 to %scan3A_628 step %scan3A_629 iter_args(%scan3A_853 = %scan3A_554#0, %scan3A_854 = %scan3A_554#1, %scan3A_855 = %scan3A_554#2, %scan3A_856 = %scan3A_554#3, %scan3A_857 = %scan3A_554#4, %scan3A_858 = %scan3A_554#5, %scan3A_859 = %scan3A_554#6, %scan3A_860 = %scan3A_554#7) -> (vector<16xf32>, vector<16xf32>, vector<16xf32>, vector<16xf32>, vector<16xf32>, vector<16xf32>, vector<16xf32>, vector<16xf32>)  : i32 {
        %mul3A_861 = arith.constant 8 : i32
        %mul3A_862 = arith.muli %scan3A_852, %mul3A_861 : i32
        %add3A_863 = arith.constant 0 : i32
        %add3A_864 = arith.addi %mul3A_862, %add3A_863 : i32
        %get3A = arith.index_cast %add3A_864 : i32 to index
        %get3A_865 = arith.constant 0 : index
        %get3A_866 = tpu.vector_load %arg13[%get3A, %get3A_865] {strides = array<i32>} : memref<72x64xf32, #tpu.memory_space<vmem>>, vector<1x16xf32>,
        %get3A_867 = vector.shape_cast %get3A_866 : vector<1x16xf32> to vector<16xf32>
        %add3A_868 = arith.addf %scan3A_853, %get3A_867 : vector<16xf32>
        %get3A_869 = arith.index_cast %add3A_864 : i32 to index
        %get3A_870 = arith.constant 16 : index
        %get3A_871 = tpu.vector_load %arg13[%get3A_869, %get3A_870] {strides = array<i32>} : memref<72x64xf32, #tpu.memory_space<vmem>>, vector<1x16xf32>,
        %get3A_872 = vector.shape_cast %get3A_871 : vector<1x16xf32> to vector<16xf32>
        %add3A_873 = arith.addf %scan3A_854, %get3A_872 : vector<16xf32>
        %get3A_874 = arith.index_cast %add3A_864 : i32 to index
        %get3A_875 = arith.constant 32 : index
        %get3A_876 = tpu.vector_load %arg13[%get3A_874, %get3A_875] {strides = array<i32>} : memref<72x64xf32, #tpu.memory_space<vmem>>, vector<1x16xf32>,
        %get3A_877 = vector.shape_cast %get3A_876 : vector<1x16xf32> to vector<16xf32>
        %add3A_878 = arith.addf %scan3A_855, %get3A_877 : vector<16xf32>
        %get3A_879 = arith.index_cast %add3A_864 : i32 to index
        %get3A_880 = arith.constant 48 : index
        %get3A_881 = tpu.vector_load %arg13[%get3A_879, %get3A_880] {strides = array<i32>} : memref<72x64xf32, #tpu.memory_space<vmem>>, vector<1x16xf32>,
        %get3A_882 = vector.shape_cast %get3A_881 : vector<1x16xf32> to vector<16xf32>
        %add3A_883 = arith.addf %scan3A_856, %get3A_882 : vector<16xf32>
        %mul3A_884 = arith.constant 8 : i32
        %mul3A_885 = arith.muli %scan3A_852, %mul3A_884 : i32
        %add3A_886 = arith.constant 1 : i32
        %add3A_887 = arith.addi %mul3A_885, %add3A_886 : i32
        %get3A_888 = arith.index_cast %add3A_887 : i32 to index
        %get3A_889 = arith.constant 0 : index
        %get3A_890 = tpu.vector_load %arg13[%get3A_888, %get3A_889] {strides = array<i32>} : memref<72x64xf32, #tpu.memory_space<vmem>>, vector<1x16xf32>,
        %get3A_891 = vector.shape_cast %get3A_890 : vector<1x16xf32> to vector<16xf32>
        %add3A_892 = arith.addf %scan3A_857, %get3A_891 : vector<16xf32>
        %get3A_893 = arith.index_cast %add3A_887 : i32 to index
        %get3A_894 = arith.constant 16 : index
        %get3A_895 = tpu.vector_load %arg13[%get3A_893, %get3A_894] {strides = array<i32>} : memref<72x64xf32, #tpu.memory_space<vmem>>, vector<1x16xf32>,
        %get3A_896 = vector.shape_cast %get3A_895 : vector<1x16xf32> to vector<16xf32>
        %add3A_897 = arith.addf %scan3A_858, %get3A_896 : vector<16xf32>
        %get3A_898 = arith.index_cast %add3A_887 : i32 to index
        %get3A_899 = arith.constant 32 : index
        %get3A_900 = tpu.vector_load %arg13[%get3A_898, %get3A_899] {strides = array<i32>} : memref<72x64xf32, #tpu.memory_space<vmem>>, vector<1x16xf32>,
        %get3A_901 = vector.shape_cast %get3A_900 : vector<1x16xf32> to vector<16xf32>
        %add3A_902 = arith.addf %scan3A_859, %get3A_901 : vector<16xf32>
        %get3A_903 = arith.index_cast %add3A_887 : i32 to index
        %get3A_904 = arith.constant 48 : index
        %get3A_905 = tpu.vector_load %arg13[%get3A_903, %get3A_904] {strides = array<i32>} : memref<72x64xf32, #tpu.memory_space<vmem>>, vector<1x16xf32>,
        %get3A_906 = vector.shape_cast %get3A_905 : vector<1x16xf32> to vector<16xf32>
        %add3A_907 = arith.addf %scan3A_860, %get3A_906 : vector<16xf32>
        %mul3A_908 = arith.constant 8 : i32
        %mul3A_909 = arith.muli %scan3A_852, %mul3A_908 : i32
        %add3A_910 = arith.constant 2 : i32
        %add3A_911 = arith.addi %mul3A_909, %add3A_910 : i32
        %get3A_912 = arith.index_cast %add3A_911 : i32 to index
        %get3A_913 = arith.constant 0 : index
        %get3A_914 = tpu.vector_load %arg13[%get3A_912, %get3A_913] {strides = array<i32>} : memref<72x64xf32, #tpu.memory_space<vmem>>, vector<1x16xf32>,
        %get3A_915 = vector.shape_cast %get3A_914 : vector<1x16xf32> to vector<16xf32>
        %add3A_916 = arith.addf %add3A_868, %get3A_915 : vector<16xf32>
        %get3A_917 = arith.index_cast %add3A_911 : i32 to index
        %get3A_918 = arith.constant 16 : index
        %get3A_919 = tpu.vector_load %arg13[%get3A_917, %get3A_918] {strides = array<i32>} : memref<72x64xf32, #tpu.memory_space<vmem>>, vector<1x16xf32>,
        %get3A_920 = vector.shape_cast %get3A_919 : vector<1x16xf32> to vector<16xf32>
        %add3A_921 = arith.addf %add3A_873, %get3A_920 : vector<16xf32>
        %get3A_922 = arith.index_cast %add3A_911 : i32 to index
        %get3A_923 = arith.constant 32 : index
        %get3A_924 = tpu.vector_load %arg13[%get3A_922, %get3A_923] {strides = array<i32>} : memref<72x64xf32, #tpu.memory_space<vmem>>, vector<1x16xf32>,
        %get3A_925 = vector.shape_cast %get3A_924 : vector<1x16xf32> to vector<16xf32>
        %add3A_926 = arith.addf %add3A_878, %get3A_925 : vector<16xf32>
        %get3A_927 = arith.index_cast %add3A_911 : i32 to index
        %get3A_928 = arith.constant 48 : index
        %get3A_929 = tpu.vector_load %arg13[%get3A_927, %get3A_928] {strides = array<i32>} : memref<72x64xf32, #tpu.memory_space<vmem>>, vector<1x16xf32>,
        %get3A_930 = vector.shape_cast %get3A_929 : vector<1x16xf32> to vector<16xf32>
        %add3A_931 = arith.addf %add3A_883, %get3A_930 : vector<16xf32>
        %mul3A_932 = arith.constant 8 : i32
        %mul3A_933 = arith.muli %scan3A_852, %mul3A_932 : i32
        %add3A_934 = arith.constant 3 : i32
        %add3A_935 = arith.addi %mul3A_933, %add3A_934 : i32
        %get3A_936 = arith.index_cast %add3A_935 : i32 to index
        %get3A_937 = arith.constant 0 : index
        %get3A_938 = tpu.vector_load %arg13[%get3A_936, %get3A_937] {strides = array<i32>} : memref<72x64xf32, #tpu.memory_space<vmem>>, vector<1x16xf32>,
        %get3A_939 = vector.shape_cast %get3A_938 : vector<1x16xf32> to vector<16xf32>
        %add3A_940 = arith.addf %add3A_892, %get3A_939 : vector<16xf32>
        %get3A_941 = arith.index_cast %add3A_935 : i32 to index
        %get3A_942 = arith.constant 16 : index
        %get3A_943 = tpu.vector_load %arg13[%get3A_941, %get3A_942] {strides = array<i32>} : memref<72x64xf32, #tpu.memory_space<vmem>>, vector<1x16xf32>,
        %get3A_944 = vector.shape_cast %get3A_943 : vector<1x16xf32> to vector<16xf32>
        %add3A_945 = arith.addf %add3A_897, %get3A_944 : vector<16xf32>
        %get3A_946 = arith.index_cast %add3A_935 : i32 to index
        %get3A_947 = arith.constant 32 : index
        %get3A_948 = tpu.vector_load %arg13[%get3A_946, %get3A_947] {strides = array<i32>} : memref<72x64xf32, #tpu.memory_space<vmem>>, vector<1x16xf32>,
        %get3A_949 = vector.shape_cast %get3A_948 : vector<1x16xf32> to vector<16xf32>
        %add3A_950 = arith.addf %add3A_902, %get3A_949 : vector<16xf32>
        %get3A_951 = arith.index_cast %add3A_935 : i32 to index
        %get3A_952 = arith.constant 48 : index
        %get3A_953 = tpu.vector_load %arg13[%get3A_951, %get3A_952] {strides = array<i32>} : memref<72x64xf32, #tpu.memory_space<vmem>>, vector<1x16xf32>,
        %get3A_954 = vector.shape_cast %get3A_953 : vector<1x16xf32> to vector<16xf32>
        %add3A_955 = arith.addf %add3A_907, %get3A_954 : vector<16xf32>
        %mul3A_956 = arith.constant 8 : i32
        %mul3A_957 = arith.muli %scan3A_852, %mul3A_956 : i32
        %add3A_958 = arith.constant 4 : i32
        %add3A_959 = arith.addi %mul3A_957, %add3A_958 : i32
        %get3A_960 = arith.index_cast %add3A_959 : i32 to index
        %get3A_961 = arith.constant 0 : index
        %get3A_962 = tpu.vector_load %arg13[%get3A_960, %get3A_961] {strides = array<i32>} : memref<72x64xf32, #tpu.memory_space<vmem>>, vector<1x16xf32>,
        %get3A_963 = vector.shape_cast %get3A_962 : vector<1x16xf32> to vector<16xf32>
        %add3A_964 = arith.addf %add3A_916, %get3A_963 : vector<16xf32>
        %get3A_965 = arith.index_cast %add3A_959 : i32 to index
        %get3A_966 = arith.constant 16 : index
        %get3A_967 = tpu.vector_load %arg13[%get3A_965, %get3A_966] {strides = array<i32>} : memref<72x64xf32, #tpu.memory_space<vmem>>, vector<1x16xf32>,
        %get3A_968 = vector.shape_cast %get3A_967 : vector<1x16xf32> to vector<16xf32>
        %add3A_969 = arith.addf %add3A_921, %get3A_968 : vector<16xf32>
        %get3A_970 = arith.index_cast %add3A_959 : i32 to index
        %get3A_971 = arith.constant 32 : index
        %get3A_972 = tpu.vector_load %arg13[%get3A_970, %get3A_971] {strides = array<i32>} : memref<72x64xf32, #tpu.memory_space<vmem>>, vector<1x16xf32>,
        %get3A_973 = vector.shape_cast %get3A_972 : vector<1x16xf32> to vector<16xf32>
        %add3A_974 = arith.addf %add3A_926, %get3A_973 : vector<16xf32>
        %get3A_975 = arith.index_cast %add3A_959 : i32 to index
        %get3A_976 = arith.constant 48 : index
        %get3A_977 = tpu.vector_load %arg13[%get3A_975, %get3A_976] {strides = array<i32>} : memref<72x64xf32, #tpu.memory_space<vmem>>, vector<1x16xf32>,
        %get3A_978 = vector.shape_cast %get3A_977 : vector<1x16xf32> to vector<16xf32>
        %add3A_979 = arith.addf %add3A_931, %get3A_978 : vector<16xf32>
        %mul3A_980 = arith.constant 8 : i32
        %mul3A_981 = arith.muli %scan3A_852, %mul3A_980 : i32
        %add3A_982 = arith.constant 5 : i32
        %add3A_983 = arith.addi %mul3A_981, %add3A_982 : i32
        %get3A_984 = arith.index_cast %add3A_983 : i32 to index
        %get3A_985 = arith.constant 0 : index
        %get3A_986 = tpu.vector_load %arg13[%get3A_984, %get3A_985] {strides = array<i32>} : memref<72x64xf32, #tpu.memory_space<vmem>>, vector<1x16xf32>,
        %get3A_987 = vector.shape_cast %get3A_986 : vector<1x16xf32> to vector<16xf32>
        %add3A_988 = arith.addf %add3A_940, %get3A_987 : vector<16xf32>
        %get3A_989 = arith.index_cast %add3A_983 : i32 to index
        %get3A_990 = arith.constant 16 : index
        %get3A_991 = tpu.vector_load %arg13[%get3A_989, %get3A_990] {strides = array<i32>} : memref<72x64xf32, #tpu.memory_space<vmem>>, vector<1x16xf32>,
        %get3A_992 = vector.shape_cast %get3A_991 : vector<1x16xf32> to vector<16xf32>
        %add3A_993 = arith.addf %add3A_945, %get3A_992 : vector<16xf32>
        %get3A_994 = arith.index_cast %add3A_983 : i32 to index
        %get3A_995 = arith.constant 32 : index
        %get3A_996 = tpu.vector_load %arg13[%get3A_994, %get3A_995] {strides = array<i32>} : memref<72x64xf32, #tpu.memory_space<vmem>>, vector<1x16xf32>,
        %get3A_997 = vector.shape_cast %get3A_996 : vector<1x16xf32> to vector<16xf32>
        %add3A_998 = arith.addf %add3A_950, %get3A_997 : vector<16xf32>
        %get3A_999 = arith.index_cast %add3A_983 : i32 to index
        %get3A_1000 = arith.constant 48 : index
        %get3A_1001 = tpu.vector_load %arg13[%get3A_999, %get3A_1000] {strides = array<i32>} : memref<72x64xf32, #tpu.memory_space<vmem>>, vector<1x16xf32>,
        %get3A_1002 = vector.shape_cast %get3A_1001 : vector<1x16xf32> to vector<16xf32>
        %add3A_1003 = arith.addf %add3A_955, %get3A_1002 : vector<16xf32>
        %mul3A_1004 = arith.constant 8 : i32
        %mul3A_1005 = arith.muli %scan3A_852, %mul3A_1004 : i32
        %add3A_1006 = arith.constant 6 : i32
        %add3A_1007 = arith.addi %mul3A_1005, %add3A_1006 : i32
        %get3A_1008 = arith.index_cast %add3A_1007 : i32 to index
        %get3A_1009 = arith.constant 0 : index
        %get3A_1010 = tpu.vector_load %arg13[%get3A_1008, %get3A_1009] {strides = array<i32>} : memref<72x64xf32, #tpu.memory_space<vmem>>, vector<1x16xf32>,
        %get3A_1011 = vector.shape_cast %get3A_1010 : vector<1x16xf32> to vector<16xf32>
        %add3A_1012 = arith.addf %add3A_964, %get3A_1011 : vector<16xf32>
        %get3A_1013 = arith.index_cast %add3A_1007 : i32 to index
        %get3A_1014 = arith.constant 16 : index
        %get3A_1015 = tpu.vector_load %arg13[%get3A_1013, %get3A_1014] {strides = array<i32>} : memref<72x64xf32, #tpu.memory_space<vmem>>, vector<1x16xf32>,
        %get3A_1016 = vector.shape_cast %get3A_1015 : vector<1x16xf32> to vector<16xf32>
        %add3A_1017 = arith.addf %add3A_969, %get3A_1016 : vector<16xf32>
        %get3A_1018 = arith.index_cast %add3A_1007 : i32 to index
        %get3A_1019 = arith.constant 32 : index
        %get3A_1020 = tpu.vector_load %arg13[%get3A_1018, %get3A_1019] {strides = array<i32>} : memref<72x64xf32, #tpu.memory_space<vmem>>, vector<1x16xf32>,
        %get3A_1021 = vector.shape_cast %get3A_1020 : vector<1x16xf32> to vector<16xf32>
        %add3A_1022 = arith.addf %add3A_974, %get3A_1021 : vector<16xf32>
        %get3A_1023 = arith.index_cast %add3A_1007 : i32 to index
        %get3A_1024 = arith.constant 48 : index
        %get3A_1025 = tpu.vector_load %arg13[%get3A_1023, %get3A_1024] {strides = array<i32>} : memref<72x64xf32, #tpu.memory_space<vmem>>, vector<1x16xf32>,
        %get3A_1026 = vector.shape_cast %get3A_1025 : vector<1x16xf32> to vector<16xf32>
        %add3A_1027 = arith.addf %add3A_979, %get3A_1026 : vector<16xf32>
        %mul3A_1028 = arith.constant 8 : i32
        %mul3A_1029 = arith.muli %scan3A_852, %mul3A_1028 : i32
        %add3A_1030 = arith.constant 7 : i32
        %add3A_1031 = arith.addi %mul3A_1029, %add3A_1030 : i32
        %get3A_1032 = arith.index_cast %add3A_1031 : i32 to index
        %get3A_1033 = arith.constant 0 : index
        %get3A_1034 = tpu.vector_load %arg13[%get3A_1032, %get3A_1033] {strides = array<i32>} : memref<72x64xf32, #tpu.memory_space<vmem>>, vector<1x16xf32>,
        %get3A_1035 = vector.shape_cast %get3A_1034 : vector<1x16xf32> to vector<16xf32>
        %add3A_1036 = arith.addf %add3A_988, %get3A_1035 : vector<16xf32>
        %get3A_1037 = arith.index_cast %add3A_1031 : i32 to index
        %get3A_1038 = arith.constant 16 : index
        %get3A_1039 = tpu.vector_load %arg13[%get3A_1037, %get3A_1038] {strides = array<i32>} : memref<72x64xf32, #tpu.memory_space<vmem>>, vector<1x16xf32>,
        %get3A_1040 = vector.shape_cast %get3A_1039 : vector<1x16xf32> to vector<16xf32>
        %add3A_1041 = arith.addf %add3A_993, %get3A_1040 : vector<16xf32>
        %get3A_1042 = arith.index_cast %add3A_1031 : i32 to index
        %get3A_1043 = arith.constant 32 : index
        %get3A_1044 = tpu.vector_load %arg13[%get3A_1042, %get3A_1043] {strides = array<i32>} : memref<72x64xf32, #tpu.memory_space<vmem>>, vector<1x16xf32>,
        %get3A_1045 = vector.shape_cast %get3A_1044 : vector<1x16xf32> to vector<16xf32>
        %add3A_1046 = arith.addf %add3A_998, %get3A_1045 : vector<16xf32>
        %get3A_1047 = arith.index_cast %add3A_1031 : i32 to index
        %get3A_1048 = arith.constant 48 : index
        %get3A_1049 = tpu.vector_load %arg13[%get3A_1047, %get3A_1048] {strides = array<i32>} : memref<72x64xf32, #tpu.memory_space<vmem>>, vector<1x16xf32>,
        %get3A_1050 = vector.shape_cast %get3A_1049 : vector<1x16xf32> to vector<16xf32>
        %add3A_1051 = arith.addf %add3A_1003, %get3A_1050 : vector<16xf32>
        scf.yield %add3A_1012, %add3A_1017, %add3A_1022, %add3A_1027, %add3A_1036, %add3A_1041, %add3A_1046, %add3A_1051 : vector<16xf32>, vector<16xf32>, vector<16xf32>, vector<16xf32>, vector<16xf32>, vector<16xf32>, vector<16xf32>, vector<16xf32>
      }
      %scan3A_631 = arith.constant 9 : i32
      %add3A_632 = arith.addf %scan3A_630#0, %scan3A_630#4 : vector<16xf32>
      %mul3A_633 = vector.broadcast %scan3A_52 : f32 to vector<16xf32>
      %mul3A_634 = arith.mulf %add3A_632, %mul3A_633 : vector<16xf32>
      %swap3A_635 = arith.index_cast %add3A_479 : i32 to index
      %swap3A_636 = arith.constant 0 : index
      %swap3A_637 = tpu.vector_load %arg16[%swap3A_635, %swap3A_636] {strides = array<i32>} : memref<128x64xf32, #tpu.memory_space<vmem>>, vector<1x16xf32>,
      %swap3A_638 = vector.shape_cast %swap3A_637 : vector<1x16xf32> to vector<16xf32>
      %swap3A_639 = vector.shape_cast %mul3A_634 : vector<16xf32> to vector<1x16xf32>
      tpu.vector_store %arg16[%swap3A_635, %swap3A_636], %swap3A_639 {strides = array<i32>} : memref<128x64xf32, #tpu.memory_space<vmem>>, vector<1x16xf32>,
      %add3A_640 = arith.addf %scan3A_630#1, %scan3A_630#5 : vector<16xf32>
      %mul3A_641 = vector.broadcast %scan3A_52 : f32 to vector<16xf32>
      %mul3A_642 = arith.mulf %add3A_640, %mul3A_641 : vector<16xf32>
      %swap3A_643 = arith.index_cast %add3A_479 : i32 to index
      %swap3A_644 = arith.constant 16 : index
      %swap3A_645 = tpu.vector_load %arg16[%swap3A_643, %swap3A_644] {strides = array<i32>} : memref<128x64xf32, #tpu.memory_space<vmem>>, vector<1x16xf32>,
      %swap3A_646 = vector.shape_cast %swap3A_645 : vector<1x16xf32> to vector<16xf32>
      %swap3A_647 = vector.shape_cast %mul3A_642 : vector<16xf32> to vector<1x16xf32>
      tpu.vector_store %arg16[%swap3A_643, %swap3A_644], %swap3A_647 {strides = array<i32>} : memref<128x64xf32, #tpu.memory_space<vmem>>, vector<1x16xf32>,
      %add3A_648 = arith.addf %scan3A_630#2, %scan3A_630#6 : vector<16xf32>
      %mul3A_649 = vector.broadcast %scan3A_52 : f32 to vector<16xf32>
      %mul3A_650 = arith.mulf %add3A_648, %mul3A_649 : vector<16xf32>
      %swap3A_651 = arith.index_cast %add3A_479 : i32 to index
      %swap3A_652 = arith.constant 32 : index
      %swap3A_653 = tpu.vector_load %arg16[%swap3A_651, %swap3A_652] {strides = array<i32>} : memref<128x64xf32, #tpu.memory_space<vmem>>, vector<1x16xf32>,
      %swap3A_654 = vector.shape_cast %swap3A_653 : vector<1x16xf32> to vector<16xf32>
      %swap3A_655 = vector.shape_cast %mul3A_650 : vector<16xf32> to vector<1x16xf32>
      tpu.vector_store %arg16[%swap3A_651, %swap3A_652], %swap3A_655 {strides = array<i32>} : memref<128x64xf32, #tpu.memory_space<vmem>>, vector<1x16xf32>,
      %add3A_656 = arith.addf %scan3A_630#3, %scan3A_630#7 : vector<16xf32>
      %mul3A_657 = vector.broadcast %scan3A_52 : f32 to vector<16xf32>
      %mul3A_658 = arith.mulf %add3A_656, %mul3A_657 : vector<16xf32>
      %swap3A_659 = arith.index_cast %add3A_479 : i32 to index
      %swap3A_660 = arith.constant 48 : index
      %swap3A_661 = tpu.vector_load %arg16[%swap3A_659, %swap3A_660] {strides = array<i32>} : memref<128x64xf32, #tpu.memory_space<vmem>>, vector<1x16xf32>,
      %swap3A_662 = vector.shape_cast %swap3A_661 : vector<1x16xf32> to vector<16xf32>
      %swap3A_663 = vector.shape_cast %mul3A_658 : vector<16xf32> to vector<1x16xf32>
      tpu.vector_store %arg16[%swap3A_659, %swap3A_660], %swap3A_663 {strides = array<i32>} : memref<128x64xf32, #tpu.memory_space<vmem>>, vector<1x16xf32>,
      %mul3A_664 = arith.constant 4 : i32
      %mul3A_665 = arith.muli %mul3A_664, %scan3A_106 : i32
      %add3A_666 = arith.constant 3 : i32
      %add3A_667 = arith.addi %mul3A_665, %add3A_666 : i32
      %add3A_668 = arith.constant 6 : i32
      %add3A_669 = arith.addi %mul3A_108, %add3A_668 : i32
      %add3A_670 = arith.constant 8 : i32
      %add3A_671 = arith.addi %add3A_669, %add3A_670 : i32
      %sub3A_672 = arith.constant 1 : i32
      %sub3A_673 = arith.subi %add3A_671, %sub3A_672 : i32
      %and3A_674 = arith.constant 255 : i32
      %and3A_675 = arith.andi %sub3A_673, %and3A_674 : i32
      %jit3A_676 = arith.constant 2 : i32
      %div3A_677 = arith.divsi %and3A_675, %jit3A_676 : i32
      %sign3A_678 = arith.constant 0 : i32
      %sign3A_679 = arith.cmpi sgt, %and3A_675, %sign3A_678 : i32
      %sign3A_680 = arith.extui %sign3A_679 : i1 to i32
      %sign3A_681 = arith.constant 0 : i32
      %sign3A_682 = arith.cmpi slt, %and3A_675, %sign3A_681 : i32
      %sign3A_683 = arith.extui %sign3A_682 : i1 to i32
      %sign3A_684 = arith.subi %sign3A_680, %sign3A_683 : i32
      %sign3A_685 = arith.constant 0 : i32
      %sign3A_686 = arith.cmpi sgt, %jit3A_676, %sign3A_685 : i32
      %sign3A_687 = arith.extui %sign3A_686 : i1 to i32
      %sign3A_688 = arith.constant 0 : i32
      %sign3A_689 = arith.cmpi slt, %jit3A_676, %sign3A_688 : i32
      %sign3A_690 = arith.extui %sign3A_689 : i1 to i32
      %sign3A_691 = arith.subi %sign3A_687, %sign3A_690 : i32
      %ne3A_692 = arith.cmpi ne, %sign3A_684, %sign3A_691 : i32
      %rem3A_693 = arith.remsi %and3A_675, %jit3A_676 : i32
      %ne3A_694 = arith.constant 0 : i32
      %ne3A_695 = arith.cmpi ne, %rem3A_693, %ne3A_694 : i32
      %and3A_696 = arith.andi %ne3A_692, %ne3A_695 : i1
      %sub3A_697 = arith.constant 1 : i32
      %sub3A_698 = arith.subi %div3A_677, %sub3A_697 : i32
      %select_n3A_699 = arith.select %and3A_696, %sub3A_698, %div3A_677 : i32
      %dma_start3A_700 = arith.constant 56 : i32
      %dma_start3A_701 = tpu.memref_slice %arg7[%select_n3A_699, %dma_start3A_700] : memref<128x128xi32, #tpu.memory_space<vmem>> -> memref<1x72xi32, #tpu.memory_space<vmem>>
      %dma_start3A_702 = tpu.memref_squeeze %dma_start3A_701 : memref<1x72xi32, #tpu.memory_space<vmem>> -> memref<72xi32, #tpu.memory_space<vmem>>
      %dma_start3A_703 = arith.constant 0 : i32
      %dma_start3A_704 = arith.constant 0 : i32
      %dma_start3A_705 = tpu.memref_slice %arg4[%dma_start3A_703, %dma_start3A_704] : memref<1000000x64xf32, #tpu.memory_space<hbm>> -> memref<1000000x64xf32, #tpu.memory_space<hbm>>
      tpu.enqueue_indirect_dma source(%dma_start3A_705 : memref<1000000x64xf32, #tpu.memory_space<hbm>>) target(%arg13 : memref<72x64xf32, #tpu.memory_space<vmem>>) offsets(%dma_start3A_702 : memref<72xi32, #tpu.memory_space<vmem>>) semaphore(%arg22 : memref<!tpu.dma_semaphore, #tpu.memory_space<semaphore_mem>>)
      %add3A_706 = arith.constant 6 : i32
      %add3A_707 = arith.addi %mul3A_108, %add3A_706 : i32
      %jit3A_708 = arith.constant 2 : i32
      %div3A_709 = arith.divsi %add3A_707, %jit3A_708 : i32
      %sign3A_710 = arith.constant 0 : i32
      %sign3A_711 = arith.cmpi sgt, %add3A_707, %sign3A_710 : i32
      %sign3A_712 = arith.extui %sign3A_711 : i1 to i32
      %sign3A_713 = arith.constant 0 : i32
      %sign3A_714 = arith.cmpi slt, %add3A_707, %sign3A_713 : i32
      %sign3A_715 = arith.extui %sign3A_714 : i1 to i32
      %sign3A_716 = arith.subi %sign3A_712, %sign3A_715 : i32
      %sign3A_717 = arith.constant 0 : i32
      %sign3A_718 = arith.cmpi sgt, %jit3A_708, %sign3A_717 : i32
      %sign3A_719 = arith.extui %sign3A_718 : i1 to i32
      %sign3A_720 = arith.constant 0 : i32
      %sign3A_721 = arith.cmpi slt, %jit3A_708, %sign3A_720 : i32
      %sign3A_722 = arith.extui %sign3A_721 : i1 to i32
      %sign3A_723 = arith.subi %sign3A_719, %sign3A_722 : i32
      %ne3A_724 = arith.cmpi ne, %sign3A_716, %sign3A_723 : i32
      %rem3A_725 = arith.remsi %add3A_707, %jit3A_708 : i32
      %ne3A_726 = arith.constant 0 : i32
      %ne3A_727 = arith.cmpi ne, %rem3A_725, %ne3A_726 : i32
      %and3A_728 = arith.andi %ne3A_724, %ne3A_727 : i1
      %sub3A_729 = arith.constant 1 : i32
      %sub3A_730 = arith.subi %div3A_709, %sub3A_729 : i32
      %select_n3A_731 = arith.select %and3A_728, %sub3A_730, %div3A_709 : i32
      %dma_wait3A_732 = arith.constant 0 : i32
      %dma_wait3A_733 = tpu.memref_slice %arg6[%select_n3A_731, %dma_wait3A_732] : memref<128x128xi32, #tpu.memory_space<vmem>> -> memref<1x128xi32, #tpu.memory_space<vmem>>
      %dma_wait3A_734 = tpu.memref_squeeze %dma_wait3A_733 : memref<1x128xi32, #tpu.memory_space<vmem>> -> memref<128xi32, #tpu.memory_space<vmem>>
      %dma_wait3A_735 = arith.constant 0 : i32
      %dma_wait3A_736 = arith.constant 0 : i32
      %dma_wait3A_737 = tpu.memref_slice %arg4[%dma_wait3A_735, %dma_wait3A_736] : memref<1000000x64xf32, #tpu.memory_space<hbm>> -> memref<1000000x64xf32, #tpu.memory_space<hbm>>
      tpu.wait_indirect_dma semaphore(%arg23 : memref<!tpu.dma_semaphore, #tpu.memory_space<semaphore_mem>>) src(%dma_wait3A_737 : memref<1000000x64xf32, #tpu.memory_space<hbm>>) dst(%arg14 : memref<128x64xf32, #tpu.memory_space<vmem>>)
      %scan3A_738 = arith.constant 0 : i32
      %scan3A_739 = arith.constant 16 : i32
      %scan3A_740 = arith.addi %scan3A_738, %scan3A_739 : i32
      %scan3A_741 = arith.constant 1 : i32
      %scan3A_742:8 = scf.for %scan3A_852 = %scan3A_738 to %scan3A_740 step %scan3A_741 iter_args(%scan3A_853 = %broadcast_in_dim3A_3, %scan3A_854 = %broadcast_in_dim3A_3, %scan3A_855 = %broadcast_in_dim3A_3, %scan3A_856 = %broadcast_in_dim3A_3, %scan3A_857 = %broadcast_in_dim3A_3, %scan3A_858 = %broadcast_in_dim3A_3, %scan3A_859 = %broadcast_in_dim3A_3, %scan3A_860 = %broadcast_in_dim3A_3) -> (vector<16xf32>, vector<16xf32>, vector<16xf32>, vector<16xf32>, vector<16xf32>, vector<16xf32>, vector<16xf32>, vector<16xf32>)  : i32 {
        %mul3A_861 = arith.constant 8 : i32
        %mul3A_862 = arith.muli %scan3A_852, %mul3A_861 : i32
        %add3A_863 = arith.constant 0 : i32
        %add3A_864 = arith.addi %mul3A_862, %add3A_863 : i32
        %get3A = arith.index_cast %add3A_864 : i32 to index
        %get3A_865 = arith.constant 0 : index
        %get3A_866 = tpu.vector_load %arg14[%get3A, %get3A_865] {strides = array<i32>} : memref<128x64xf32, #tpu.memory_space<vmem>>, vector<1x16xf32>,
        %get3A_867 = vector.shape_cast %get3A_866 : vector<1x16xf32> to vector<16xf32>
        %add3A_868 = arith.addf %scan3A_853, %get3A_867 : vector<16xf32>
        %get3A_869 = arith.index_cast %add3A_864 : i32 to index
        %get3A_870 = arith.constant 16 : index
        %get3A_871 = tpu.vector_load %arg14[%get3A_869, %get3A_870] {strides = array<i32>} : memref<128x64xf32, #tpu.memory_space<vmem>>, vector<1x16xf32>,
        %get3A_872 = vector.shape_cast %get3A_871 : vector<1x16xf32> to vector<16xf32>
        %add3A_873 = arith.addf %scan3A_854, %get3A_872 : vector<16xf32>
        %get3A_874 = arith.index_cast %add3A_864 : i32 to index
        %get3A_875 = arith.constant 32 : index
        %get3A_876 = tpu.vector_load %arg14[%get3A_874, %get3A_875] {strides = array<i32>} : memref<128x64xf32, #tpu.memory_space<vmem>>, vector<1x16xf32>,
        %get3A_877 = vector.shape_cast %get3A_876 : vector<1x16xf32> to vector<16xf32>
        %add3A_878 = arith.addf %scan3A_855, %get3A_877 : vector<16xf32>
        %get3A_879 = arith.index_cast %add3A_864 : i32 to index
        %get3A_880 = arith.constant 48 : index
        %get3A_881 = tpu.vector_load %arg14[%get3A_879, %get3A_880] {strides = array<i32>} : memref<128x64xf32, #tpu.memory_space<vmem>>, vector<1x16xf32>,
        %get3A_882 = vector.shape_cast %get3A_881 : vector<1x16xf32> to vector<16xf32>
        %add3A_883 = arith.addf %scan3A_856, %get3A_882 : vector<16xf32>
        %mul3A_884 = arith.constant 8 : i32
        %mul3A_885 = arith.muli %scan3A_852, %mul3A_884 : i32
        %add3A_886 = arith.constant 1 : i32
        %add3A_887 = arith.addi %mul3A_885, %add3A_886 : i32
        %get3A_888 = arith.index_cast %add3A_887 : i32 to index
        %get3A_889 = arith.constant 0 : index
        %get3A_890 = tpu.vector_load %arg14[%get3A_888, %get3A_889] {strides = array<i32>} : memref<128x64xf32, #tpu.memory_space<vmem>>, vector<1x16xf32>,
        %get3A_891 = vector.shape_cast %get3A_890 : vector<1x16xf32> to vector<16xf32>
        %add3A_892 = arith.addf %scan3A_857, %get3A_891 : vector<16xf32>
        %get3A_893 = arith.index_cast %add3A_887 : i32 to index
        %get3A_894 = arith.constant 16 : index
        %get3A_895 = tpu.vector_load %arg14[%get3A_893, %get3A_894] {strides = array<i32>} : memref<128x64xf32, #tpu.memory_space<vmem>>, vector<1x16xf32>,
        %get3A_896 = vector.shape_cast %get3A_895 : vector<1x16xf32> to vector<16xf32>
        %add3A_897 = arith.addf %scan3A_858, %get3A_896 : vector<16xf32>
        %get3A_898 = arith.index_cast %add3A_887 : i32 to index
        %get3A_899 = arith.constant 32 : index
        %get3A_900 = tpu.vector_load %arg14[%get3A_898, %get3A_899] {strides = array<i32>} : memref<128x64xf32, #tpu.memory_space<vmem>>, vector<1x16xf32>,
        %get3A_901 = vector.shape_cast %get3A_900 : vector<1x16xf32> to vector<16xf32>
        %add3A_902 = arith.addf %scan3A_859, %get3A_901 : vector<16xf32>
        %get3A_903 = arith.index_cast %add3A_887 : i32 to index
        %get3A_904 = arith.constant 48 : index
        %get3A_905 = tpu.vector_load %arg14[%get3A_903, %get3A_904] {strides = array<i32>} : memref<128x64xf32, #tpu.memory_space<vmem>>, vector<1x16xf32>,
        %get3A_906 = vector.shape_cast %get3A_905 : vector<1x16xf32> to vector<16xf32>
        %add3A_907 = arith.addf %scan3A_860, %get3A_906 : vector<16xf32>
        %mul3A_908 = arith.constant 8 : i32
        %mul3A_909 = arith.muli %scan3A_852, %mul3A_908 : i32
        %add3A_910 = arith.constant 2 : i32
        %add3A_911 = arith.addi %mul3A_909, %add3A_910 : i32
        %get3A_912 = arith.index_cast %add3A_911 : i32 to index
        %get3A_913 = arith.constant 0 : index
        %get3A_914 = tpu.vector_load %arg14[%get3A_912, %get3A_913] {strides = array<i32>} : memref<128x64xf32, #tpu.memory_space<vmem>>, vector<1x16xf32>,
        %get3A_915 = vector.shape_cast %get3A_914 : vector<1x16xf32> to vector<16xf32>
        %add3A_916 = arith.addf %add3A_868, %get3A_915 : vector<16xf32>
        %get3A_917 = arith.index_cast %add3A_911 : i32 to index
        %get3A_918 = arith.constant 16 : index
        %get3A_919 = tpu.vector_load %arg14[%get3A_917, %get3A_918] {strides = array<i32>} : memref<128x64xf32, #tpu.memory_space<vmem>>, vector<1x16xf32>,
        %get3A_920 = vector.shape_cast %get3A_919 : vector<1x16xf32> to vector<16xf32>
        %add3A_921 = arith.addf %add3A_873, %get3A_920 : vector<16xf32>
        %get3A_922 = arith.index_cast %add3A_911 : i32 to index
        %get3A_923 = arith.constant 32 : index
        %get3A_924 = tpu.vector_load %arg14[%get3A_922, %get3A_923] {strides = array<i32>} : memref<128x64xf32, #tpu.memory_space<vmem>>, vector<1x16xf32>,
        %get3A_925 = vector.shape_cast %get3A_924 : vector<1x16xf32> to vector<16xf32>
        %add3A_926 = arith.addf %add3A_878, %get3A_925 : vector<16xf32>
        %get3A_927 = arith.index_cast %add3A_911 : i32 to index
        %get3A_928 = arith.constant 48 : index
        %get3A_929 = tpu.vector_load %arg14[%get3A_927, %get3A_928] {strides = array<i32>} : memref<128x64xf32, #tpu.memory_space<vmem>>, vector<1x16xf32>,
        %get3A_930 = vector.shape_cast %get3A_929 : vector<1x16xf32> to vector<16xf32>
        %add3A_931 = arith.addf %add3A_883, %get3A_930 : vector<16xf32>
        %mul3A_932 = arith.constant 8 : i32
        %mul3A_933 = arith.muli %scan3A_852, %mul3A_932 : i32
        %add3A_934 = arith.constant 3 : i32
        %add3A_935 = arith.addi %mul3A_933, %add3A_934 : i32
        %get3A_936 = arith.index_cast %add3A_935 : i32 to index
        %get3A_937 = arith.constant 0 : index
        %get3A_938 = tpu.vector_load %arg14[%get3A_936, %get3A_937] {strides = array<i32>} : memref<128x64xf32, #tpu.memory_space<vmem>>, vector<1x16xf32>,
        %get3A_939 = vector.shape_cast %get3A_938 : vector<1x16xf32> to vector<16xf32>
        %add3A_940 = arith.addf %add3A_892, %get3A_939 : vector<16xf32>
        %get3A_941 = arith.index_cast %add3A_935 : i32 to index
        %get3A_942 = arith.constant 16 : index
        %get3A_943 = tpu.vector_load %arg14[%get3A_941, %get3A_942] {strides = array<i32>} : memref<128x64xf32, #tpu.memory_space<vmem>>, vector<1x16xf32>,
        %get3A_944 = vector.shape_cast %get3A_943 : vector<1x16xf32> to vector<16xf32>
        %add3A_945 = arith.addf %add3A_897, %get3A_944 : vector<16xf32>
        %get3A_946 = arith.index_cast %add3A_935 : i32 to index
        %get3A_947 = arith.constant 32 : index
        %get3A_948 = tpu.vector_load %arg14[%get3A_946, %get3A_947] {strides = array<i32>} : memref<128x64xf32, #tpu.memory_space<vmem>>, vector<1x16xf32>,
        %get3A_949 = vector.shape_cast %get3A_948 : vector<1x16xf32> to vector<16xf32>
        %add3A_950 = arith.addf %add3A_902, %get3A_949 : vector<16xf32>
        %get3A_951 = arith.index_cast %add3A_935 : i32 to index
        %get3A_952 = arith.constant 48 : index
        %get3A_953 = tpu.vector_load %arg14[%get3A_951, %get3A_952] {strides = array<i32>} : memref<128x64xf32, #tpu.memory_space<vmem>>, vector<1x16xf32>,
        %get3A_954 = vector.shape_cast %get3A_953 : vector<1x16xf32> to vector<16xf32>
        %add3A_955 = arith.addf %add3A_907, %get3A_954 : vector<16xf32>
        %mul3A_956 = arith.constant 8 : i32
        %mul3A_957 = arith.muli %scan3A_852, %mul3A_956 : i32
        %add3A_958 = arith.constant 4 : i32
        %add3A_959 = arith.addi %mul3A_957, %add3A_958 : i32
        %get3A_960 = arith.index_cast %add3A_959 : i32 to index
        %get3A_961 = arith.constant 0 : index
        %get3A_962 = tpu.vector_load %arg14[%get3A_960, %get3A_961] {strides = array<i32>} : memref<128x64xf32, #tpu.memory_space<vmem>>, vector<1x16xf32>,
        %get3A_963 = vector.shape_cast %get3A_962 : vector<1x16xf32> to vector<16xf32>
        %add3A_964 = arith.addf %add3A_916, %get3A_963 : vector<16xf32>
        %get3A_965 = arith.index_cast %add3A_959 : i32 to index
        %get3A_966 = arith.constant 16 : index
        %get3A_967 = tpu.vector_load %arg14[%get3A_965, %get3A_966] {strides = array<i32>} : memref<128x64xf32, #tpu.memory_space<vmem>>, vector<1x16xf32>,
        %get3A_968 = vector.shape_cast %get3A_967 : vector<1x16xf32> to vector<16xf32>
        %add3A_969 = arith.addf %add3A_921, %get3A_968 : vector<16xf32>
        %get3A_970 = arith.index_cast %add3A_959 : i32 to index
        %get3A_971 = arith.constant 32 : index
        %get3A_972 = tpu.vector_load %arg14[%get3A_970, %get3A_971] {strides = array<i32>} : memref<128x64xf32, #tpu.memory_space<vmem>>, vector<1x16xf32>,
        %get3A_973 = vector.shape_cast %get3A_972 : vector<1x16xf32> to vector<16xf32>
        %add3A_974 = arith.addf %add3A_926, %get3A_973 : vector<16xf32>
        %get3A_975 = arith.index_cast %add3A_959 : i32 to index
        %get3A_976 = arith.constant 48 : index
        %get3A_977 = tpu.vector_load %arg14[%get3A_975, %get3A_976] {strides = array<i32>} : memref<128x64xf32, #tpu.memory_space<vmem>>, vector<1x16xf32>,
        %get3A_978 = vector.shape_cast %get3A_977 : vector<1x16xf32> to vector<16xf32>
        %add3A_979 = arith.addf %add3A_931, %get3A_978 : vector<16xf32>
        %mul3A_980 = arith.constant 8 : i32
        %mul3A_981 = arith.muli %scan3A_852, %mul3A_980 : i32
        %add3A_982 = arith.constant 5 : i32
        %add3A_983 = arith.addi %mul3A_981, %add3A_982 : i32
        %get3A_984 = arith.index_cast %add3A_983 : i32 to index
        %get3A_985 = arith.constant 0 : index
        %get3A_986 = tpu.vector_load %arg14[%get3A_984, %get3A_985] {strides = array<i32>} : memref<128x64xf32, #tpu.memory_space<vmem>>, vector<1x16xf32>,
        %get3A_987 = vector.shape_cast %get3A_986 : vector<1x16xf32> to vector<16xf32>
        %add3A_988 = arith.addf %add3A_940, %get3A_987 : vector<16xf32>
        %get3A_989 = arith.index_cast %add3A_983 : i32 to index
        %get3A_990 = arith.constant 16 : index
        %get3A_991 = tpu.vector_load %arg14[%get3A_989, %get3A_990] {strides = array<i32>} : memref<128x64xf32, #tpu.memory_space<vmem>>, vector<1x16xf32>,
        %get3A_992 = vector.shape_cast %get3A_991 : vector<1x16xf32> to vector<16xf32>
        %add3A_993 = arith.addf %add3A_945, %get3A_992 : vector<16xf32>
        %get3A_994 = arith.index_cast %add3A_983 : i32 to index
        %get3A_995 = arith.constant 32 : index
        %get3A_996 = tpu.vector_load %arg14[%get3A_994, %get3A_995] {strides = array<i32>} : memref<128x64xf32, #tpu.memory_space<vmem>>, vector<1x16xf32>,
        %get3A_997 = vector.shape_cast %get3A_996 : vector<1x16xf32> to vector<16xf32>
        %add3A_998 = arith.addf %add3A_950, %get3A_997 : vector<16xf32>
        %get3A_999 = arith.index_cast %add3A_983 : i32 to index
        %get3A_1000 = arith.constant 48 : index
        %get3A_1001 = tpu.vector_load %arg14[%get3A_999, %get3A_1000] {strides = array<i32>} : memref<128x64xf32, #tpu.memory_space<vmem>>, vector<1x16xf32>,
        %get3A_1002 = vector.shape_cast %get3A_1001 : vector<1x16xf32> to vector<16xf32>
        %add3A_1003 = arith.addf %add3A_955, %get3A_1002 : vector<16xf32>
        %mul3A_1004 = arith.constant 8 : i32
        %mul3A_1005 = arith.muli %scan3A_852, %mul3A_1004 : i32
        %add3A_1006 = arith.constant 6 : i32
        %add3A_1007 = arith.addi %mul3A_1005, %add3A_1006 : i32
        %get3A_1008 = arith.index_cast %add3A_1007 : i32 to index
        %get3A_1009 = arith.constant 0 : index
        %get3A_1010 = tpu.vector_load %arg14[%get3A_1008, %get3A_1009] {strides = array<i32>} : memref<128x64xf32, #tpu.memory_space<vmem>>, vector<1x16xf32>,
        %get3A_1011 = vector.shape_cast %get3A_1010 : vector<1x16xf32> to vector<16xf32>
        %add3A_1012 = arith.addf %add3A_964, %get3A_1011 : vector<16xf32>
        %get3A_1013 = arith.index_cast %add3A_1007 : i32 to index
        %get3A_1014 = arith.constant 16 : index
        %get3A_1015 = tpu.vector_load %arg14[%get3A_1013, %get3A_1014] {strides = array<i32>} : memref<128x64xf32, #tpu.memory_space<vmem>>, vector<1x16xf32>,
        %get3A_1016 = vector.shape_cast %get3A_1015 : vector<1x16xf32> to vector<16xf32>
        %add3A_1017 = arith.addf %add3A_969, %get3A_1016 : vector<16xf32>
        %get3A_1018 = arith.index_cast %add3A_1007 : i32 to index
        %get3A_1019 = arith.constant 32 : index
        %get3A_1020 = tpu.vector_load %arg14[%get3A_1018, %get3A_1019] {strides = array<i32>} : memref<128x64xf32, #tpu.memory_space<vmem>>, vector<1x16xf32>,
        %get3A_1021 = vector.shape_cast %get3A_1020 : vector<1x16xf32> to vector<16xf32>
        %add3A_1022 = arith.addf %add3A_974, %get3A_1021 : vector<16xf32>
        %get3A_1023 = arith.index_cast %add3A_1007 : i32 to index
        %get3A_1024 = arith.constant 48 : index
        %get3A_1025 = tpu.vector_load %arg14[%get3A_1023, %get3A_1024] {strides = array<i32>} : memref<128x64xf32, #tpu.memory_space<vmem>>, vector<1x16xf32>,
        %get3A_1026 = vector.shape_cast %get3A_1025 : vector<1x16xf32> to vector<16xf32>
        %add3A_1027 = arith.addf %add3A_979, %get3A_1026 : vector<16xf32>
        %mul3A_1028 = arith.constant 8 : i32
        %mul3A_1029 = arith.muli %scan3A_852, %mul3A_1028 : i32
        %add3A_1030 = arith.constant 7 : i32
        %add3A_1031 = arith.addi %mul3A_1029, %add3A_1030 : i32
        %get3A_1032 = arith.index_cast %add3A_1031 : i32 to index
        %get3A_1033 = arith.constant 0 : index
        %get3A_1034 = tpu.vector_load %arg14[%get3A_1032, %get3A_1033] {strides = array<i32>} : memref<128x64xf32, #tpu.memory_space<vmem>>, vector<1x16xf32>,
        %get3A_1035 = vector.shape_cast %get3A_1034 : vector<1x16xf32> to vector<16xf32>
        %add3A_1036 = arith.addf %add3A_988, %get3A_1035 : vector<16xf32>
        %get3A_1037 = arith.index_cast %add3A_1031 : i32 to index
        %get3A_1038 = arith.constant 16 : index
        %get3A_1039 = tpu.vector_load %arg14[%get3A_1037, %get3A_1038] {strides = array<i32>} : memref<128x64xf32, #tpu.memory_space<vmem>>, vector<1x16xf32>,
        %get3A_1040 = vector.shape_cast %get3A_1039 : vector<1x16xf32> to vector<16xf32>
        %add3A_1041 = arith.addf %add3A_993, %get3A_1040 : vector<16xf32>
        %get3A_1042 = arith.index_cast %add3A_1031 : i32 to index
        %get3A_1043 = arith.constant 32 : index
        %get3A_1044 = tpu.vector_load %arg14[%get3A_1042, %get3A_1043] {strides = array<i32>} : memref<128x64xf32, #tpu.memory_space<vmem>>, vector<1x16xf32>,
        %get3A_1045 = vector.shape_cast %get3A_1044 : vector<1x16xf32> to vector<16xf32>
        %add3A_1046 = arith.addf %add3A_998, %get3A_1045 : vector<16xf32>
        %get3A_1047 = arith.index_cast %add3A_1031 : i32 to index
        %get3A_1048 = arith.constant 48 : index
        %get3A_1049 = tpu.vector_load %arg14[%get3A_1047, %get3A_1048] {strides = array<i32>} : memref<128x64xf32, #tpu.memory_space<vmem>>, vector<1x16xf32>,
        %get3A_1050 = vector.shape_cast %get3A_1049 : vector<1x16xf32> to vector<16xf32>
        %add3A_1051 = arith.addf %add3A_1003, %get3A_1050 : vector<16xf32>
        scf.yield %add3A_1012, %add3A_1017, %add3A_1022, %add3A_1027, %add3A_1036, %add3A_1041, %add3A_1046, %add3A_1051 : vector<16xf32>, vector<16xf32>, vector<16xf32>, vector<16xf32>, vector<16xf32>, vector<16xf32>, vector<16xf32>, vector<16xf32>
      }
      %scan3A_743 = arith.constant 16 : i32
      %add3A_744 = arith.constant 7 : i32
      %add3A_745 = arith.addi %mul3A_108, %add3A_744 : i32
      %add3A_746 = arith.constant 8 : i32
      %add3A_747 = arith.addi %add3A_745, %add3A_746 : i32
      %sub3A_748 = arith.constant 1 : i32
      %sub3A_749 = arith.subi %add3A_747, %sub3A_748 : i32
      %and3A_750 = arith.constant 255 : i32
      %and3A_751 = arith.andi %sub3A_749, %and3A_750 : i32
      %jit3A_752 = arith.constant 2 : i32
      %div3A_753 = arith.divsi %and3A_751, %jit3A_752 : i32
      %sign3A_754 = arith.constant 0 : i32
      %sign3A_755 = arith.cmpi sgt, %and3A_751, %sign3A_754 : i32
      %sign3A_756 = arith.extui %sign3A_755 : i1 to i32
      %sign3A_757 = arith.constant 0 : i32
      %sign3A_758 = arith.cmpi slt, %and3A_751, %sign3A_757 : i32
      %sign3A_759 = arith.extui %sign3A_758 : i1 to i32
      %sign3A_760 = arith.subi %sign3A_756, %sign3A_759 : i32
      %sign3A_761 = arith.constant 0 : i32
      %sign3A_762 = arith.cmpi sgt, %jit3A_752, %sign3A_761 : i32
      %sign3A_763 = arith.extui %sign3A_762 : i1 to i32
      %sign3A_764 = arith.constant 0 : i32
      %sign3A_765 = arith.cmpi slt, %jit3A_752, %sign3A_764 : i32
      %sign3A_766 = arith.extui %sign3A_765 : i1 to i32
      %sign3A_767 = arith.subi %sign3A_763, %sign3A_766 : i32
      %ne3A_768 = arith.cmpi ne, %sign3A_760, %sign3A_767 : i32
      %rem3A_769 = arith.remsi %and3A_751, %jit3A_752 : i32
      %ne3A_770 = arith.constant 0 : i32
      %ne3A_771 = arith.cmpi ne, %rem3A_769, %ne3A_770 : i32
      %and3A_772 = arith.andi %ne3A_768, %ne3A_771 : i1
      %sub3A_773 = arith.constant 1 : i32
      %sub3A_774 = arith.subi %div3A_753, %sub3A_773 : i32
      %select_n3A_775 = arith.select %and3A_772, %sub3A_774, %div3A_753 : i32
      %dma_start3A_776 = arith.constant 0 : i32
      %dma_start3A_777 = tpu.memref_slice %arg6[%select_n3A_775, %dma_start3A_776] : memref<128x128xi32, #tpu.memory_space<vmem>> -> memref<1x128xi32, #tpu.memory_space<vmem>>
      %dma_start3A_778 = tpu.memref_squeeze %dma_start3A_777 : memref<1x128xi32, #tpu.memory_space<vmem>> -> memref<128xi32, #tpu.memory_space<vmem>>
      %dma_start3A_779 = arith.constant 0 : i32
      %dma_start3A_780 = arith.constant 0 : i32
      %dma_start3A_781 = tpu.memref_slice %arg4[%dma_start3A_779, %dma_start3A_780] : memref<1000000x64xf32, #tpu.memory_space<hbm>> -> memref<1000000x64xf32, #tpu.memory_space<hbm>>
      tpu.enqueue_indirect_dma source(%dma_start3A_781 : memref<1000000x64xf32, #tpu.memory_space<hbm>>) target(%arg14 : memref<128x64xf32, #tpu.memory_space<vmem>>) offsets(%dma_start3A_778 : memref<128xi32, #tpu.memory_space<vmem>>) semaphore(%arg23 : memref<!tpu.dma_semaphore, #tpu.memory_space<semaphore_mem>>)
      %add3A_782 = arith.constant 7 : i32
      %add3A_783 = arith.addi %mul3A_108, %add3A_782 : i32
      %jit3A_784 = arith.constant 2 : i32
      %div3A_785 = arith.divsi %add3A_783, %jit3A_784 : i32
      %sign3A_786 = arith.constant 0 : i32
      %sign3A_787 = arith.cmpi sgt, %add3A_783, %sign3A_786 : i32
      %sign3A_788 = arith.extui %sign3A_787 : i1 to i32
      %sign3A_789 = arith.constant 0 : i32
      %sign3A_790 = arith.cmpi slt, %add3A_783, %sign3A_789 : i32
      %sign3A_791 = arith.extui %sign3A_790 : i1 to i32
      %sign3A_792 = arith.subi %sign3A_788, %sign3A_791 : i32
      %sign3A_793 = arith.constant 0 : i32
      %sign3A_794 = arith.cmpi sgt, %jit3A_784, %sign3A_793 : i32
      %sign3A_795 = arith.extui %sign3A_794 : i1 to i32
      %sign3A_796 = arith.constant 0 : i32
      %sign3A_797 = arith.cmpi slt, %jit3A_784, %sign3A_796 : i32
      %sign3A_798 = arith.extui %sign3A_797 : i1 to i32
      %sign3A_799 = arith.subi %sign3A_795, %sign3A_798 : i32
      %ne3A_800 = arith.cmpi ne, %sign3A_792, %sign3A_799 : i32
      %rem3A_801 = arith.remsi %add3A_783, %jit3A_784 : i32
      %ne3A_802 = arith.constant 0 : i32
      %ne3A_803 = arith.cmpi ne, %rem3A_801, %ne3A_802 : i32
      %and3A_804 = arith.andi %ne3A_800, %ne3A_803 : i1
      %sub3A_805 = arith.constant 1 : i32
      %sub3A_806 = arith.subi %div3A_785, %sub3A_805 : i32
      %select_n3A_807 = arith.select %and3A_804, %sub3A_806, %div3A_785 : i32
      %dma_wait3A_808 = arith.constant 56 : i32
      %dma_wait3A_809 = tpu.memref_slice %arg7[%select_n3A_807, %dma_wait3A_808] : memref<128x128xi32, #tpu.memory_space<vmem>> -> memref<1x72xi32, #tpu.memory_space<vmem>>
      %dma_wait3A_810 = tpu.memref_squeeze %dma_wait3A_809 : memref<1x72xi32, #tpu.memory_space<vmem>> -> memref<72xi32, #tpu.memory_space<vmem>>
      %dma_wait3A_811 = arith.constant 0 : i32
      %dma_wait3A_812 = arith.constant 0 : i32
      %dma_wait3A_813 = tpu.memref_slice %arg4[%dma_wait3A_811, %dma_wait3A_812] : memref<1000000x64xf32, #tpu.memory_space<hbm>> -> memref<1000000x64xf32, #tpu.memory_space<hbm>>
      tpu.wait_indirect_dma semaphore(%arg24 : memref<!tpu.dma_semaphore, #tpu.memory_space<semaphore_mem>>) src(%dma_wait3A_813 : memref<1000000x64xf32, #tpu.memory_space<hbm>>) dst(%arg15 : memref<72x64xf32, #tpu.memory_space<vmem>>)
      %scan3A_814 = arith.constant 0 : i32
      %scan3A_815 = arith.constant 9 : i32
      %scan3A_816 = arith.addi %scan3A_814, %scan3A_815 : i32
      %scan3A_817 = arith.constant 1 : i32
      %scan3A_818:8 = scf.for %scan3A_852 = %scan3A_814 to %scan3A_816 step %scan3A_817 iter_args(%scan3A_853 = %scan3A_742#0, %scan3A_854 = %scan3A_742#1, %scan3A_855 = %scan3A_742#2, %scan3A_856 = %scan3A_742#3, %scan3A_857 = %scan3A_742#4, %scan3A_858 = %scan3A_742#5, %scan3A_859 = %scan3A_742#6, %scan3A_860 = %scan3A_742#7) -> (vector<16xf32>, vector<16xf32>, vector<16xf32>, vector<16xf32>, vector<16xf32>, vector<16xf32>, vector<16xf32>, vector<16xf32>)  : i32 {
        %mul3A_861 = arith.constant 8 : i32
        %mul3A_862 = arith.muli %scan3A_852, %mul3A_861 : i32
        %add3A_863 = arith.constant 0 : i32
        %add3A_864 = arith.addi %mul3A_862, %add3A_863 : i32
        %get3A = arith.index_cast %add3A_864 : i32 to index
        %get3A_865 = arith.constant 0 : index
        %get3A_866 = tpu.vector_load %arg15[%get3A, %get3A_865] {strides = array<i32>} : memref<72x64xf32, #tpu.memory_space<vmem>>, vector<1x16xf32>,
        %get3A_867 = vector.shape_cast %get3A_866 : vector<1x16xf32> to vector<16xf32>
        %add3A_868 = arith.addf %scan3A_853, %get3A_867 : vector<16xf32>
        %get3A_869 = arith.index_cast %add3A_864 : i32 to index
        %get3A_870 = arith.constant 16 : index
        %get3A_871 = tpu.vector_load %arg15[%get3A_869, %get3A_870] {strides = array<i32>} : memref<72x64xf32, #tpu.memory_space<vmem>>, vector<1x16xf32>,
        %get3A_872 = vector.shape_cast %get3A_871 : vector<1x16xf32> to vector<16xf32>
        %add3A_873 = arith.addf %scan3A_854, %get3A_872 : vector<16xf32>
        %get3A_874 = arith.index_cast %add3A_864 : i32 to index
        %get3A_875 = arith.constant 32 : index
        %get3A_876 = tpu.vector_load %arg15[%get3A_874, %get3A_875] {strides = array<i32>} : memref<72x64xf32, #tpu.memory_space<vmem>>, vector<1x16xf32>,
        %get3A_877 = vector.shape_cast %get3A_876 : vector<1x16xf32> to vector<16xf32>
        %add3A_878 = arith.addf %scan3A_855, %get3A_877 : vector<16xf32>
        %get3A_879 = arith.index_cast %add3A_864 : i32 to index
        %get3A_880 = arith.constant 48 : index
        %get3A_881 = tpu.vector_load %arg15[%get3A_879, %get3A_880] {strides = array<i32>} : memref<72x64xf32, #tpu.memory_space<vmem>>, vector<1x16xf32>,
        %get3A_882 = vector.shape_cast %get3A_881 : vector<1x16xf32> to vector<16xf32>
        %add3A_883 = arith.addf %scan3A_856, %get3A_882 : vector<16xf32>
        %mul3A_884 = arith.constant 8 : i32
        %mul3A_885 = arith.muli %scan3A_852, %mul3A_884 : i32
        %add3A_886 = arith.constant 1 : i32
        %add3A_887 = arith.addi %mul3A_885, %add3A_886 : i32
        %get3A_888 = arith.index_cast %add3A_887 : i32 to index
        %get3A_889 = arith.constant 0 : index
        %get3A_890 = tpu.vector_load %arg15[%get3A_888, %get3A_889] {strides = array<i32>} : memref<72x64xf32, #tpu.memory_space<vmem>>, vector<1x16xf32>,
        %get3A_891 = vector.shape_cast %get3A_890 : vector<1x16xf32> to vector<16xf32>
        %add3A_892 = arith.addf %scan3A_857, %get3A_891 : vector<16xf32>
        %get3A_893 = arith.index_cast %add3A_887 : i32 to index
        %get3A_894 = arith.constant 16 : index
        %get3A_895 = tpu.vector_load %arg15[%get3A_893, %get3A_894] {strides = array<i32>} : memref<72x64xf32, #tpu.memory_space<vmem>>, vector<1x16xf32>,
        %get3A_896 = vector.shape_cast %get3A_895 : vector<1x16xf32> to vector<16xf32>
        %add3A_897 = arith.addf %scan3A_858, %get3A_896 : vector<16xf32>
        %get3A_898 = arith.index_cast %add3A_887 : i32 to index
        %get3A_899 = arith.constant 32 : index
        %get3A_900 = tpu.vector_load %arg15[%get3A_898, %get3A_899] {strides = array<i32>} : memref<72x64xf32, #tpu.memory_space<vmem>>, vector<1x16xf32>,
        %get3A_901 = vector.shape_cast %get3A_900 : vector<1x16xf32> to vector<16xf32>
        %add3A_902 = arith.addf %scan3A_859, %get3A_901 : vector<16xf32>
        %get3A_903 = arith.index_cast %add3A_887 : i32 to index
        %get3A_904 = arith.constant 48 : index
        %get3A_905 = tpu.vector_load %arg15[%get3A_903, %get3A_904] {strides = array<i32>} : memref<72x64xf32, #tpu.memory_space<vmem>>, vector<1x16xf32>,
        %get3A_906 = vector.shape_cast %get3A_905 : vector<1x16xf32> to vector<16xf32>
        %add3A_907 = arith.addf %scan3A_860, %get3A_906 : vector<16xf32>
        %mul3A_908 = arith.constant 8 : i32
        %mul3A_909 = arith.muli %scan3A_852, %mul3A_908 : i32
        %add3A_910 = arith.constant 2 : i32
        %add3A_911 = arith.addi %mul3A_909, %add3A_910 : i32
        %get3A_912 = arith.index_cast %add3A_911 : i32 to index
        %get3A_913 = arith.constant 0 : index
        %get3A_914 = tpu.vector_load %arg15[%get3A_912, %get3A_913] {strides = array<i32>} : memref<72x64xf32, #tpu.memory_space<vmem>>, vector<1x16xf32>,
        %get3A_915 = vector.shape_cast %get3A_914 : vector<1x16xf32> to vector<16xf32>
        %add3A_916 = arith.addf %add3A_868, %get3A_915 : vector<16xf32>
        %get3A_917 = arith.index_cast %add3A_911 : i32 to index
        %get3A_918 = arith.constant 16 : index
        %get3A_919 = tpu.vector_load %arg15[%get3A_917, %get3A_918] {strides = array<i32>} : memref<72x64xf32, #tpu.memory_space<vmem>>, vector<1x16xf32>,
        %get3A_920 = vector.shape_cast %get3A_919 : vector<1x16xf32> to vector<16xf32>
        %add3A_921 = arith.addf %add3A_873, %get3A_920 : vector<16xf32>
        %get3A_922 = arith.index_cast %add3A_911 : i32 to index
        %get3A_923 = arith.constant 32 : index
        %get3A_924 = tpu.vector_load %arg15[%get3A_922, %get3A_923] {strides = array<i32>} : memref<72x64xf32, #tpu.memory_space<vmem>>, vector<1x16xf32>,
        %get3A_925 = vector.shape_cast %get3A_924 : vector<1x16xf32> to vector<16xf32>
        %add3A_926 = arith.addf %add3A_878, %get3A_925 : vector<16xf32>
        %get3A_927 = arith.index_cast %add3A_911 : i32 to index
        %get3A_928 = arith.constant 48 : index
        %get3A_929 = tpu.vector_load %arg15[%get3A_927, %get3A_928] {strides = array<i32>} : memref<72x64xf32, #tpu.memory_space<vmem>>, vector<1x16xf32>,
        %get3A_930 = vector.shape_cast %get3A_929 : vector<1x16xf32> to vector<16xf32>
        %add3A_931 = arith.addf %add3A_883, %get3A_930 : vector<16xf32>
        %mul3A_932 = arith.constant 8 : i32
        %mul3A_933 = arith.muli %scan3A_852, %mul3A_932 : i32
        %add3A_934 = arith.constant 3 : i32
        %add3A_935 = arith.addi %mul3A_933, %add3A_934 : i32
        %get3A_936 = arith.index_cast %add3A_935 : i32 to index
        %get3A_937 = arith.constant 0 : index
        %get3A_938 = tpu.vector_load %arg15[%get3A_936, %get3A_937] {strides = array<i32>} : memref<72x64xf32, #tpu.memory_space<vmem>>, vector<1x16xf32>,
        %get3A_939 = vector.shape_cast %get3A_938 : vector<1x16xf32> to vector<16xf32>
        %add3A_940 = arith.addf %add3A_892, %get3A_939 : vector<16xf32>
        %get3A_941 = arith.index_cast %add3A_935 : i32 to index
        %get3A_942 = arith.constant 16 : index
        %get3A_943 = tpu.vector_load %arg15[%get3A_941, %get3A_942] {strides = array<i32>} : memref<72x64xf32, #tpu.memory_space<vmem>>, vector<1x16xf32>,
        %get3A_944 = vector.shape_cast %get3A_943 : vector<1x16xf32> to vector<16xf32>
        %add3A_945 = arith.addf %add3A_897, %get3A_944 : vector<16xf32>
        %get3A_946 = arith.index_cast %add3A_935 : i32 to index
        %get3A_947 = arith.constant 32 : index
        %get3A_948 = tpu.vector_load %arg15[%get3A_946, %get3A_947] {strides = array<i32>} : memref<72x64xf32, #tpu.memory_space<vmem>>, vector<1x16xf32>,
        %get3A_949 = vector.shape_cast %get3A_948 : vector<1x16xf32> to vector<16xf32>
        %add3A_950 = arith.addf %add3A_902, %get3A_949 : vector<16xf32>
        %get3A_951 = arith.index_cast %add3A_935 : i32 to index
        %get3A_952 = arith.constant 48 : index
        %get3A_953 = tpu.vector_load %arg15[%get3A_951, %get3A_952] {strides = array<i32>} : memref<72x64xf32, #tpu.memory_space<vmem>>, vector<1x16xf32>,
        %get3A_954 = vector.shape_cast %get3A_953 : vector<1x16xf32> to vector<16xf32>
        %add3A_955 = arith.addf %add3A_907, %get3A_954 : vector<16xf32>
        %mul3A_956 = arith.constant 8 : i32
        %mul3A_957 = arith.muli %scan3A_852, %mul3A_956 : i32
        %add3A_958 = arith.constant 4 : i32
        %add3A_959 = arith.addi %mul3A_957, %add3A_958 : i32
        %get3A_960 = arith.index_cast %add3A_959 : i32 to index
        %get3A_961 = arith.constant 0 : index
        %get3A_962 = tpu.vector_load %arg15[%get3A_960, %get3A_961] {strides = array<i32>} : memref<72x64xf32, #tpu.memory_space<vmem>>, vector<1x16xf32>,
        %get3A_963 = vector.shape_cast %get3A_962 : vector<1x16xf32> to vector<16xf32>
        %add3A_964 = arith.addf %add3A_916, %get3A_963 : vector<16xf32>
        %get3A_965 = arith.index_cast %add3A_959 : i32 to index
        %get3A_966 = arith.constant 16 : index
        %get3A_967 = tpu.vector_load %arg15[%get3A_965, %get3A_966] {strides = array<i32>} : memref<72x64xf32, #tpu.memory_space<vmem>>, vector<1x16xf32>,
        %get3A_968 = vector.shape_cast %get3A_967 : vector<1x16xf32> to vector<16xf32>
        %add3A_969 = arith.addf %add3A_921, %get3A_968 : vector<16xf32>
        %get3A_970 = arith.index_cast %add3A_959 : i32 to index
        %get3A_971 = arith.constant 32 : index
        %get3A_972 = tpu.vector_load %arg15[%get3A_970, %get3A_971] {strides = array<i32>} : memref<72x64xf32, #tpu.memory_space<vmem>>, vector<1x16xf32>,
        %get3A_973 = vector.shape_cast %get3A_972 : vector<1x16xf32> to vector<16xf32>
        %add3A_974 = arith.addf %add3A_926, %get3A_973 : vector<16xf32>
        %get3A_975 = arith.index_cast %add3A_959 : i32 to index
        %get3A_976 = arith.constant 48 : index
        %get3A_977 = tpu.vector_load %arg15[%get3A_975, %get3A_976] {strides = array<i32>} : memref<72x64xf32, #tpu.memory_space<vmem>>, vector<1x16xf32>,
        %get3A_978 = vector.shape_cast %get3A_977 : vector<1x16xf32> to vector<16xf32>
        %add3A_979 = arith.addf %add3A_931, %get3A_978 : vector<16xf32>
        %mul3A_980 = arith.constant 8 : i32
        %mul3A_981 = arith.muli %scan3A_852, %mul3A_980 : i32
        %add3A_982 = arith.constant 5 : i32
        %add3A_983 = arith.addi %mul3A_981, %add3A_982 : i32
        %get3A_984 = arith.index_cast %add3A_983 : i32 to index
        %get3A_985 = arith.constant 0 : index
        %get3A_986 = tpu.vector_load %arg15[%get3A_984, %get3A_985] {strides = array<i32>} : memref<72x64xf32, #tpu.memory_space<vmem>>, vector<1x16xf32>,
        %get3A_987 = vector.shape_cast %get3A_986 : vector<1x16xf32> to vector<16xf32>
        %add3A_988 = arith.addf %add3A_940, %get3A_987 : vector<16xf32>
        %get3A_989 = arith.index_cast %add3A_983 : i32 to index
        %get3A_990 = arith.constant 16 : index
        %get3A_991 = tpu.vector_load %arg15[%get3A_989, %get3A_990] {strides = array<i32>} : memref<72x64xf32, #tpu.memory_space<vmem>>, vector<1x16xf32>,
        %get3A_992 = vector.shape_cast %get3A_991 : vector<1x16xf32> to vector<16xf32>
        %add3A_993 = arith.addf %add3A_945, %get3A_992 : vector<16xf32>
        %get3A_994 = arith.index_cast %add3A_983 : i32 to index
        %get3A_995 = arith.constant 32 : index
        %get3A_996 = tpu.vector_load %arg15[%get3A_994, %get3A_995] {strides = array<i32>} : memref<72x64xf32, #tpu.memory_space<vmem>>, vector<1x16xf32>,
        %get3A_997 = vector.shape_cast %get3A_996 : vector<1x16xf32> to vector<16xf32>
        %add3A_998 = arith.addf %add3A_950, %get3A_997 : vector<16xf32>
        %get3A_999 = arith.index_cast %add3A_983 : i32 to index
        %get3A_1000 = arith.constant 48 : index
        %get3A_1001 = tpu.vector_load %arg15[%get3A_999, %get3A_1000] {strides = array<i32>} : memref<72x64xf32, #tpu.memory_space<vmem>>, vector<1x16xf32>,
        %get3A_1002 = vector.shape_cast %get3A_1001 : vector<1x16xf32> to vector<16xf32>
        %add3A_1003 = arith.addf %add3A_955, %get3A_1002 : vector<16xf32>
        %mul3A_1004 = arith.constant 8 : i32
        %mul3A_1005 = arith.muli %scan3A_852, %mul3A_1004 : i32
        %add3A_1006 = arith.constant 6 : i32
        %add3A_1007 = arith.addi %mul3A_1005, %add3A_1006 : i32
        %get3A_1008 = arith.index_cast %add3A_1007 : i32 to index
        %get3A_1009 = arith.constant 0 : index
        %get3A_1010 = tpu.vector_load %arg15[%get3A_1008, %get3A_1009] {strides = array<i32>} : memref<72x64xf32, #tpu.memory_space<vmem>>, vector<1x16xf32>,
        %get3A_1011 = vector.shape_cast %get3A_1010 : vector<1x16xf32> to vector<16xf32>
        %add3A_1012 = arith.addf %add3A_964, %get3A_1011 : vector<16xf32>
        %get3A_1013 = arith.index_cast %add3A_1007 : i32 to index
        %get3A_1014 = arith.constant 16 : index
        %get3A_1015 = tpu.vector_load %arg15[%get3A_1013, %get3A_1014] {strides = array<i32>} : memref<72x64xf32, #tpu.memory_space<vmem>>, vector<1x16xf32>,
        %get3A_1016 = vector.shape_cast %get3A_1015 : vector<1x16xf32> to vector<16xf32>
        %add3A_1017 = arith.addf %add3A_969, %get3A_1016 : vector<16xf32>
        %get3A_1018 = arith.index_cast %add3A_1007 : i32 to index
        %get3A_1019 = arith.constant 32 : index
        %get3A_1020 = tpu.vector_load %arg15[%get3A_1018, %get3A_1019] {strides = array<i32>} : memref<72x64xf32, #tpu.memory_space<vmem>>, vector<1x16xf32>,
        %get3A_1021 = vector.shape_cast %get3A_1020 : vector<1x16xf32> to vector<16xf32>
        %add3A_1022 = arith.addf %add3A_974, %get3A_1021 : vector<16xf32>
        %get3A_1023 = arith.index_cast %add3A_1007 : i32 to index
        %get3A_1024 = arith.constant 48 : index
        %get3A_1025 = tpu.vector_load %arg15[%get3A_1023, %get3A_1024] {strides = array<i32>} : memref<72x64xf32, #tpu.memory_space<vmem>>, vector<1x16xf32>,
        %get3A_1026 = vector.shape_cast %get3A_1025 : vector<1x16xf32> to vector<16xf32>
        %add3A_1027 = arith.addf %add3A_979, %get3A_1026 : vector<16xf32>
        %mul3A_1028 = arith.constant 8 : i32
        %mul3A_1029 = arith.muli %scan3A_852, %mul3A_1028 : i32
        %add3A_1030 = arith.constant 7 : i32
        %add3A_1031 = arith.addi %mul3A_1029, %add3A_1030 : i32
        %get3A_1032 = arith.index_cast %add3A_1031 : i32 to index
        %get3A_1033 = arith.constant 0 : index
        %get3A_1034 = tpu.vector_load %arg15[%get3A_1032, %get3A_1033] {strides = array<i32>} : memref<72x64xf32, #tpu.memory_space<vmem>>, vector<1x16xf32>,
        %get3A_1035 = vector.shape_cast %get3A_1034 : vector<1x16xf32> to vector<16xf32>
        %add3A_1036 = arith.addf %add3A_988, %get3A_1035 : vector<16xf32>
        %get3A_1037 = arith.index_cast %add3A_1031 : i32 to index
        %get3A_1038 = arith.constant 16 : index
        %get3A_1039 = tpu.vector_load %arg15[%get3A_1037, %get3A_1038] {strides = array<i32>} : memref<72x64xf32, #tpu.memory_space<vmem>>, vector<1x16xf32>,
        %get3A_1040 = vector.shape_cast %get3A_1039 : vector<1x16xf32> to vector<16xf32>
        %add3A_1041 = arith.addf %add3A_993, %get3A_1040 : vector<16xf32>
        %get3A_1042 = arith.index_cast %add3A_1031 : i32 to index
        %get3A_1043 = arith.constant 32 : index
        %get3A_1044 = tpu.vector_load %arg15[%get3A_1042, %get3A_1043] {strides = array<i32>} : memref<72x64xf32, #tpu.memory_space<vmem>>, vector<1x16xf32>,
        %get3A_1045 = vector.shape_cast %get3A_1044 : vector<1x16xf32> to vector<16xf32>
        %add3A_1046 = arith.addf %add3A_998, %get3A_1045 : vector<16xf32>
        %get3A_1047 = arith.index_cast %add3A_1031 : i32 to index
        %get3A_1048 = arith.constant 48 : index
        %get3A_1049 = tpu.vector_load %arg15[%get3A_1047, %get3A_1048] {strides = array<i32>} : memref<72x64xf32, #tpu.memory_space<vmem>>, vector<1x16xf32>,
        %get3A_1050 = vector.shape_cast %get3A_1049 : vector<1x16xf32> to vector<16xf32>
        %add3A_1051 = arith.addf %add3A_1003, %get3A_1050 : vector<16xf32>
        scf.yield %add3A_1012, %add3A_1017, %add3A_1022, %add3A_1027, %add3A_1036, %add3A_1041, %add3A_1046, %add3A_1051 : vector<16xf32>, vector<16xf32>, vector<16xf32>, vector<16xf32>, vector<16xf32>, vector<16xf32>, vector<16xf32>, vector<16xf32>
      }
      %scan3A_819 = arith.constant 9 : i32
      %add3A_820 = arith.addf %scan3A_818#0, %scan3A_818#4 : vector<16xf32>
      %mul3A_821 = vector.broadcast %scan3A_52 : f32 to vector<16xf32>
      %mul3A_822 = arith.mulf %add3A_820, %mul3A_821 : vector<16xf32>
      %swap3A_823 = arith.index_cast %add3A_667 : i32 to index
      %swap3A_824 = arith.constant 0 : index
      %swap3A_825 = tpu.vector_load %arg16[%swap3A_823, %swap3A_824] {strides = array<i32>} : memref<128x64xf32, #tpu.memory_space<vmem>>, vector<1x16xf32>,
      %swap3A_826 = vector.shape_cast %swap3A_825 : vector<1x16xf32> to vector<16xf32>
      %swap3A_827 = vector.shape_cast %mul3A_822 : vector<16xf32> to vector<1x16xf32>
      tpu.vector_store %arg16[%swap3A_823, %swap3A_824], %swap3A_827 {strides = array<i32>} : memref<128x64xf32, #tpu.memory_space<vmem>>, vector<1x16xf32>,
      %add3A_828 = arith.addf %scan3A_818#1, %scan3A_818#5 : vector<16xf32>
      %mul3A_829 = vector.broadcast %scan3A_52 : f32 to vector<16xf32>
      %mul3A_830 = arith.mulf %add3A_828, %mul3A_829 : vector<16xf32>
      %swap3A_831 = arith.index_cast %add3A_667 : i32 to index
      %swap3A_832 = arith.constant 16 : index
      %swap3A_833 = tpu.vector_load %arg16[%swap3A_831, %swap3A_832] {strides = array<i32>} : memref<128x64xf32, #tpu.memory_space<vmem>>, vector<1x16xf32>,
      %swap3A_834 = vector.shape_cast %swap3A_833 : vector<1x16xf32> to vector<16xf32>
      %swap3A_835 = vector.shape_cast %mul3A_830 : vector<16xf32> to vector<1x16xf32>
      tpu.vector_store %arg16[%swap3A_831, %swap3A_832], %swap3A_835 {strides = array<i32>} : memref<128x64xf32, #tpu.memory_space<vmem>>, vector<1x16xf32>,
      %add3A_836 = arith.addf %scan3A_818#2, %scan3A_818#6 : vector<16xf32>
      %mul3A_837 = vector.broadcast %scan3A_52 : f32 to vector<16xf32>
      %mul3A_838 = arith.mulf %add3A_836, %mul3A_837 : vector<16xf32>
      %swap3A_839 = arith.index_cast %add3A_667 : i32 to index
      %swap3A_840 = arith.constant 32 : index
      %swap3A_841 = tpu.vector_load %arg16[%swap3A_839, %swap3A_840] {strides = array<i32>} : memref<128x64xf32, #tpu.memory_space<vmem>>, vector<1x16xf32>,
      %swap3A_842 = vector.shape_cast %swap3A_841 : vector<1x16xf32> to vector<16xf32>
      %swap3A_843 = vector.shape_cast %mul3A_838 : vector<16xf32> to vector<1x16xf32>
      tpu.vector_store %arg16[%swap3A_839, %swap3A_840], %swap3A_843 {strides = array<i32>} : memref<128x64xf32, #tpu.memory_space<vmem>>, vector<1x16xf32>,
      %add3A_844 = arith.addf %scan3A_818#3, %scan3A_818#7 : vector<16xf32>
      %mul3A_845 = vector.broadcast %scan3A_52 : f32 to vector<16xf32>
      %mul3A_846 = arith.mulf %add3A_844, %mul3A_845 : vector<16xf32>
      %swap3A_847 = arith.index_cast %add3A_667 : i32 to index
      %swap3A_848 = arith.constant 48 : index
      %swap3A_849 = tpu.vector_load %arg16[%swap3A_847, %swap3A_848] {strides = array<i32>} : memref<128x64xf32, #tpu.memory_space<vmem>>, vector<1x16xf32>,
      %swap3A_850 = vector.shape_cast %swap3A_849 : vector<1x16xf32> to vector<16xf32>
      %swap3A_851 = vector.shape_cast %mul3A_846 : vector<16xf32> to vector<1x16xf32>
      tpu.vector_store %arg16[%swap3A_847, %swap3A_848], %swap3A_851 {strides = array<i32>} : memref<128x64xf32, #tpu.memory_space<vmem>>, vector<1x16xf32>,
    }
    %scan3A_57 = arith.constant 32 : i32
    %dma_wait3A = arith.constant 0 : i32
    %dma_wait3A_58 = arith.constant 0 : i32
    %dma_wait3A_59 = tpu.memref_slice %arg6[%dma_wait3A, %dma_wait3A_58] : memref<128x128xi32, #tpu.memory_space<vmem>> -> memref<1x128xi32, #tpu.memory_space<vmem>>
    %dma_wait3A_60 = tpu.memref_squeeze %dma_wait3A_59 : memref<1x128xi32, #tpu.memory_space<vmem>> -> memref<128xi32, #tpu.memory_space<vmem>>
    %dma_wait3A_61 = arith.constant 0 : i32
    %dma_wait3A_62 = arith.constant 0 : i32
    %dma_wait3A_63 = tpu.memref_slice %arg4[%dma_wait3A_61, %dma_wait3A_62] : memref<1000000x64xf32, #tpu.memory_space<hbm>> -> memref<1000000x64xf32, #tpu.memory_space<hbm>>
    tpu.wait_indirect_dma semaphore(%arg17 : memref<!tpu.dma_semaphore, #tpu.memory_space<semaphore_mem>>) src(%dma_wait3A_63 : memref<1000000x64xf32, #tpu.memory_space<hbm>>) dst(%arg8 : memref<128x64xf32, #tpu.memory_space<vmem>>)
    %dma_wait3A_64 = arith.constant 0 : i32
    %dma_wait3A_65 = arith.constant 56 : i32
    %dma_wait3A_66 = tpu.memref_slice %arg7[%dma_wait3A_64, %dma_wait3A_65] : memref<128x128xi32, #tpu.memory_space<vmem>> -> memref<1x72xi32, #tpu.memory_space<vmem>>
    %dma_wait3A_67 = tpu.memref_squeeze %dma_wait3A_66 : memref<1x72xi32, #tpu.memory_space<vmem>> -> memref<72xi32, #tpu.memory_space<vmem>>
    %dma_wait3A_68 = arith.constant 0 : i32
    %dma_wait3A_69 = arith.constant 0 : i32
    %dma_wait3A_70 = tpu.memref_slice %arg4[%dma_wait3A_68, %dma_wait3A_69] : memref<1000000x64xf32, #tpu.memory_space<hbm>> -> memref<1000000x64xf32, #tpu.memory_space<hbm>>
    tpu.wait_indirect_dma semaphore(%arg18 : memref<!tpu.dma_semaphore, #tpu.memory_space<semaphore_mem>>) src(%dma_wait3A_70 : memref<1000000x64xf32, #tpu.memory_space<hbm>>) dst(%arg9 : memref<72x64xf32, #tpu.memory_space<vmem>>)
    %dma_wait3A_71 = arith.constant 1 : i32
    %dma_wait3A_72 = arith.constant 0 : i32
    %dma_wait3A_73 = tpu.memref_slice %arg6[%dma_wait3A_71, %dma_wait3A_72] : memref<128x128xi32, #tpu.memory_space<vmem>> -> memref<1x128xi32, #tpu.memory_space<vmem>>
    %dma_wait3A_74 = tpu.memref_squeeze %dma_wait3A_73 : memref<1x128xi32, #tpu.memory_space<vmem>> -> memref<128xi32, #tpu.memory_space<vmem>>
    %dma_wait3A_75 = arith.constant 0 : i32
    %dma_wait3A_76 = arith.constant 0 : i32
    %dma_wait3A_77 = tpu.memref_slice %arg4[%dma_wait3A_75, %dma_wait3A_76] : memref<1000000x64xf32, #tpu.memory_space<hbm>> -> memref<1000000x64xf32, #tpu.memory_space<hbm>>
    tpu.wait_indirect_dma semaphore(%arg19 : memref<!tpu.dma_semaphore, #tpu.memory_space<semaphore_mem>>) src(%dma_wait3A_77 : memref<1000000x64xf32, #tpu.memory_space<hbm>>) dst(%arg10 : memref<128x64xf32, #tpu.memory_space<vmem>>)
    %dma_wait3A_78 = arith.constant 1 : i32
    %dma_wait3A_79 = arith.constant 56 : i32
    %dma_wait3A_80 = tpu.memref_slice %arg7[%dma_wait3A_78, %dma_wait3A_79] : memref<128x128xi32, #tpu.memory_space<vmem>> -> memref<1x72xi32, #tpu.memory_space<vmem>>
    %dma_wait3A_81 = tpu.memref_squeeze %dma_wait3A_80 : memref<1x72xi32, #tpu.memory_space<vmem>> -> memref<72xi32, #tpu.memory_space<vmem>>
    %dma_wait3A_82 = arith.constant 0 : i32
    %dma_wait3A_83 = arith.constant 0 : i32
    %dma_wait3A_84 = tpu.memref_slice %arg4[%dma_wait3A_82, %dma_wait3A_83] : memref<1000000x64xf32, #tpu.memory_space<hbm>> -> memref<1000000x64xf32, #tpu.memory_space<hbm>>
    tpu.wait_indirect_dma semaphore(%arg20 : memref<!tpu.dma_semaphore, #tpu.memory_space<semaphore_mem>>) src(%dma_wait3A_84 : memref<1000000x64xf32, #tpu.memory_space<hbm>>) dst(%arg11 : memref<72x64xf32, #tpu.memory_space<vmem>>)
    %dma_wait3A_85 = arith.constant 2 : i32
    %dma_wait3A_86 = arith.constant 0 : i32
    %dma_wait3A_87 = tpu.memref_slice %arg6[%dma_wait3A_85, %dma_wait3A_86] : memref<128x128xi32, #tpu.memory_space<vmem>> -> memref<1x128xi32, #tpu.memory_space<vmem>>
    %dma_wait3A_88 = tpu.memref_squeeze %dma_wait3A_87 : memref<1x128xi32, #tpu.memory_space<vmem>> -> memref<128xi32, #tpu.memory_space<vmem>>
    %dma_wait3A_89 = arith.constant 0 : i32
    %dma_wait3A_90 = arith.constant 0 : i32
    %dma_wait3A_91 = tpu.memref_slice %arg4[%dma_wait3A_89, %dma_wait3A_90] : memref<1000000x64xf32, #tpu.memory_space<hbm>> -> memref<1000000x64xf32, #tpu.memory_space<hbm>>
    tpu.wait_indirect_dma semaphore(%arg21 : memref<!tpu.dma_semaphore, #tpu.memory_space<semaphore_mem>>) src(%dma_wait3A_91 : memref<1000000x64xf32, #tpu.memory_space<hbm>>) dst(%arg12 : memref<128x64xf32, #tpu.memory_space<vmem>>)
    %dma_wait3A_92 = arith.constant 2 : i32
    %dma_wait3A_93 = arith.constant 56 : i32
    %dma_wait3A_94 = tpu.memref_slice %arg7[%dma_wait3A_92, %dma_wait3A_93] : memref<128x128xi32, #tpu.memory_space<vmem>> -> memref<1x72xi32, #tpu.memory_space<vmem>>
    %dma_wait3A_95 = tpu.memref_squeeze %dma_wait3A_94 : memref<1x72xi32, #tpu.memory_space<vmem>> -> memref<72xi32, #tpu.memory_space<vmem>>
    %dma_wait3A_96 = arith.constant 0 : i32
    %dma_wait3A_97 = arith.constant 0 : i32
    %dma_wait3A_98 = tpu.memref_slice %arg4[%dma_wait3A_96, %dma_wait3A_97] : memref<1000000x64xf32, #tpu.memory_space<hbm>> -> memref<1000000x64xf32, #tpu.memory_space<hbm>>
    tpu.wait_indirect_dma semaphore(%arg22 : memref<!tpu.dma_semaphore, #tpu.memory_space<semaphore_mem>>) src(%dma_wait3A_98 : memref<1000000x64xf32, #tpu.memory_space<hbm>>) dst(%arg13 : memref<72x64xf32, #tpu.memory_space<vmem>>)
    %dma_wait3A_99 = arith.constant 3 : i32
    %dma_wait3A_100 = arith.constant 0 : i32
    %dma_wait3A_101 = tpu.memref_slice %arg6[%dma_wait3A_99, %dma_wait3A_100] : memref<128x128xi32, #tpu.memory_space<vmem>> -> memref<1x128xi32, #tpu.memory_space<vmem>>
    %dma_wait3A_102 = tpu.memref_squeeze %dma_wait3A_101 : memref<1x128xi32, #tpu.memory_space<vmem>> -> memref<128xi32, #tpu.memory_space<vmem>>
    %dma_wait3A_103 = arith.constant 0 : i32
    %dma_wait3A_104 = arith.constant 0 : i32
    %dma_wait3A_105 = tpu.memref_slice %arg4[%dma_wait3A_103, %dma_wait3A_104] : memref<1000000x64xf32, #tpu.memory_space<hbm>> -> memref<1000000x64xf32, #tpu.memory_space<hbm>>
    tpu.wait_indirect_dma semaphore(%arg23 : memref<!tpu.dma_semaphore, #tpu.memory_space<semaphore_mem>>) src(%dma_wait3A_105 : memref<1000000x64xf32, #tpu.memory_space<hbm>>) dst(%arg14 : memref<128x64xf32, #tpu.memory_space<vmem>>)
    "tpu.region"() ({
      %run_scoped3A = tpu.sem_alloc : memref<!tpu.dma_semaphore, #tpu.memory_space<semaphore_mem>>
      %dma_start3A_106 = arith.constant 0 : i32
      %dma_start3A_107 = tpu.memref_slice %arg5[%mul3A_2, %dma_start3A_106] : memref<4096x64xf32, #tpu.memory_space<hbm>> -> memref<128x64xf32, #tpu.memory_space<hbm>>
      %dma_start3A_108 = arith.constant 0 : i32
      %dma_start3A_109 = tpu.memref_slice %arg5[%mul3A_2, %dma_start3A_108] : memref<4096x64xf32, #tpu.memory_space<hbm>> -> memref<128x64xf32, #tpu.memory_space<hbm>>
      tpu.enqueue_dma source(%arg16 : memref<128x64xf32, #tpu.memory_space<vmem>>) target(%dma_start3A_109 : memref<128x64xf32, #tpu.memory_space<hbm>>) target_semaphore(%run_scoped3A : memref<!tpu.dma_semaphore, #tpu.memory_space<semaphore_mem>>)
      %dma_wait3A_110 = arith.constant 0 : i32
      %dma_wait3A_111 = tpu.memref_slice %arg5[%mul3A_2, %dma_wait3A_110] : memref<4096x64xf32, #tpu.memory_space<hbm>> -> memref<128x64xf32, #tpu.memory_space<hbm>>
      %dma_wait3A_112 = arith.constant 0 : i32
      %dma_wait3A_113 = tpu.memref_slice %arg5[%mul3A_2, %dma_wait3A_112] : memref<4096x64xf32, #tpu.memory_space<hbm>> -> memref<128x64xf32, #tpu.memory_space<hbm>>
      tpu.wait_dma2 semaphore(%run_scoped3A : memref<!tpu.dma_semaphore, #tpu.memory_space<semaphore_mem>>) src(%arg16 : memref<128x64xf32, #tpu.memory_space<vmem>>) dst(%dma_wait3A_113 : memref<128x64xf32, #tpu.memory_space<hbm>>)
      tpu.yield
    }) : () -> ()
    return
  }
}

module attributes {stable_mosaic.version = 14 : i64} {
  func.func @body(%arg0: memref<4096x200xi32, #tpu.memory_space<vmem>>, %arg1: memref<4096x128xi32, #tpu.memory_space<vmem>>, %arg2: memref<4096x128xi32, #tpu.memory_space<vmem>>) attributes {dimension_semantics = [], scalar_prefetch = 0 : i64, scratch_operands = 0 : i64, tpu.core_type = #tpu.core_type<tc>} {
    %get3A = arith.constant 0 : index
    %get3A_0 = arith.constant 0 : index
    %get3A_1 = vector.load %arg0[%get3A, %get3A_0] : memref<4096x200xi32, #tpu.memory_space<vmem>>, vector<4096x200xi32>
    %slice3A = vector.extract_strided_slice %get3A_1 {offsets = [0, 0], sizes = [4096, 128], strides = [1, 1]} : vector<4096x200xi32> to vector<4096x128xi32>
    %swap3A = arith.constant 0 : index
    %swap3A_2 = arith.constant 0 : index
    %swap3A_3 = vector.load %arg1[%swap3A, %swap3A_2] : memref<4096x128xi32, #tpu.memory_space<vmem>>, vector<4096x128xi32>
    tpu.vector_store %arg1[%swap3A, %swap3A_2], %slice3A {strides = array<i32>} : memref<4096x128xi32, #tpu.memory_space<vmem>>, vector<4096x128xi32>,
    %slice3A_4 = vector.extract_strided_slice %get3A_1 {offsets = [0, 72], sizes = [4096, 128], strides = [1, 1]} : vector<4096x200xi32> to vector<4096x128xi32>
    %swap3A_5 = arith.constant 0 : index
    %swap3A_6 = arith.constant 0 : index
    %swap3A_7 = vector.load %arg2[%swap3A_5, %swap3A_6] : memref<4096x128xi32, #tpu.memory_space<vmem>>, vector<4096x128xi32>
    tpu.vector_store %arg2[%swap3A_5, %swap3A_6], %slice3A_4 {strides = array<i32>} : memref<4096x128xi32, #tpu.memory_space<vmem>>, vector<4096x128xi32>,
    return
  }
}

module attributes {stable_mosaic.version = 14 : i64} {
  func.func @body(%arg0: memref<4096x64xf32, #tpu.memory_space<vmem>>, %arg1: memref<64x2xf32, #tpu.memory_space<vmem>>, %arg2: memref<1x2xf32, #tpu.memory_space<vmem>>, %arg3: memref<1x1xf32, #tpu.memory_space<vmem>>, %arg4: memref<4096x2xf32, #tpu.memory_space<vmem>>, %arg5: memref<4096x2xf32, #tpu.memory_space<vmem>>) attributes {dimension_semantics = [], scalar_prefetch = 0 : i64, scratch_operands = 0 : i64, tpu.core_type = #tpu.core_type<tc>} {
    %get3A = arith.constant 0 : index
    %get3A_0 = arith.constant 0 : index
    %get3A_1 = vector.load %arg0[%get3A, %get3A_0] : memref<4096x64xf32, #tpu.memory_space<vmem>>, vector<4096x64xf32>
    %get3A_2 = arith.constant 0 : index
    %get3A_3 = arith.constant 0 : index
    %get3A_4 = vector.load %arg1[%get3A_2, %get3A_3] : memref<64x2xf32, #tpu.memory_space<vmem>>, vector<64x2xf32>
    %dot_general3A = arith.constant dense<0.000000e+00> : vector<4096x2xf32>
    %dot_general3A_5 = tpu.matmul %get3A_1, %get3A_4, %dot_general3A {dimension_numbers = #tpu.dot_dimension_numbers<[1], [0], [0], [1], [0, 0, 1, 1], [], []>, transpose_lhs_hint = false} : vector<4096x64xf32>, vector<64x2xf32>, vector<4096x2xf32> -> vector<4096x2xf32>
    %get3A_6 = arith.constant 0 : index
    %get3A_7 = arith.constant 0 : index
    %get3A_8 = vector.load %arg2[%get3A_6, %get3A_7] : memref<1x2xf32, #tpu.memory_space<vmem>>, vector<1x2xf32>
    %add3A = vector.broadcast %get3A_8 : vector<1x2xf32> to vector<4096x2xf32>
    %add3A_9 = arith.addf %dot_general3A_5, %add3A : vector<4096x2xf32>
    %get3A_10 = arith.constant 0 : index
    %get3A_11 = arith.constant 0 : index
    %get3A_12 = vector.load %arg4[%get3A_10, %get3A_11] : memref<4096x2xf32, #tpu.memory_space<vmem>>, vector<4096x2xf32>
    %get3A_13 = arith.constant 0 : index
    %get3A_14 = arith.constant 0 : index
    %get3A_15 = vector.load %arg3[%get3A_13, %get3A_14] : memref<1x1xf32, #tpu.memory_space<vmem>>, vector<1x1xf32>
    %get3A_16 = vector.extract %get3A_15[0, 0] : f32 from vector<1x1xf32>
    %mul3A = vector.broadcast %get3A_16 : f32 to vector<4096x2xf32>
    %mul3A_17 = arith.mulf %get3A_12, %mul3A : vector<4096x2xf32>
    %add3A_18 = arith.addf %add3A_9, %mul3A_17 : vector<4096x2xf32>
    %reduce_max3A = arith.constant dense<0xFF800000> : vector<4096xf32>
    %reduce_max3A_19 = vector.multi_reduction <maximumf>, %add3A_18, %reduce_max3A [1] : vector<4096x2xf32> to vector<4096xf32>
    %broadcast_in_dim3A = vector.shape_cast %reduce_max3A_19 : vector<4096xf32> to vector<4096x1xf32>
    %sub3A = vector.broadcast %broadcast_in_dim3A : vector<4096x1xf32> to vector<4096x2xf32>
    %sub3A_20 = arith.subf %add3A_18, %sub3A : vector<4096x2xf32>
    %exp3A = math.exp %sub3A_20 : vector<4096x2xf32>
    %sub3A_21 = vector.broadcast %broadcast_in_dim3A : vector<4096x1xf32> to vector<4096x2xf32>
    %sub3A_22 = arith.subf %add3A_18, %sub3A_21 : vector<4096x2xf32>
    %reduce_sum3A = arith.constant dense<0.000000e+00> : vector<4096xf32>
    %reduce_sum3A_23 = vector.multi_reduction <add>, %exp3A, %reduce_sum3A [1] : vector<4096x2xf32> to vector<4096xf32>
    %broadcast_in_dim3A_24 = vector.shape_cast %reduce_sum3A_23 : vector<4096xf32> to vector<4096x1xf32>
    %log3A = math.log %broadcast_in_dim3A_24 : vector<4096x1xf32>
    %sub3A_25 = vector.broadcast %log3A : vector<4096x1xf32> to vector<4096x2xf32>
    %sub3A_26 = arith.subf %sub3A_22, %sub3A_25 : vector<4096x2xf32>
    %swap3A = arith.constant 0 : index
    %swap3A_27 = arith.constant 0 : index
    %swap3A_28 = vector.load %arg5[%swap3A, %swap3A_27] : memref<4096x2xf32, #tpu.memory_space<vmem>>, vector<4096x2xf32>
    tpu.vector_store %arg5[%swap3A, %swap3A_27], %sub3A_26 {strides = array<i32>} : memref<4096x2xf32, #tpu.memory_space<vmem>>, vector<4096x2xf32>,
    return
  }
}

</mosaic_0001>

<sc_bundles>
// kernel: kernel.5.cloned.1.call-start
scs
__scs_entry_jumppad:
0x0: {  	(pc) =	sbr.rel $0x88, $3  }
0x1: {  	(tag) =	ssettag $0x0;
	lr =	simm.s32 $0x1  }
0x2: {  	[smem:$0x3F9C] =	sst lr;
	_ =	strace $0xD0000000  }
0x3: {  	_ = 	snop  }
0x4: {  	_ = 	snop  }
0x5: {  	_ = 	snop  }
0x6: {  	_ = 	snop  }
0x7: {  	_ = 	snop  }
__scs_overlays_trampoline_lowered:
0x8: {  	[smem:$0x3FAB] =	sst s0  }
0x9: {  	[smem:$0x3FAC] =	sst s1  }
0xa: {  	[smem:$0x3FAD] =	sst s2  }
0xb: {  	[smem:$0x3FAE] =	sst s3  }
0xc: {  	[smem:$0x3FAF] =	sst s4  }
0xd: {  	[smem:$0x3FB0] =	sst s5  }
0xe: {  	[smem:$0x3FB1] =	sst s6  }
0xf: {  	[smem:$0x3FB2] =	sst s7  }
0x10: {  	[smem:$0x3FB3] =	sst s8  }
0x11: {  	[smem:$0x3FB4] =	sst s9;
	s0 =	simm.s32 @!p0 $0x0  }
0x12: {  	s1 =	sld [smem:$0x3F9A];
	s0 =	simm.s32 @p0 $0x1  }
0x13: {  	[smem:$0x3FB5] =	sst s0;
	s0 =	simm.s32 @!p1 $0x0  }
0x14: {  	s2 =	sld [smem:$0x3F99];
	s0 =	simm.s32 @p1 $0x1  }
0x15: {  	[smem:$0x3FB6] =	sst s0;
	s0 =	simm.s32 @!p2 $0x0  }
0x16: {  	s3 =	sld [smem:$0x3FDB];
	s0 =	simm.s32 @p2 $0x1  }
0x17: {  	s4 =	simm.s32 $0x1BF5;
	[smem:$0x3FB8] =	sst s0  }
0x18: {  	s0 =	sld [smem:$0x3F9B];
	_ =	swait.ge [sflag:s4], $0x0  }
0x19: {  	s7 =	sld [smem:$0x3F9C]  }
0x1a: {  	s8 =	sadd.s32 $0xFFFFE003, lr  }
0x1b: {  	s9 =	sadd.s32 $0xFFFFFEF7, lr;
	s5 =	simm.s32 $0xFFFFFFFF;
	p2 =	slt.u32 s8, $0xFFFFF086  }
0x1c: {  	p1 =	slt.u32 s9, $0xF7A;
	s5 =	simm.s32 @!p2 $0x0  }
0x1d: {  	s5 =	simm.s32 @p1 $0x1;
	p0 =	seq.s32 s7, s2  }
0x1e: {  	s7 =	smul.u32 @!p0 $0xF7A, s2;
	p2 =	seq.s32 @!p0 s5, $0x0  }
0x1f: {  	s9 =	smul.u32 $0xF7A, s1;
	s8 =	simm.s32 @!p0 $0x1BF5;
	p2 =	por !p2, p0  }
0x20: {  	[sflag:s8] =	ssyncset.s32 @!p0 $0xFFFFF086;
	s6 =	sadd.s32 @!p0 s3, s7;
	s7 =	simm.s32 @!p0 $0x108  }
0x21: {  	s3 =	sadd.s32 s3, s9;
	s6 =	sadd.s32 @!p0 $0x88, s6;
	s7 =	simm.s32 @p2 $0x1082  }
0x22: {  	[simem:s7], [sflag:s8] =	dma.local @!p0 [hbm:s6], $0xF7A  }
0x23: {  	s9 =	sor.u32 $0xD0000000, s2;
	s6 =	simm.s32 $0x108;
	_ =	swait.ge @!p0 [sflag:s8], $0x0  }
0x24: {  	s3 =	sadd.s32 $0x88, s3;
	s6 =	simm.s32 @!p1 $0x1082;
	[sflag:s4] =	ssyncset.s32 $0xFFFFF086  }
0x25: {  	[simem:s6], [sflag:s4] =	dma.local [hbm:s3], $0xF7A  }
0x26: {  	[smem:$0x3F9C] =	sst s1;
	(tag) =	ssettag s2;
	_ =	strace s9  }
0x27: {  	s1 =	sld [smem:$0x3FAC]  }
0x28: {  	s2 =	sld [smem:$0x3FAD]  }
0x29: {  	s4 =	sld [smem:$0x3FAF]  }
0x2a: {  	p0 =	seq.s32 s5, $0x0;
	s5 =	sld [smem:$0x3FB0]  }
0x2b: {  	s6 =	sld [smem:$0x3FB1]  }
0x2c: {  	s7 =	sld [smem:$0x3FB2]  }
0x2d: {  	s3 =	simm.s32 $0x108;
	s8 =	sld [smem:$0x3FB3]  }
0x2e: {  	s3 =	simm.s32 @!p0 $0x1082;
	s9 =	sld [smem:$0x3FB4]  }
0x2f: {  	lr =	sadd.s32 s0, s3;
	s0 =	sld [smem:$0x3FAB]  }
0x30: {  	s3 =	sld [smem:$0x3FAE]  }
0x31: {  	[smem:$0x3FB7] =	sst s10  }
0x32: {  	s10 =	sld [smem:$0x3FB5];
	_ =	sdelay $0x3  }
0x33: {  	p0 =	seq.s32 s10, $0x1;
	s10 =	sld [smem:$0x3FB7];
	_ =	sdelay $0x3  }
0x34: {  	[smem:$0x3FB7] =	sst s10  }
0x35: {  	s10 =	sld [smem:$0x3FB6];
	_ =	sdelay $0x3  }
0x36: {  	p1 =	seq.s32 s10, $0x1;
	s10 =	sld [smem:$0x3FB7];
	_ =	sdelay $0x3  }
0x37: {  	[smem:$0x3FB7] =	sst s10  }
0x38: {  	s10 =	sld [smem:$0x3FB8]  }
0x39: {  	_ = 	snop;
	(pc) =	sbr.ind lr, $3  }
0x3a: {  	_ = 	snop  }
0x3b: {  	_ = 	snop  }
0x3c: {  	p2 =	seq.s32 s10, $0x1;
	s10 =	sld [smem:$0x3FB7]  }
0x3d: {  	_ =	shalt  }
0x3e: {  	_ =	shalt  }
0x3f: {  	_ =	shalt  }
0x40: {  	_ =	shalt  }
0x41: {  	_ =	shalt  }
0x42: {  	_ =	shalt  }
0x43: {  	_ =	shalt  }
0x44: {  	_ =	shalt  }
0x45: {  	_ =	shalt  }
0x46: {  	_ =	shalt  }
0x47: {  	_ =	shalt  }
0x48: {  	_ =	shalt  }
0x49: {  	_ =	shalt  }
0x4a: {  	_ =	shalt  }
0x4b: {  	_ =	shalt  }
0x4c: {  	_ =	shalt  }
0x4d: {  	_ =	shalt  }
0x4e: {  	_ =	shalt  }
0x4f: {  	_ =	shalt  }
0x50: {  	_ =	shalt  }
0x51: {  	_ =	shalt  }
0x52: {  	_ =	shalt  }
0x53: {  	_ =	shalt  }
0x54: {  	_ =	shalt  }
0x55: {  	_ =	shalt  }
0x56: {  	_ =	shalt  }
0x57: {  	_ =	shalt  }
0x58: {  	_ =	shalt  }
0x59: {  	_ =	shalt  }
0x5a: {  	_ =	shalt  }
0x5b: {  	_ =	shalt  }
0x5c: {  	_ =	shalt  }
0x5d: {  	_ =	shalt  }
0x5e: {  	_ =	shalt  }
0x5f: {  	_ =	shalt  }
0x60: {  	_ =	shalt  }
0x61: {  	_ =	shalt  }
0x62: {  	_ =	shalt  }
0x63: {  	_ =	shalt  }
0x64: {  	_ =	shalt  }
0x65: {  	_ =	shalt  }
0x66: {  	_ =	shalt  }
0x67: {  	_ =	shalt  }
0x68: {  	_ =	shalt  }
0x69: {  	_ =	shalt  }
0x6a: {  	_ =	shalt  }
0x6b: {  	_ =	shalt  }
0x6c: {  	_ =	shalt  }
0x6d: {  	_ =	shalt  }
0x6e: {  	_ =	shalt  }
0x6f: {  	_ =	shalt  }
0x70: {  	_ =	shalt  }
0x71: {  	_ =	shalt  }
0x72: {  	_ =	shalt  }
0x73: {  	_ =	shalt  }
0x74: {  	_ =	shalt  }
0x75: {  	_ =	shalt  }
0x76: {  	_ =	shalt  }
0x77: {  	_ =	shalt  }
0x78: {  	_ =	shalt  }
0x79: {  	_ =	shalt  }
0x7a: {  	_ =	shalt  }
0x7b: {  	_ =	shalt  }
0x7c: {  	_ =	shalt  }
0x7d: {  	_ =	shalt  }
0x7e: {  	_ =	shalt  }
0x7f: {  	_ =	shalt  }
0x80: {  	_ =	shalt  }
0x81: {  	_ =	shalt  }
0x82: {  	_ =	shalt  }
0x83: {  	_ =	shalt  }
0x84: {  	_ =	shalt  }
0x85: {  	_ =	shalt  }
0x86: {  	_ =	shalt  }
0x87: {  	_ =	shalt  }
.Lfunc_end0:
.L_simem_size_0:
called_computation_lowered:
.L_overlay_start_0:
0x88: {  	s2 =	sld [smem:$0x3FD9]  }
0x89: {  	s3 =	sld [smem:$0x3FFE];
	_ =	sdelay $0x1  }
0x8a: {  	s1 =	srdreg.scid  }
0x8b: {  	s0 =	sand.u32 $0x1, s1  }
0x8c: {  	s16 =	sshll.u32 s0, $0xA;
	s2 =	sadd.s32 s3, s2  }
0x8d: {  	s2 =	sadd.s32 s2, s16  }
0x8e: {  	[smem:$0x3FC3] =	sst s2  }
0x8f: {  	_ = 	snop  }
0x90: {  	(tm) =	ssettm $0x1  }
0x91: {  	s17 =	sld [smem:$0x3FFB];
	_ =	sdelay $0x3  }
0x92: {  	_ =	strace s17  }
0x93: {  	s2 =	sld [smem:$0x3FFC];
	_ =	sdelay $0x3  }
0x94: {  	_ =	strace s2  }
0x95: {  	s2 =	sld [smem:$0x3FFD];
	_ =	sdelay $0x3  }
0x96: {  	_ =	strace s2  }
0x97: {  	_ =	strace $0x8FFFFFFF  }
0x98: {  	s18 =	sld [smem:$0x3FDB];
	_ =	sdelay $0x1  }
0x99: {  	s19 =	simm.s32 $_scs_section_size  }
0x9a: {  	s4 =	simm.s32 $_size__tile_overlayer_lowered;
	s5 =	simm.s32 $_tile_overlayer_lowered  }
0x9b: {  	s22 =	simm.s32 $0x1BFF;
	s21 =	sshll.u32 s5, $0x1;
	s2 =	sadd.s32 s19, s18  }
0x9c: {  	s6 =	simm.s32 $0x0;
	s20 =	sshll.u32 s4, $0x1;
	s4 =	sadd.s32 s21, s2  }
0x9d: {  	[timem:s6], [sflag:s22] =	dma.local [hbm:s4], s20  }
0x9e: {  	_ =	swait.ge [sflag:s22], s20  }
0x9f: {  	s3 =	ssub.s32 $0x0, s20;
	[sflag:s22] =	ssyncset.done $0x0  }
0xa0: {  	[sflag:s22] =	ssyncadd.s32 s3;
	_ =	sdelay $0x1  }
0xa1: {  	s23 =	simm.s32 $0x1B8B  }
0xa2: {  	_ =	swait.ge [sflag:s23], $0x1  }
0xa3: {  	[sflag:s23] =	ssyncset.done $0x0  }
0xa4: {  	s25 =	simm.s32 $0x1B8E;
	s24 =	sld [smem:$0x3FFE];
	[sflag:s23] =	ssyncadd.s32 $0xFFFFFFFF  }
0xa5: {  	s26 =	simm.s32 $execute0_lowered;
	[smem:$0x3FD2] =	sst s25  }
0xa6: {  	s4 =	sshll.u32 s26, $0x1;
	_ =	strace $0x80000046;
	[dreg:$0x1] =	wrdreg $0xFFFFFFFF  }
0xa7: {  	s28 =	simm.s32 $_size_execute0_lowered;
	s2 =	sadd.s32 s2, s4;
	[dreg:$0x0] =	wrdreg $0x0  }
0xa8: {  	s4 =	sshll.u32 s28, $0x1;
	[dreg:$0x2] =	wrdreg s2  }
0xa9: {  	[dreg:$0x3] =	wrdreg s4  }
0xaa: {  	[dreg:$0x4] =	wrdreg $0xC0  }
0xab: {  	_ =	task [dreg:s6], $0x5FFFF  }
0xac: {  	[dreg:$0x1] =	wrdreg $0xFFFFFFFF  }
0xad: {  	[dreg:$0x0] =	wrdreg $0x60  }
0xae: {  	[dreg:$0x2] =	wrdreg s24  }
0xaf: {  	[dreg:$0x3] =	wrdreg $0x9  }
0xb0: {  	_ =	task.clear_ibuf [dreg:s6], $0x4FFFF;
	_ =	strace $0x90000046  }
0xb1: {  	s29 =	simm.s32 $0x9;
	_ =	strace $0x80000048  }
0xb2: {  	_ =	swait.ge [sflag:s29], $0x1  }
0xb3: {  	[sflag:s29] =	ssyncadd.s32 $0xFFFFFFFF  }
0xb4: {  	_ =	strace $0x90000048  }
0xb5: {  	_ =	sfence  }
0xb6: {  	s30 =	sld [smem:$0x0];
	_ =	sdelay $0x2  }
0xb7: {  	s31 =	sshll.u32 s1, $0xD;
	s1 =	sshrl.u32 s1, $0x2  }
0xb8: {  	s3 =	sand.u32 $0x4000, s31;
	s1 =	sadd.s32 s1, s30  }
0xb9: {  	s0 =	sor.u32 s3, s0;
	s1 =	sshll.u32 s1, $0x11  }
0xba: {  	s0 =	sor.u32 s1, s0  }
0xbb: {  	s0 =	sadd.s32 $0x8F2B, s0  }
0xbc: {  	[sflag:s0] =	ssyncadd.remote.s32 $0x1  }
0xbd: {  	_ =	sfence.sel $0xFFFF  }
0xbe: {  	[dreg:$0x0] =	wrdreg $0xFFFFFFFF;
	(pc) =	sbr.abs _section_cstart, $3  }
0xbf: {  	[dreg:$0x1] =	wrdreg $0xFFFFFFFF  }
0xc0: {  	_ =	task.clear_ibuf [dreg:s6], $0x2FFFF;
	_ =	strace $0x9FFFFFFF  }
0xc1: {  	(tm) =	ssettm $0x7FFFFFFF  }
tec
execute0_lowered:
.L_overlay_start_1:
0x0: {  	(tag) =	ssettag $0x1  }
0x1: {  	s0 =	srdreg.scid  }
0x2: {  	s2 =	stileid.u32;
	s1 =	rddreg [dreg:$0x0];
	s8 =	simm.s32 $0x9  }
0x3: {  	s10 =	simm.s32 $0x80;
	s11 =	simm.s32 $0x8000;
	s12 =	simm.s32 $0x48  }
0x4: {  	s14 =	simm.s32 $0xA000;
	s15 =	simm.s32 $0xB200;
	s17 =	simm.s32 $0xD200  }
0x5: {  	s19 =	simm.s32 $0xE400;
	s21 =	simm.s32 $0x10400;
	s23 =	simm.s32 $0x11600  }
0x6: {  	s24 =	simm.s32 $0x13600;
	s25 =	simm.s32 $0x1;
	s28 =	simm.s32 $0x3  }
0x7: {  	s29 =	simm.s32 $0x4;
	s30 =	simm.s32 $0x5;
	s31 =	simm.s32 $0x6  }
0x8: {  	s0 =	sand.u32 $0x1, s0;
	s3 =	sshll.u32 s2, $0x8;
	s2 =	simm.s32 $0x0  }
0x9: {  	s13 =	simm.s32 $0x0;
	s4 =	sshll.u32 s0, $0x7;
	[smem:$0x7FF] =	sst s2  }
0xa: {  	s0 =	ssub.s32 $0x2, s0;
	s4 =	sor.u32 s4, s3;
	_ =	strace $0x80000047  }
0xb: {  	s6 =	sshrl.u32 s0, $0x1;
	s3 =	sshll.u32 s4, $0x4;
	s4 =	sshll.u32 s4, $0x3  }
0xc: {  	s0 =	ssub.s32 s0, s6;
	s5 =	sadd.s32 s3, s1;
	s3 =	sadd.s32 $0xF63400, s1  }
0xd: {  	s1 =	sadd.s32 s4, s1;
	s7 =	smax.u32 s0, $0x1;
	s0 =	simm.s32 $0x8  }
0xe: {  	s26 =	sadd.s32 $0x1000, s5;
	s5 =	sadd.s32 $0x11000, s5;
	s6 =	sadd.s32 $0x21000, s1  }
0xf: {  	s1 =	simm.s32 $0x7;
	[dreg:$0x2] =	wrdreg s26;
	s26 =	simm.s32 $0x2  }
.LBB2_1:
0x10: {  	s4 =	rddreg [dreg:$0x2]  }
0x11: {  	[tilespmem:s2], [sflag:$0x9] =	stream.linear.gather [hbm4b:s4+s2], $0x4000, $0x38;
	[tilespmem:$0x16800] =	vst v63  }
0x12: {  	_ =	swait.ge [sflag:s8], $0x4000  }
0x13: {  	[sflag:s8] =	ssyncset.done $0x0  }
0x14: {  	s22 =	simm.s32 $0x4000;
	[sflag:s8] =	ssyncadd.s32 $0xFFFFC000  }
0x15: {  	[tilespmem:s22], [sflag:$0x9] =	stream.linear.gather [hbm4b:s5+s2], $0x4000, $0x38;
	[tilespmem:$0x16800] =	vst v63  }
0x16: {  	_ =	swait.ge [sflag:s8], $0x4000  }
0x17: {  	[sflag:s8] =	ssyncset.done $0x0  }
0x18: {  	[sflag:s8] =	ssyncadd.s32 $0xFFFFC000  }
0x19: {  	[tilespmem:s11], [sflag:$0x1] =	stream.indirect.gather [hbm4b:s3+s10], $0x40, s2, s10, $0xb8;
	[tilespmem:$0x16800] =	vst v63  }
0x1a: {  	s9 =	simm.s32 $0x4038  }
0x1b: {  	[tilespmem:s14], [sflag:$0x2] =	stream.indirect.gather [hbm4b:s3+s12], $0x40, s9, s12, $0xb8;
	[tilespmem:$0x16800] =	vst v63  }
0x1c: {  	_ = 	snop  }
0x1d: {  	[tilespmem:s15], [sflag:$0x3] =	stream.indirect.gather [hbm4b:s3+s10], $0x40, s10, s10, $0xb8;
	[tilespmem:$0x16800] =	vst v63  }
0x1e: {  	s16 =	simm.s32 $0x40B8  }
0x1f: {  	[tilespmem:s17], [sflag:$0x4] =	stream.indirect.gather [hbm4b:s3+s12], $0x40, s16, s12, $0xb8;
	[tilespmem:$0x16800] =	vst v63  }
0x20: {  	s18 =	simm.s32 $0x100  }
0x21: {  	[tilespmem:s19], [sflag:$0x5] =	stream.indirect.gather [hbm4b:s3+s10], $0x40, s18, s10, $0xb8;
	[tilespmem:$0x16800] =	vst v63  }
0x22: {  	s20 =	simm.s32 $0x4138  }
0x23: {  	[tilespmem:s21], [sflag:$0x6] =	stream.indirect.gather [hbm4b:s3+s12], $0x40, s20, s12, $0xb8;
	[tilespmem:$0x16800] =	vst v63  }
0x24: {  	s22 =	simm.s32 $0x180;
	s16 =	simm.s32 $0x0  }
0x25: {  	[tilespmem:s23], [sflag:$0x7] =	stream.indirect.gather [hbm4b:s3+s10], $0x40, s22, s10, $0xb8;
	[tilespmem:$0x16800] =	vst v63  }
.LBB2_2:
0x26: {  	s18 =	sshll.u32 s16, $0x9  }
0x27: {  	s4 =	sand.u32 $0x3FFFFE00, s18  }
0x28: {  	s4 =	sadd.s32 $0x41B8, s4  }
0x29: {  	[tilespmem:s24], [sflag:$0x8] =	stream.indirect.gather [hbm4b:s3+s12], $0x40, s4, s12, $0xb8;
	[tilespmem:$0x16800] =	vst v63  }
0x2a: {  	_ =	swait.ge [sflag:s25], $0x2000  }
0x2b: {  	[sflag:s25] =	ssyncset.done $0x0  }
0x2c: {  	s9 =	simm.s32 $0x0;
	[sflag:s25] =	ssyncadd.s32 $0xFFFFE000  }
0x2d: {  	v5 =	vld [tilespmem:s9+$0x8180]  }
0x2e: {  	v6 =	vld [tilespmem:s9+$0x8190]  }
0x2f: {  	v7 =	vld [tilespmem:s9+$0x81A0]  }
0x30: {  	v9 =	vld [tilespmem:s9+$0x81B0]  }
0x31: {  	v0 =	vld [tilespmem:s9+$0x81C0]  }
0x32: {  	v1 =	vld [tilespmem:s9+$0x81D0]  }
0x33: {  	v19 =	vld [tilespmem:s9+$0x8100]  }
0x34: {  	v21 =	vld [tilespmem:s9+$0x8110]  }
0x35: {  	v12 =	vld [tilespmem:s9+$0x8120]  }
0x36: {  	v20 =	vld [tilespmem:s9+$0x8130]  }
0x37: {  	v4 =	vld [tilespmem:s9+$0x8140]  }
0x38: {  	v2 =	vld [tilespmem:s9+$0x8080]  }
0x39: {  	v3 =	vld [tilespmem:s9+$0x8090]  }
0x3a: {  	v8 =	vld [tilespmem:s9+$0x8000]  }
0x3b: {  	v10 =	vld [tilespmem:s9+$0x8010]  }
0x3c: {  	v11 =	vld [tilespmem:s9+$0x8020]  }
0x3d: {  	v14 =	vld [tilespmem:s9+$0x8030]  }
0x3e: {  	v16 =	vld [tilespmem:s9+$0x80A0]  }
0x3f: {  	v17 =	vld [tilespmem:s9+$0x80B0]  }
0x40: {  	v15 =	vimm.f32 $0.0e+00;
	v13 =	vld [tilespmem:s9+$0x8150]  }
0x41: {  	v22 =	vld [tilespmem:s9+$0x80C0];
	v8 =	vadd.f32 v8, v15  }
0x42: {  	v26 =	vld [tilespmem:s9+$0x80D0];
	v10 =	vadd.f32 v10, v15;
	v11 =	vadd.f32 v11, v15  }
0x43: {  	v27 =	vld [tilespmem:s9+$0x8040];
	v14 =	vadd.f32 v14, v15;
	v30 =	vadd.f32 v2, v8  }
0x44: {  	v18 =	vimm.f32 $0.0e+00;
	v28 =	vld [tilespmem:s9+$0x8050];
	v31 =	vadd.f32 v3, v10;
	v32 =	vadd.f32 v16, v11  }
0x45: {  	s20 =	simm.s32 $0x800;
	v29 =	vld [tilespmem:s9+$0x8060];
	v33 =	vadd.f32 v17, v14;
	v16 =	vimm.f32 $0.0e+00;
	v17 =	vimm.f32 $0.0e+00  }
.LBB2_3:
0x46: {  	p0 =	sne.s32 s20, $0x7800;
	v2 =	vld [tilespmem:s9+$0x8070];
	v3 =	vadd.f32 v19, v30;
	v8 =	vadd.f32 v21, v31  }
0x47: {  	v10 =	vld [tilespmem:s9+$0x80E0];
	v11 =	vadd.f32 v12, v32;
	v12 =	vadd.f32 v20, v33  }
0x48: {  	v14 =	vld [tilespmem:s9+$0x80F0];
	v3 =	vadd.f32 v5, v3;
	v8 =	vadd.f32 v6, v8  }
0x49: {  	v19 =	vld [tilespmem:s9+$0x8160];
	v11 =	vadd.f32 v7, v11;
	v23 =	vadd.f32 v9, v12  }
0x4a: {  	v5 =	vadd.f32 v27, v15;
	v6 =	vadd.f32 v28, v18;
	v9 =	vld [tilespmem:s9+$0x8170]  }
0x4b: {  	v7 =	vadd.f32 v29, v16;
	v2 =	vadd.f32 v2, v17;
	v12 =	vld [tilespmem:s9+$0x81E0]  }
0x4c: {  	v15 =	vadd.f32 v22, v5;
	v16 =	vadd.f32 v26, v6;
	v17 =	vld [tilespmem:s9+$0x81F0];
	s9 =	sshra.s32 s20, $0x2  }
0x4d: {  	v10 =	vadd.f32 v10, v7;
	v5 =	vld [tilespmem:s9+$0x8180];
	v2 =	vadd.f32 v14, v2  }
0x4e: {  	v4 =	vadd.f32 v4, v15;
	v13 =	vadd.f32 v13, v16;
	v6 =	vld [tilespmem:s9+$0x8190]  }
0x4f: {  	v10 =	vadd.f32 v19, v10;
	v7 =	vld [tilespmem:s9+$0x81A0];
	v2 =	vadd.f32 v9, v2  }
0x50: {  	v15 =	vadd.f32 v0, v4;
	v18 =	vadd.f32 v1, v13;
	v9 =	vld [tilespmem:s9+$0x81B0]  }
0x51: {  	v16 =	vadd.f32 v12, v10;
	v0 =	vld [tilespmem:s9+$0x81C0];
	v17 =	vadd.f32 v17, v2  }
0x52: {  	v1 =	vld [tilespmem:s9+$0x81D0]  }
0x53: {  	v19 =	vld [tilespmem:s9+$0x8100]  }
0x54: {  	v21 =	vld [tilespmem:s9+$0x8110]  }
0x55: {  	v12 =	vld [tilespmem:s9+$0x8120]  }
0x56: {  	v20 =	vld [tilespmem:s9+$0x8130]  }
0x57: {  	v4 =	vld [tilespmem:s9+$0x8140]  }
0x58: {  	v13 =	vld [tilespmem:s9+$0x8150]  }
0x59: {  	v2 =	vld [tilespmem:s9+$0x8080]  }
0x5a: {  	v10 =	vld [tilespmem:s9+$0x8090]  }
0x5b: {  	v14 =	vld [tilespmem:s9+$0x8000]  }
0x5c: {  	v24 =	vld [tilespmem:s9+$0x8010]  }
0x5d: {  	v25 =	vld [tilespmem:s9+$0x8020]  }
0x5e: {  	v27 =	vld [tilespmem:s9+$0x8030]  }
0x5f: {  	v32 =	vld [tilespmem:s9+$0x80A0]  }
0x60: {  	v33 =	vld [tilespmem:s9+$0x80B0]  }
.Ltmp0:
0x61: {  	v22 =	vld [tilespmem:s9+$0x80C0];
	(pc) =	sbr.rel @p0 .LBB2_3-.Ltmp0, $4  }
0x62: {  	v3 =	vadd.f32 v14, v3;
	v8 =	vadd.f32 v24, v8;
	v26 =	vld [tilespmem:s9+$0x80D0]  }
0x63: {  	v11 =	vadd.f32 v25, v11;
	v14 =	vadd.f32 v27, v23;
	v27 =	vld [tilespmem:s9+$0x8040]  }
0x64: {  	v30 =	vadd.f32 v2, v3;
	v31 =	vadd.f32 v10, v8;
	v28 =	vld [tilespmem:s9+$0x8050]  }
0x65: {  	s20 =	sadd.s32 $0x800, s20;
	v32 =	vadd.f32 v32, v11;
	v29 =	vld [tilespmem:s9+$0x8060];
	v33 =	vadd.f32 v33, v14  }
0x66: {  	v34 =	vld [tilespmem:s9+$0x8070]  }
0x67: {  	v35 =	vld [tilespmem:s9+$0x80E0]  }
0x68: {  	v36 =	vld [tilespmem:s9+$0x80F0]  }
0x69: {  	v37 =	vld [tilespmem:s9+$0x8160]  }
0x6a: {  	v38 =	vld [tilespmem:s9+$0x8170];
	s4 =	sadd.s32 $0x200, s18  }
0x6b: {  	v39 =	vld [tilespmem:s9+$0x81E0];
	s22 =	sand.u32 $0x3E00, s4  }
0x6c: {  	v40 =	vld [tilespmem:s9+$0x81F0];
	[tilespmem:s11], [sflag:$0x1] =	stream.indirect.gather [hbm4b:s3+s10], $0x40, s22, s10, $0xb8  }
0x6d: {  	_ =	swait.ge [sflag:s26], $0x1200  }
0x6e: {  	[sflag:s26] =	ssyncset.done $0x0  }
0x6f: {  	s20 =	simm.s32 $0x0;
	[sflag:s26] =	ssyncadd.s32 $0xFFFFEE00  }
0x70: {  	v8 =	vld [tilespmem:s20+$0xA180]  }
0x71: {  	v10 =	vld [tilespmem:s20+$0xA190]  }
0x72: {  	v11 =	vld [tilespmem:s20+$0xA1A0]  }
0x73: {  	v14 =	vld [tilespmem:s20+$0xA1B0]  }
0x74: {  	v2 =	vld [tilespmem:s20+$0xA1C0]  }
0x75: {  	v3 =	vld [tilespmem:s20+$0xA1D0]  }
0x76: {  	v24 =	vld [tilespmem:s20+$0xA100]  }
0x77: {  	v25 =	vld [tilespmem:s20+$0xA110]  }
0x78: {  	v23 =	vld [tilespmem:s20+$0xA120]  }
0x79: {  	v30 =	vadd.f32 v19, v30;
	v21 =	vadd.f32 v21, v31;
	v19 =	vld [tilespmem:s20+$0xA130]  }
0x7a: {  	v61 =	vadd.f32 v12, v32;
	v20 =	vadd.f32 v20, v33;
	v12 =	vld [tilespmem:s20+$0xA140]  }
0x7b: {  	v30 =	vadd.f32 v5, v30;
	v21 =	vadd.f32 v6, v21;
	v5 =	vld [tilespmem:s20+$0xA150]  }
0x7c: {  	v6 =	vadd.f32 v27, v15;
	v31 =	vadd.f32 v7, v61;
	v62 =	vld [tilespmem:s20+$0xA080]  }
0x7d: {  	v20 =	vadd.f32 v9, v20;
	v7 =	vadd.f32 v28, v18;
	v18 =	vld [tilespmem:s20+$0xA090]  }
0x7e: {  	v9 =	vadd.f32 v29, v16;
	v15 =	vadd.f32 v34, v17;
	v16 =	vld [tilespmem:s20+$0xA000]  }
0x7f: {  	v6 =	vadd.f32 v22, v6;
	v7 =	vadd.f32 v26, v7;
	v17 =	vld [tilespmem:s20+$0xA010]  }
0x80: {  	v9 =	vadd.f32 v35, v9;
	v22 =	vld [tilespmem:s20+$0xA020];
	v15 =	vadd.f32 v36, v15  }
0x81: {  	v4 =	vadd.f32 v4, v6;
	v7 =	vadd.f32 v13, v7;
	v13 =	vld [tilespmem:s20+$0xA030]  }
0x82: {  	v26 =	vld [tilespmem:s20+$0xA0A0];
	v9 =	vadd.f32 v37, v9;
	v15 =	vadd.f32 v38, v15  }
0x83: {  	v27 =	vld [tilespmem:s20+$0xA0B0];
	v6 =	vadd.f32 v0, v4;
	v1 =	vadd.f32 v1, v7  }
0x84: {  	v7 =	vld [tilespmem:s20+$0xA0C0];
	v4 =	vadd.f32 v39, v9;
	v0 =	vadd.f32 v40, v15  }
0x85: {  	v9 =	vld [tilespmem:s20+$0xA0D0];
	v16 =	vadd.f32 v16, v30;
	v21 =	vadd.f32 v17, v21  }
0x86: {  	v22 =	vadd.f32 v22, v31;
	v15 =	vld [tilespmem:s20+$0xA040];
	v63 =	vadd.f32 v13, v20  }
0x87: {  	v13 =	vld [tilespmem:s20+$0xA050];
	v17 =	vadd.f32 v62, v16;
	v18 =	vadd.f32 v18, v21  }
0x88: {  	s9 =	simm.s32 $0x800;
	v16 =	vld [tilespmem:s20+$0xA060];
	v20 =	vadd.f32 v26, v22;
	v21 =	vadd.f32 v27, v63  }
.LBB2_5:
0x89: {  	p0 =	sne.s32 s9, $0x4000;
	v22 =	vld [tilespmem:s20+$0xA070];
	v17 =	vadd.f32 v24, v17;
	v18 =	vadd.f32 v25, v18  }
0x8a: {  	v24 =	vld [tilespmem:s20+$0xA0E0];
	v20 =	vadd.f32 v23, v20;
	v19 =	vadd.f32 v19, v21  }
0x8b: {  	v21 =	vld [tilespmem:s20+$0xA0F0];
	v17 =	vadd.f32 v8, v17;
	v18 =	vadd.f32 v10, v18  }
0x8c: {  	v23 =	vld [tilespmem:s20+$0xA160];
	v20 =	vadd.f32 v11, v20;
	v26 =	vadd.f32 v14, v19  }
0x8d: {  	v6 =	vadd.f32 v15, v6;
	v1 =	vadd.f32 v13, v1;
	v13 =	vld [tilespmem:s20+$0xA170]  }
0x8e: {  	v4 =	vadd.f32 v16, v4;
	v0 =	vadd.f32 v22, v0;
	v15 =	vld [tilespmem:s20+$0xA1E0]  }
0x8f: {  	v6 =	vadd.f32 v7, v6;
	v1 =	vadd.f32 v9, v1;
	v7 =	vld [tilespmem:s20+$0xA1F0];
	s20 =	sshra.s32 s9, $0x2  }
0x90: {  	v4 =	vadd.f32 v24, v4;
	v8 =	vld [tilespmem:s20+$0xA180];
	v0 =	vadd.f32 v21, v0  }
0x91: {  	v6 =	vadd.f32 v12, v6;
	v1 =	vadd.f32 v5, v1;
	v10 =	vld [tilespmem:s20+$0xA190]  }
0x92: {  	v4 =	vadd.f32 v23, v4;
	v11 =	vld [tilespmem:s20+$0xA1A0];
	v0 =	vadd.f32 v13, v0  }
0x93: {  	v6 =	vadd.f32 v2, v6;
	v1 =	vadd.f32 v3, v1;
	v14 =	vld [tilespmem:s20+$0xA1B0]  }
0x94: {  	v4 =	vadd.f32 v15, v4;
	v2 =	vld [tilespmem:s20+$0xA1C0];
	v0 =	vadd.f32 v7, v0  }
0x95: {  	v3 =	vld [tilespmem:s20+$0xA1D0]  }
0x96: {  	v24 =	vld [tilespmem:s20+$0xA100]  }
0x97: {  	v25 =	vld [tilespmem:s20+$0xA110]  }
0x98: {  	v23 =	vld [tilespmem:s20+$0xA120]  }
0x99: {  	v19 =	vld [tilespmem:s20+$0xA130]  }
0x9a: {  	v12 =	vld [tilespmem:s20+$0xA140]  }
0x9b: {  	v5 =	vld [tilespmem:s20+$0xA150]  }
0x9c: {  	v16 =	vld [tilespmem:s20+$0xA080]  }
0x9d: {  	v21 =	vld [tilespmem:s20+$0xA090]  }
0x9e: {  	v9 =	vld [tilespmem:s20+$0xA000]  }
0x9f: {  	v13 =	vld [tilespmem:s20+$0xA010]  }
0xa0: {  	v15 =	vld [tilespmem:s20+$0xA020]  }
0xa1: {  	v22 =	vld [tilespmem:s20+$0xA030]  }
0xa2: {  	v27 =	vld [tilespmem:s20+$0xA0A0]  }
0xa3: {  	v28 =	vld [tilespmem:s20+$0xA0B0]  }
.Ltmp1:
0xa4: {  	v7 =	vld [tilespmem:s20+$0xA0C0];
	(pc) =	sbr.rel @p0 .LBB2_5-.Ltmp1, $4  }
0xa5: {  	v17 =	vadd.f32 v9, v17;
	v18 =	vadd.f32 v13, v18;
	v9 =	vld [tilespmem:s20+$0xA0D0]  }
0xa6: {  	v20 =	vadd.f32 v15, v20;
	v22 =	vadd.f32 v22, v26;
	v15 =	vld [tilespmem:s20+$0xA040]  }
0xa7: {  	v17 =	vadd.f32 v16, v17;
	v18 =	vadd.f32 v21, v18;
	v13 =	vld [tilespmem:s20+$0xA050]  }
0xa8: {  	s9 =	sadd.s32 $0x800, s9;
	v20 =	vadd.f32 v27, v20;
	v16 =	vld [tilespmem:s20+$0xA060];
	v21 =	vadd.f32 v28, v22  }
0xa9: {  	v17 =	vadd.f32 v24, v17;
	v18 =	vadd.f32 v25, v18  }
0xaa: {  	v22 =	vld [tilespmem:s20+$0xA070];
	v20 =	vadd.f32 v23, v20;
	v19 =	vadd.f32 v19, v21  }
0xab: {  	v21 =	vld [tilespmem:s20+$0xA0E0];
	v8 =	vadd.f32 v8, v17;
	v10 =	vadd.f32 v10, v18  }
0xac: {  	v17 =	vld [tilespmem:s20+$0xA0F0];
	v6 =	vadd.f32 v15, v6;
	v11 =	vadd.f32 v11, v20  }
0xad: {  	v15 =	vld [tilespmem:s20+$0xA160];
	v14 =	vadd.f32 v14, v19;
	v1 =	vadd.f32 v13, v1  }
0xae: {  	v13 =	vld [tilespmem:s20+$0xA170];
	v4 =	vadd.f32 v16, v4;
	v6 =	vadd.f32 v7, v6  }
0xaf: {  	v7 =	vld [tilespmem:s20+$0xA1E0];
	v0 =	vadd.f32 v22, v0;
	v1 =	vadd.f32 v9, v1  }
0xb0: {  	v9 =	vld [tilespmem:s20+$0xA1F0];
	v4 =	vadd.f32 v21, v4;
	v6 =	vadd.f32 v12, v6  }
0xb1: {  	v0 =	vadd.f32 v17, v0;
	v1 =	vadd.f32 v5, v1  }
0xb2: {  	v4 =	vadd.f32 v15, v4;
	v2 =	vadd.f32 v2, v6  }
0xb3: {  	v0 =	vadd.f32 v13, v0;
	v1 =	vadd.f32 v3, v1  }
0xb4: {  	v3 =	vadd.f32 v7, v4;
	v2 =	vadd.f32 v2, v8  }
0xb5: {  	v0 =	vadd.f32 v9, v0;
	v1 =	vadd.f32 v1, v10  }
0xb6: {  	s4 =	sshll.u32 s16, $0x8;
	v2 =	vmul.f32 $4.999999890e-03, v2;
	v3 =	vadd.f32 v3, v11  }
0xb7: {  	s20 =	sand.u32 $0x3FFFFF00, s4;
	v1 =	vmul.f32 $4.999999890e-03, v1;
	v0 =	vadd.f32 v0, v14  }
0xb8: {  	[tilespmem:s20+$0x14800] =	vst v2;
	v2 =	vmul.f32 $4.999999890e-03, v3  }
0xb9: {  	[tilespmem:s20+$0x14810] =	vst v1;
	v0 =	vmul.f32 $4.999999890e-03, v0  }
0xba: {  	[tilespmem:s20+$0x14820] =	vst v2  }
0xbb: {  	s22 =	sadd.s32 $0x4038, s22;
	[tilespmem:s20+$0x14830] =	vst v0  }
0xbc: {  	[tilespmem:s14], [sflag:$0x2] =	stream.indirect.gather [hbm4b:s3+s12], $0x40, s22, s12, $0xb8;
	[tilespmem:$0x16800] =	vst v63  }
0xbd: {  	_ =	swait.ge [sflag:s28], $0x2000  }
0xbe: {  	[sflag:s28] =	ssyncset.done $0x0  }
0xbf: {  	s9 =	simm.s32 $0x0;
	[sflag:s28] =	ssyncadd.s32 $0xFFFFE000  }
0xc0: {  	v5 =	vld [tilespmem:s9+$0xB380]  }
0xc1: {  	v6 =	vld [tilespmem:s9+$0xB390]  }
0xc2: {  	v7 =	vld [tilespmem:s9+$0xB3A0]  }
0xc3: {  	v9 =	vld [tilespmem:s9+$0xB3B0]  }
0xc4: {  	v0 =	vld [tilespmem:s9+$0xB3C0]  }
0xc5: {  	v1 =	vld [tilespmem:s9+$0xB3D0]  }
0xc6: {  	v19 =	vld [tilespmem:s9+$0xB300]  }
0xc7: {  	v21 =	vld [tilespmem:s9+$0xB310]  }
0xc8: {  	v12 =	vld [tilespmem:s9+$0xB320]  }
0xc9: {  	v20 =	vld [tilespmem:s9+$0xB330]  }
0xca: {  	v4 =	vld [tilespmem:s9+$0xB340]  }
0xcb: {  	v2 =	vld [tilespmem:s9+$0xB280]  }
0xcc: {  	v3 =	vld [tilespmem:s9+$0xB290]  }
0xcd: {  	v8 =	vld [tilespmem:s9+$0xB200]  }
0xce: {  	v10 =	vld [tilespmem:s9+$0xB210]  }
0xcf: {  	v11 =	vld [tilespmem:s9+$0xB220]  }
0xd0: {  	v14 =	vld [tilespmem:s9+$0xB230]  }
0xd1: {  	v16 =	vld [tilespmem:s9+$0xB2A0]  }
0xd2: {  	v17 =	vld [tilespmem:s9+$0xB2B0]  }
0xd3: {  	v15 =	vimm.f32 $0.0e+00;
	v13 =	vld [tilespmem:s9+$0xB350]  }
0xd4: {  	v22 =	vld [tilespmem:s9+$0xB2C0];
	v8 =	vadd.f32 v8, v15  }
0xd5: {  	v26 =	vld [tilespmem:s9+$0xB2D0];
	v10 =	vadd.f32 v10, v15;
	v11 =	vadd.f32 v11, v15  }
0xd6: {  	v27 =	vld [tilespmem:s9+$0xB240];
	v14 =	vadd.f32 v14, v15;
	v30 =	vadd.f32 v2, v8  }
0xd7: {  	v18 =	vimm.f32 $0.0e+00;
	v28 =	vld [tilespmem:s9+$0xB250];
	v31 =	vadd.f32 v3, v10;
	v32 =	vadd.f32 v16, v11  }
0xd8: {  	s22 =	simm.s32 $0x800;
	v29 =	vld [tilespmem:s9+$0xB260];
	v33 =	vadd.f32 v17, v14;
	v16 =	vimm.f32 $0.0e+00;
	v17 =	vimm.f32 $0.0e+00  }
.LBB2_7:
0xd9: {  	p0 =	sne.s32 s22, $0x7800;
	v2 =	vld [tilespmem:s9+$0xB270];
	v3 =	vadd.f32 v19, v30;
	v8 =	vadd.f32 v21, v31  }
0xda: {  	v10 =	vld [tilespmem:s9+$0xB2E0];
	v11 =	vadd.f32 v12, v32;
	v12 =	vadd.f32 v20, v33  }
0xdb: {  	v14 =	vld [tilespmem:s9+$0xB2F0];
	v3 =	vadd.f32 v5, v3;
	v8 =	vadd.f32 v6, v8  }
0xdc: {  	v19 =	vld [tilespmem:s9+$0xB360];
	v11 =	vadd.f32 v7, v11;
	v23 =	vadd.f32 v9, v12  }
0xdd: {  	v5 =	vadd.f32 v27, v15;
	v6 =	vadd.f32 v28, v18;
	v9 =	vld [tilespmem:s9+$0xB370]  }
0xde: {  	v7 =	vadd.f32 v29, v16;
	v2 =	vadd.f32 v2, v17;
	v12 =	vld [tilespmem:s9+$0xB3E0]  }
0xdf: {  	v15 =	vadd.f32 v22, v5;
	v16 =	vadd.f32 v26, v6;
	v17 =	vld [tilespmem:s9+$0xB3F0];
	s9 =	sshra.s32 s22, $0x2  }
0xe0: {  	v10 =	vadd.f32 v10, v7;
	v5 =	vld [tilespmem:s9+$0xB380];
	v2 =	vadd.f32 v14, v2  }
0xe1: {  	v4 =	vadd.f32 v4, v15;
	v13 =	vadd.f32 v13, v16;
	v6 =	vld [tilespmem:s9+$0xB390]  }
0xe2: {  	v10 =	vadd.f32 v19, v10;
	v7 =	vld [tilespmem:s9+$0xB3A0];
	v2 =	vadd.f32 v9, v2  }
0xe3: {  	v15 =	vadd.f32 v0, v4;
	v18 =	vadd.f32 v1, v13;
	v9 =	vld [tilespmem:s9+$0xB3B0]  }
0xe4: {  	v16 =	vadd.f32 v12, v10;
	v0 =	vld [tilespmem:s9+$0xB3C0];
	v17 =	vadd.f32 v17, v2  }
0xe5: {  	v1 =	vld [tilespmem:s9+$0xB3D0]  }
0xe6: {  	v19 =	vld [tilespmem:s9+$0xB300]  }
0xe7: {  	v21 =	vld [tilespmem:s9+$0xB310]  }
0xe8: {  	v12 =	vld [tilespmem:s9+$0xB320]  }
0xe9: {  	v20 =	vld [tilespmem:s9+$0xB330]  }
0xea: {  	v4 =	vld [tilespmem:s9+$0xB340]  }
0xeb: {  	v13 =	vld [tilespmem:s9+$0xB350]  }
0xec: {  	v2 =	vld [tilespmem:s9+$0xB280]  }
0xed: {  	v10 =	vld [tilespmem:s9+$0xB290]  }
0xee: {  	v14 =	vld [tilespmem:s9+$0xB200]  }
0xef: {  	v24 =	vld [tilespmem:s9+$0xB210]  }
0xf0: {  	v25 =	vld [tilespmem:s9+$0xB220]  }
0xf1: {  	v27 =	vld [tilespmem:s9+$0xB230]  }
0xf2: {  	v32 =	vld [tilespmem:s9+$0xB2A0]  }
0xf3: {  	v33 =	vld [tilespmem:s9+$0xB2B0]  }
.Ltmp2:
0xf4: {  	v22 =	vld [tilespmem:s9+$0xB2C0];
	(pc) =	sbr.rel @p0 .LBB2_7-.Ltmp2, $4  }
0xf5: {  	v3 =	vadd.f32 v14, v3;
	v8 =	vadd.f32 v24, v8;
	v26 =	vld [tilespmem:s9+$0xB2D0]  }
0xf6: {  	v11 =	vadd.f32 v25, v11;
	v14 =	vadd.f32 v27, v23;
	v27 =	vld [tilespmem:s9+$0xB240]  }
0xf7: {  	v30 =	vadd.f32 v2, v3;
	v31 =	vadd.f32 v10, v8;
	v28 =	vld [tilespmem:s9+$0xB250]  }
0xf8: {  	s22 =	sadd.s32 $0x800, s22;
	v32 =	vadd.f32 v32, v11;
	v29 =	vld [tilespmem:s9+$0xB260];
	v33 =	vadd.f32 v33, v14  }
0xf9: {  	v34 =	vld [tilespmem:s9+$0xB270]  }
0xfa: {  	v35 =	vld [tilespmem:s9+$0xB2E0]  }
0xfb: {  	v36 =	vld [tilespmem:s9+$0xB2F0]  }
0xfc: {  	v37 =	vld [tilespmem:s9+$0xB360]  }
0xfd: {  	v38 =	vld [tilespmem:s9+$0xB370];
	s4 =	sadd.s32 $0x280, s18  }
0xfe: {  	v39 =	vld [tilespmem:s9+$0xB3E0];
	s22 =	sand.u32 $0x3E80, s4  }
0xff: {  	v40 =	vld [tilespmem:s9+$0xB3F0];
	[tilespmem:s15], [sflag:$0x3] =	stream.indirect.gather [hbm4b:s3+s10], $0x40, s22, s10, $0xb8  }
0x100: {  	_ =	swait.ge [sflag:s29], $0x1200  }
0x101: {  	[sflag:s29] =	ssyncset.done $0x0  }
0x102: {  	s9 =	simm.s32 $0x0;
	[sflag:s29] =	ssyncadd.s32 $0xFFFFEE00  }
0x103: {  	v8 =	vld [tilespmem:s9+$0xD380]  }
0x104: {  	v10 =	vld [tilespmem:s9+$0xD390]  }
0x105: {  	v11 =	vld [tilespmem:s9+$0xD3A0]  }
0x106: {  	v14 =	vld [tilespmem:s9+$0xD3B0]  }
0x107: {  	v2 =	vld [tilespmem:s9+$0xD3C0]  }
0x108: {  	v3 =	vld [tilespmem:s9+$0xD3D0]  }
0x109: {  	v24 =	vld [tilespmem:s9+$0xD300]  }
0x10a: {  	v25 =	vld [tilespmem:s9+$0xD310]  }
0x10b: {  	v23 =	vld [tilespmem:s9+$0xD320]  }
0x10c: {  	v30 =	vadd.f32 v19, v30;
	v21 =	vadd.f32 v21, v31;
	v19 =	vld [tilespmem:s9+$0xD330]  }
0x10d: {  	v61 =	vadd.f32 v12, v32;
	v20 =	vadd.f32 v20, v33;
	v12 =	vld [tilespmem:s9+$0xD340]  }
0x10e: {  	v30 =	vadd.f32 v5, v30;
	v21 =	vadd.f32 v6, v21;
	v5 =	vld [tilespmem:s9+$0xD350]  }
0x10f: {  	v6 =	vadd.f32 v27, v15;
	v31 =	vadd.f32 v7, v61;
	v62 =	vld [tilespmem:s9+$0xD280]  }
0x110: {  	v20 =	vadd.f32 v9, v20;
	v7 =	vadd.f32 v28, v18;
	v18 =	vld [tilespmem:s9+$0xD290]  }
0x111: {  	v9 =	vadd.f32 v29, v16;
	v15 =	vadd.f32 v34, v17;
	v16 =	vld [tilespmem:s9+$0xD200]  }
0x112: {  	v6 =	vadd.f32 v22, v6;
	v7 =	vadd.f32 v26, v7;
	v17 =	vld [tilespmem:s9+$0xD210]  }
0x113: {  	v9 =	vadd.f32 v35, v9;
	v22 =	vld [tilespmem:s9+$0xD220];
	v15 =	vadd.f32 v36, v15  }
0x114: {  	v4 =	vadd.f32 v4, v6;
	v7 =	vadd.f32 v13, v7;
	v13 =	vld [tilespmem:s9+$0xD230]  }
0x115: {  	v26 =	vld [tilespmem:s9+$0xD2A0];
	v9 =	vadd.f32 v37, v9;
	v15 =	vadd.f32 v38, v15  }
0x116: {  	v27 =	vld [tilespmem:s9+$0xD2B0];
	v6 =	vadd.f32 v0, v4;
	v1 =	vadd.f32 v1, v7  }
0x117: {  	v7 =	vld [tilespmem:s9+$0xD2C0];
	v4 =	vadd.f32 v39, v9;
	v0 =	vadd.f32 v40, v15  }
0x118: {  	v9 =	vld [tilespmem:s9+$0xD2D0];
	v16 =	vadd.f32 v16, v30;
	v21 =	vadd.f32 v17, v21  }
0x119: {  	v22 =	vadd.f32 v22, v31;
	v15 =	vld [tilespmem:s9+$0xD240];
	v63 =	vadd.f32 v13, v20  }
0x11a: {  	v13 =	vld [tilespmem:s9+$0xD250];
	v17 =	vadd.f32 v62, v16;
	v18 =	vadd.f32 v18, v21  }
0x11b: {  	s4 =	simm.s32 $0x800;
	v16 =	vld [tilespmem:s9+$0xD260];
	v20 =	vadd.f32 v26, v22;
	v21 =	vadd.f32 v27, v63  }
.LBB2_9:
0x11c: {  	p0 =	sne.s32 s4, $0x4000;
	v22 =	vld [tilespmem:s9+$0xD270];
	v17 =	vadd.f32 v24, v17;
	v18 =	vadd.f32 v25, v18  }
0x11d: {  	v24 =	vld [tilespmem:s9+$0xD2E0];
	v20 =	vadd.f32 v23, v20;
	v19 =	vadd.f32 v19, v21  }
0x11e: {  	v21 =	vld [tilespmem:s9+$0xD2F0];
	v17 =	vadd.f32 v8, v17;
	v18 =	vadd.f32 v10, v18  }
0x11f: {  	v23 =	vld [tilespmem:s9+$0xD360];
	v20 =	vadd.f32 v11, v20;
	v26 =	vadd.f32 v14, v19  }
0x120: {  	v6 =	vadd.f32 v15, v6;
	v1 =	vadd.f32 v13, v1;
	v13 =	vld [tilespmem:s9+$0xD370]  }
0x121: {  	v4 =	vadd.f32 v16, v4;
	v0 =	vadd.f32 v22, v0;
	v15 =	vld [tilespmem:s9+$0xD3E0]  }
0x122: {  	v6 =	vadd.f32 v7, v6;
	v1 =	vadd.f32 v9, v1;
	v7 =	vld [tilespmem:s9+$0xD3F0];
	s9 =	sshra.s32 s4, $0x2  }
0x123: {  	v4 =	vadd.f32 v24, v4;
	v8 =	vld [tilespmem:s9+$0xD380];
	v0 =	vadd.f32 v21, v0  }
0x124: {  	v6 =	vadd.f32 v12, v6;
	v1 =	vadd.f32 v5, v1;
	v10 =	vld [tilespmem:s9+$0xD390]  }
0x125: {  	v4 =	vadd.f32 v23, v4;
	v11 =	vld [tilespmem:s9+$0xD3A0];
	v0 =	vadd.f32 v13, v0  }
0x126: {  	v6 =	vadd.f32 v2, v6;
	v1 =	vadd.f32 v3, v1;
	v14 =	vld [tilespmem:s9+$0xD3B0]  }
0x127: {  	v4 =	vadd.f32 v15, v4;
	v2 =	vld [tilespmem:s9+$0xD3C0];
	v0 =	vadd.f32 v7, v0  }
0x128: {  	v3 =	vld [tilespmem:s9+$0xD3D0]  }
0x129: {  	v24 =	vld [tilespmem:s9+$0xD300]  }
0x12a: {  	v25 =	vld [tilespmem:s9+$0xD310]  }
0x12b: {  	v23 =	vld [tilespmem:s9+$0xD320]  }
0x12c: {  	v19 =	vld [tilespmem:s9+$0xD330]  }
0x12d: {  	v12 =	vld [tilespmem:s9+$0xD340]  }
0x12e: {  	v5 =	vld [tilespmem:s9+$0xD350]  }
0x12f: {  	v16 =	vld [tilespmem:s9+$0xD280]  }
0x130: {  	v21 =	vld [tilespmem:s9+$0xD290]  }
0x131: {  	v9 =	vld [tilespmem:s9+$0xD200]  }
0x132: {  	v13 =	vld [tilespmem:s9+$0xD210]  }
0x133: {  	v15 =	vld [tilespmem:s9+$0xD220]  }
0x134: {  	v22 =	vld [tilespmem:s9+$0xD230]  }
0x135: {  	v27 =	vld [tilespmem:s9+$0xD2A0]  }
0x136: {  	v28 =	vld [tilespmem:s9+$0xD2B0]  }
.Ltmp3:
0x137: {  	v7 =	vld [tilespmem:s9+$0xD2C0];
	(pc) =	sbr.rel @p0 .LBB2_9-.Ltmp3, $4  }
0x138: {  	v17 =	vadd.f32 v9, v17;
	v18 =	vadd.f32 v13, v18;
	v9 =	vld [tilespmem:s9+$0xD2D0]  }
0x139: {  	v20 =	vadd.f32 v15, v20;
	v22 =	vadd.f32 v22, v26;
	v15 =	vld [tilespmem:s9+$0xD240]  }
0x13a: {  	v17 =	vadd.f32 v16, v17;
	v18 =	vadd.f32 v21, v18;
	v13 =	vld [tilespmem:s9+$0xD250]  }
0x13b: {  	s4 =	sadd.s32 $0x800, s4;
	v20 =	vadd.f32 v27, v20;
	v16 =	vld [tilespmem:s9+$0xD260];
	v21 =	vadd.f32 v28, v22  }
0x13c: {  	v17 =	vadd.f32 v24, v17;
	v18 =	vadd.f32 v25, v18  }
0x13d: {  	v22 =	vld [tilespmem:s9+$0xD270];
	v20 =	vadd.f32 v23, v20;
	v19 =	vadd.f32 v19, v21  }
0x13e: {  	v21 =	vld [tilespmem:s9+$0xD2E0];
	v8 =	vadd.f32 v8, v17;
	v10 =	vadd.f32 v10, v18  }
0x13f: {  	v17 =	vld [tilespmem:s9+$0xD2F0];
	v6 =	vadd.f32 v15, v6;
	v11 =	vadd.f32 v11, v20  }
0x140: {  	v15 =	vld [tilespmem:s9+$0xD360];
	v14 =	vadd.f32 v14, v19;
	v1 =	vadd.f32 v13, v1  }
0x141: {  	v13 =	vld [tilespmem:s9+$0xD370];
	v4 =	vadd.f32 v16, v4;
	v6 =	vadd.f32 v7, v6  }
0x142: {  	v7 =	vld [tilespmem:s9+$0xD3E0];
	v0 =	vadd.f32 v22, v0;
	v1 =	vadd.f32 v9, v1  }
0x143: {  	v9 =	vld [tilespmem:s9+$0xD3F0];
	v4 =	vadd.f32 v21, v4;
	v6 =	vadd.f32 v12, v6  }
0x144: {  	v0 =	vadd.f32 v17, v0;
	v1 =	vadd.f32 v5, v1  }
0x145: {  	v4 =	vadd.f32 v15, v4;
	v2 =	vadd.f32 v2, v6  }
0x146: {  	v0 =	vadd.f32 v13, v0;
	v1 =	vadd.f32 v3, v1  }
0x147: {  	v3 =	vadd.f32 v7, v4;
	v2 =	vadd.f32 v2, v8  }
0x148: {  	v0 =	vadd.f32 v9, v0;
	v1 =	vadd.f32 v1, v10  }
0x149: {  	v2 =	vmul.f32 $4.999999890e-03, v2;
	v3 =	vadd.f32 v3, v11  }
0x14a: {  	v1 =	vmul.f32 $4.999999890e-03, v1;
	v0 =	vadd.f32 v0, v14  }
0x14b: {  	[tilespmem:s20+$0x14840] =	vst v2;
	v2 =	vmul.f32 $4.999999890e-03, v3  }
0x14c: {  	[tilespmem:s20+$0x14850] =	vst v1;
	v0 =	vmul.f32 $4.999999890e-03, v0  }
0x14d: {  	[tilespmem:s20+$0x14860] =	vst v2  }
0x14e: {  	s4 =	sadd.s32 $0x4038, s22;
	[tilespmem:s20+$0x14870] =	vst v0  }
0x14f: {  	[tilespmem:s17], [sflag:$0x4] =	stream.indirect.gather [hbm4b:s3+s12], $0x40, s4, s12, $0xb8;
	[tilespmem:$0x16800] =	vst v63  }
0x150: {  	_ =	swait.ge [sflag:s30], $0x2000  }
0x151: {  	[sflag:s30] =	ssyncset.done $0x0  }
0x152: {  	s9 =	simm.s32 $0x0;
	[sflag:s30] =	ssyncadd.s32 $0xFFFFE000  }
0x153: {  	v5 =	vld [tilespmem:s9+$0xE580]  }
0x154: {  	v6 =	vld [tilespmem:s9+$0xE590]  }
0x155: {  	v7 =	vld [tilespmem:s9+$0xE5A0]  }
0x156: {  	v9 =	vld [tilespmem:s9+$0xE5B0]  }
0x157: {  	v0 =	vld [tilespmem:s9+$0xE5C0]  }
0x158: {  	v1 =	vld [tilespmem:s9+$0xE5D0]  }
0x159: {  	v19 =	vld [tilespmem:s9+$0xE500]  }
0x15a: {  	v21 =	vld [tilespmem:s9+$0xE510]  }
0x15b: {  	v12 =	vld [tilespmem:s9+$0xE520]  }
0x15c: {  	v20 =	vld [tilespmem:s9+$0xE530]  }
0x15d: {  	v4 =	vld [tilespmem:s9+$0xE540]  }
0x15e: {  	v2 =	vld [tilespmem:s9+$0xE480]  }
0x15f: {  	v3 =	vld [tilespmem:s9+$0xE490]  }
0x160: {  	v8 =	vld [tilespmem:s9+$0xE400]  }
0x161: {  	v10 =	vld [tilespmem:s9+$0xE410]  }
0x162: {  	v11 =	vld [tilespmem:s9+$0xE420]  }
0x163: {  	v14 =	vld [tilespmem:s9+$0xE430]  }
0x164: {  	v16 =	vld [tilespmem:s9+$0xE4A0]  }
0x165: {  	v17 =	vld [tilespmem:s9+$0xE4B0]  }
0x166: {  	v15 =	vimm.f32 $0.0e+00;
	v13 =	vld [tilespmem:s9+$0xE550]  }
0x167: {  	v22 =	vld [tilespmem:s9+$0xE4C0];
	v8 =	vadd.f32 v8, v15  }
0x168: {  	v26 =	vld [tilespmem:s9+$0xE4D0];
	v10 =	vadd.f32 v10, v15;
	v11 =	vadd.f32 v11, v15  }
0x169: {  	v27 =	vld [tilespmem:s9+$0xE440];
	v14 =	vadd.f32 v14, v15;
	v30 =	vadd.f32 v2, v8  }
0x16a: {  	v18 =	vimm.f32 $0.0e+00;
	v28 =	vld [tilespmem:s9+$0xE450];
	v31 =	vadd.f32 v3, v10;
	v32 =	vadd.f32 v16, v11  }
0x16b: {  	s22 =	simm.s32 $0x800;
	v29 =	vld [tilespmem:s9+$0xE460];
	v33 =	vadd.f32 v17, v14;
	v16 =	vimm.f32 $0.0e+00;
	v17 =	vimm.f32 $0.0e+00  }
.LBB2_11:
0x16c: {  	p0 =	sne.s32 s22, $0x7800;
	v2 =	vld [tilespmem:s9+$0xE470];
	v3 =	vadd.f32 v19, v30;
	v8 =	vadd.f32 v21, v31  }
0x16d: {  	v10 =	vld [tilespmem:s9+$0xE4E0];
	v11 =	vadd.f32 v12, v32;
	v12 =	vadd.f32 v20, v33  }
0x16e: {  	v14 =	vld [tilespmem:s9+$0xE4F0];
	v3 =	vadd.f32 v5, v3;
	v8 =	vadd.f32 v6, v8  }
0x16f: {  	v19 =	vld [tilespmem:s9+$0xE560];
	v11 =	vadd.f32 v7, v11;
	v23 =	vadd.f32 v9, v12  }
0x170: {  	v5 =	vadd.f32 v27, v15;
	v6 =	vadd.f32 v28, v18;
	v9 =	vld [tilespmem:s9+$0xE570]  }
0x171: {  	v7 =	vadd.f32 v29, v16;
	v2 =	vadd.f32 v2, v17;
	v12 =	vld [tilespmem:s9+$0xE5E0]  }
0x172: {  	v15 =	vadd.f32 v22, v5;
	v16 =	vadd.f32 v26, v6;
	v17 =	vld [tilespmem:s9+$0xE5F0];
	s9 =	sshra.s32 s22, $0x2  }
0x173: {  	v10 =	vadd.f32 v10, v7;
	v5 =	vld [tilespmem:s9+$0xE580];
	v2 =	vadd.f32 v14, v2  }
0x174: {  	v4 =	vadd.f32 v4, v15;
	v13 =	vadd.f32 v13, v16;
	v6 =	vld [tilespmem:s9+$0xE590]  }
0x175: {  	v10 =	vadd.f32 v19, v10;
	v7 =	vld [tilespmem:s9+$0xE5A0];
	v2 =	vadd.f32 v9, v2  }
0x176: {  	v15 =	vadd.f32 v0, v4;
	v18 =	vadd.f32 v1, v13;
	v9 =	vld [tilespmem:s9+$0xE5B0]  }
0x177: {  	v16 =	vadd.f32 v12, v10;
	v0 =	vld [tilespmem:s9+$0xE5C0];
	v17 =	vadd.f32 v17, v2  }
0x178: {  	v1 =	vld [tilespmem:s9+$0xE5D0]  }
0x179: {  	v19 =	vld [tilespmem:s9+$0xE500]  }
0x17a: {  	v21 =	vld [tilespmem:s9+$0xE510]  }
0x17b: {  	v12 =	vld [tilespmem:s9+$0xE520]  }
0x17c: {  	v20 =	vld [tilespmem:s9+$0xE530]  }
0x17d: {  	v4 =	vld [tilespmem:s9+$0xE540]  }
0x17e: {  	v13 =	vld [tilespmem:s9+$0xE550]  }
0x17f: {  	v2 =	vld [tilespmem:s9+$0xE480]  }
0x180: {  	v10 =	vld [tilespmem:s9+$0xE490]  }
0x181: {  	v14 =	vld [tilespmem:s9+$0xE400]  }
0x182: {  	v24 =	vld [tilespmem:s9+$0xE410]  }
0x183: {  	v25 =	vld [tilespmem:s9+$0xE420]  }
0x184: {  	v27 =	vld [tilespmem:s9+$0xE430]  }
0x185: {  	v32 =	vld [tilespmem:s9+$0xE4A0]  }
0x186: {  	v33 =	vld [tilespmem:s9+$0xE4B0]  }
.Ltmp4:
0x187: {  	v22 =	vld [tilespmem:s9+$0xE4C0];
	(pc) =	sbr.rel @p0 .LBB2_11-.Ltmp4, $4  }
0x188: {  	v3 =	vadd.f32 v14, v3;
	v8 =	vadd.f32 v24, v8;
	v26 =	vld [tilespmem:s9+$0xE4D0]  }
0x189: {  	v11 =	vadd.f32 v25, v11;
	v14 =	vadd.f32 v27, v23;
	v27 =	vld [tilespmem:s9+$0xE440]  }
0x18a: {  	v30 =	vadd.f32 v2, v3;
	v31 =	vadd.f32 v10, v8;
	v28 =	vld [tilespmem:s9+$0xE450]  }
0x18b: {  	s22 =	sadd.s32 $0x800, s22;
	v32 =	vadd.f32 v32, v11;
	v29 =	vld [tilespmem:s9+$0xE460];
	v33 =	vadd.f32 v33, v14  }
0x18c: {  	v34 =	vld [tilespmem:s9+$0xE470]  }
0x18d: {  	v35 =	vld [tilespmem:s9+$0xE4E0]  }
0x18e: {  	v36 =	vld [tilespmem:s9+$0xE4F0]  }
0x18f: {  	v37 =	vld [tilespmem:s9+$0xE560]  }
0x190: {  	v38 =	vld [tilespmem:s9+$0xE570];
	s4 =	sadd.s32 $0x300, s18  }
0x191: {  	v39 =	vld [tilespmem:s9+$0xE5E0];
	s22 =	sand.u32 $0x3F00, s4  }
0x192: {  	v40 =	vld [tilespmem:s9+$0xE5F0];
	[tilespmem:s19], [sflag:$0x5] =	stream.indirect.gather [hbm4b:s3+s10], $0x40, s22, s10, $0xb8  }
0x193: {  	_ =	swait.ge [sflag:s31], $0x1200  }
0x194: {  	[sflag:s31] =	ssyncset.done $0x0  }
0x195: {  	s9 =	simm.s32 $0x0;
	[sflag:s31] =	ssyncadd.s32 $0xFFFFEE00  }
0x196: {  	v8 =	vld [tilespmem:s9+$0x10580]  }
0x197: {  	v10 =	vld [tilespmem:s9+$0x10590]  }
0x198: {  	v11 =	vld [tilespmem:s9+$0x105A0]  }
0x199: {  	v14 =	vld [tilespmem:s9+$0x105B0]  }
0x19a: {  	v2 =	vld [tilespmem:s9+$0x105C0]  }
0x19b: {  	v3 =	vld [tilespmem:s9+$0x105D0]  }
0x19c: {  	v24 =	vld [tilespmem:s9+$0x10500]  }
0x19d: {  	v25 =	vld [tilespmem:s9+$0x10510]  }
0x19e: {  	v23 =	vld [tilespmem:s9+$0x10520]  }
0x19f: {  	v30 =	vadd.f32 v19, v30;
	v21 =	vadd.f32 v21, v31;
	v19 =	vld [tilespmem:s9+$0x10530]  }
0x1a0: {  	v61 =	vadd.f32 v12, v32;
	v20 =	vadd.f32 v20, v33;
	v12 =	vld [tilespmem:s9+$0x10540]  }
0x1a1: {  	v30 =	vadd.f32 v5, v30;
	v21 =	vadd.f32 v6, v21;
	v5 =	vld [tilespmem:s9+$0x10550]  }
0x1a2: {  	v6 =	vadd.f32 v27, v15;
	v31 =	vadd.f32 v7, v61;
	v62 =	vld [tilespmem:s9+$0x10480]  }
0x1a3: {  	v20 =	vadd.f32 v9, v20;
	v7 =	vadd.f32 v28, v18;
	v18 =	vld [tilespmem:s9+$0x10490]  }
0x1a4: {  	v9 =	vadd.f32 v29, v16;
	v15 =	vadd.f32 v34, v17;
	v16 =	vld [tilespmem:s9+$0x10400]  }
0x1a5: {  	v6 =	vadd.f32 v22, v6;
	v7 =	vadd.f32 v26, v7;
	v17 =	vld [tilespmem:s9+$0x10410]  }
0x1a6: {  	v9 =	vadd.f32 v35, v9;
	v22 =	vld [tilespmem:s9+$0x10420];
	v15 =	vadd.f32 v36, v15  }
0x1a7: {  	v4 =	vadd.f32 v4, v6;
	v7 =	vadd.f32 v13, v7;
	v13 =	vld [tilespmem:s9+$0x10430]  }
0x1a8: {  	v26 =	vld [tilespmem:s9+$0x104A0];
	v9 =	vadd.f32 v37, v9;
	v15 =	vadd.f32 v38, v15  }
0x1a9: {  	v27 =	vld [tilespmem:s9+$0x104B0];
	v6 =	vadd.f32 v0, v4;
	v1 =	vadd.f32 v1, v7  }
0x1aa: {  	v7 =	vld [tilespmem:s9+$0x104C0];
	v4 =	vadd.f32 v39, v9;
	v0 =	vadd.f32 v40, v15  }
0x1ab: {  	v9 =	vld [tilespmem:s9+$0x104D0];
	v16 =	vadd.f32 v16, v30;
	v21 =	vadd.f32 v17, v21  }
0x1ac: {  	v22 =	vadd.f32 v22, v31;
	v15 =	vld [tilespmem:s9+$0x10440];
	v63 =	vadd.f32 v13, v20  }
0x1ad: {  	v13 =	vld [tilespmem:s9+$0x10450];
	v17 =	vadd.f32 v62, v16;
	v18 =	vadd.f32 v18, v21  }
0x1ae: {  	s4 =	simm.s32 $0x800;
	v16 =	vld [tilespmem:s9+$0x10460];
	v20 =	vadd.f32 v26, v22;
	v21 =	vadd.f32 v27, v63  }
.LBB2_13:
0x1af: {  	p0 =	sne.s32 s4, $0x4000;
	v22 =	vld [tilespmem:s9+$0x10470];
	v17 =	vadd.f32 v24, v17;
	v18 =	vadd.f32 v25, v18  }
0x1b0: {  	v24 =	vld [tilespmem:s9+$0x104E0];
	v20 =	vadd.f32 v23, v20;
	v19 =	vadd.f32 v19, v21  }
0x1b1: {  	v21 =	vld [tilespmem:s9+$0x104F0];
	v17 =	vadd.f32 v8, v17;
	v18 =	vadd.f32 v10, v18  }
0x1b2: {  	v23 =	vld [tilespmem:s9+$0x10560];
	v20 =	vadd.f32 v11, v20;
	v26 =	vadd.f32 v14, v19  }
0x1b3: {  	v6 =	vadd.f32 v15, v6;
	v1 =	vadd.f32 v13, v1;
	v13 =	vld [tilespmem:s9+$0x10570]  }
0x1b4: {  	v4 =	vadd.f32 v16, v4;
	v0 =	vadd.f32 v22, v0;
	v15 =	vld [tilespmem:s9+$0x105E0]  }
0x1b5: {  	v6 =	vadd.f32 v7, v6;
	v1 =	vadd.f32 v9, v1;
	v7 =	vld [tilespmem:s9+$0x105F0];
	s9 =	sshra.s32 s4, $0x2  }
0x1b6: {  	v4 =	vadd.f32 v24, v4;
	v8 =	vld [tilespmem:s9+$0x10580];
	v0 =	vadd.f32 v21, v0  }
0x1b7: {  	v6 =	vadd.f32 v12, v6;
	v1 =	vadd.f32 v5, v1;
	v10 =	vld [tilespmem:s9+$0x10590]  }
0x1b8: {  	v4 =	vadd.f32 v23, v4;
	v11 =	vld [tilespmem:s9+$0x105A0];
	v0 =	vadd.f32 v13, v0  }
0x1b9: {  	v6 =	vadd.f32 v2, v6;
	v1 =	vadd.f32 v3, v1;
	v14 =	vld [tilespmem:s9+$0x105B0]  }
0x1ba: {  	v4 =	vadd.f32 v15, v4;
	v2 =	vld [tilespmem:s9+$0x105C0];
	v0 =	vadd.f32 v7, v0  }
0x1bb: {  	v3 =	vld [tilespmem:s9+$0x105D0]  }
0x1bc: {  	v24 =	vld [tilespmem:s9+$0x10500]  }
0x1bd: {  	v25 =	vld [tilespmem:s9+$0x10510]  }
0x1be: {  	v23 =	vld [tilespmem:s9+$0x10520]  }
0x1bf: {  	v19 =	vld [tilespmem:s9+$0x10530]  }
0x1c0: {  	v12 =	vld [tilespmem:s9+$0x10540]  }
0x1c1: {  	v5 =	vld [tilespmem:s9+$0x10550]  }
0x1c2: {  	v16 =	vld [tilespmem:s9+$0x10480]  }
0x1c3: {  	v21 =	vld [tilespmem:s9+$0x10490]  }
0x1c4: {  	v9 =	vld [tilespmem:s9+$0x10400]  }
0x1c5: {  	v13 =	vld [tilespmem:s9+$0x10410]  }
0x1c6: {  	v15 =	vld [tilespmem:s9+$0x10420]  }
0x1c7: {  	v22 =	vld [tilespmem:s9+$0x10430]  }
0x1c8: {  	v27 =	vld [tilespmem:s9+$0x104A0]  }
0x1c9: {  	v28 =	vld [tilespmem:s9+$0x104B0]  }
.Ltmp5:
0x1ca: {  	v7 =	vld [tilespmem:s9+$0x104C0];
	(pc) =	sbr.rel @p0 .LBB2_13-.Ltmp5, $4  }
0x1cb: {  	v17 =	vadd.f32 v9, v17;
	v18 =	vadd.f32 v13, v18;
	v9 =	vld [tilespmem:s9+$0x104D0]  }
0x1cc: {  	v20 =	vadd.f32 v15, v20;
	v22 =	vadd.f32 v22, v26;
	v15 =	vld [tilespmem:s9+$0x10440]  }
0x1cd: {  	v17 =	vadd.f32 v16, v17;
	v18 =	vadd.f32 v21, v18;
	v13 =	vld [tilespmem:s9+$0x10450]  }
0x1ce: {  	s4 =	sadd.s32 $0x800, s4;
	v20 =	vadd.f32 v27, v20;
	v16 =	vld [tilespmem:s9+$0x10460];
	v21 =	vadd.f32 v28, v22  }
0x1cf: {  	v17 =	vadd.f32 v24, v17;
	v18 =	vadd.f32 v25, v18  }
0x1d0: {  	v22 =	vld [tilespmem:s9+$0x10470];
	v20 =	vadd.f32 v23, v20;
	v19 =	vadd.f32 v19, v21  }
0x1d1: {  	v21 =	vld [tilespmem:s9+$0x104E0];
	v8 =	vadd.f32 v8, v17;
	v10 =	vadd.f32 v10, v18  }
0x1d2: {  	v17 =	vld [tilespmem:s9+$0x104F0];
	v6 =	vadd.f32 v15, v6;
	v11 =	vadd.f32 v11, v20  }
0x1d3: {  	v15 =	vld [tilespmem:s9+$0x10560];
	v14 =	vadd.f32 v14, v19;
	v1 =	vadd.f32 v13, v1  }
0x1d4: {  	v13 =	vld [tilespmem:s9+$0x10570];
	v4 =	vadd.f32 v16, v4;
	v6 =	vadd.f32 v7, v6  }
0x1d5: {  	v7 =	vld [tilespmem:s9+$0x105E0];
	v0 =	vadd.f32 v22, v0;
	v1 =	vadd.f32 v9, v1  }
0x1d6: {  	v9 =	vld [tilespmem:s9+$0x105F0];
	v4 =	vadd.f32 v21, v4;
	v6 =	vadd.f32 v12, v6  }
0x1d7: {  	v0 =	vadd.f32 v17, v0;
	v1 =	vadd.f32 v5, v1  }
0x1d8: {  	v4 =	vadd.f32 v15, v4;
	v2 =	vadd.f32 v2, v6  }
0x1d9: {  	v0 =	vadd.f32 v13, v0;
	v1 =	vadd.f32 v3, v1  }
0x1da: {  	v3 =	vadd.f32 v7, v4;
	v2 =	vadd.f32 v2, v8  }
0x1db: {  	v0 =	vadd.f32 v9, v0;
	v1 =	vadd.f32 v1, v10  }
0x1dc: {  	v2 =	vmul.f32 $4.999999890e-03, v2;
	v3 =	vadd.f32 v3, v11  }
0x1dd: {  	v1 =	vmul.f32 $4.999999890e-03, v1;
	v0 =	vadd.f32 v0, v14  }
0x1de: {  	[tilespmem:s20+$0x14880] =	vst v2;
	v2 =	vmul.f32 $4.999999890e-03, v3  }
0x1df: {  	[tilespmem:s20+$0x14890] =	vst v1;
	v0 =	vmul.f32 $4.999999890e-03, v0  }
0x1e0: {  	[tilespmem:s20+$0x148A0] =	vst v2  }
0x1e1: {  	s4 =	sadd.s32 $0x4038, s22;
	[tilespmem:s20+$0x148B0] =	vst v0  }
0x1e2: {  	[tilespmem:s21], [sflag:$0x6] =	stream.indirect.gather [hbm4b:s3+s12], $0x40, s4, s12, $0xb8;
	[tilespmem:$0x16800] =	vst v63  }
0x1e3: {  	_ =	swait.ge [sflag:s1], $0x2000  }
0x1e4: {  	[sflag:s1] =	ssyncset.done $0x0  }
0x1e5: {  	s9 =	simm.s32 $0x0;
	[sflag:s1] =	ssyncadd.s32 $0xFFFFE000  }
0x1e6: {  	v5 =	vld [tilespmem:s9+$0x11780]  }
0x1e7: {  	v6 =	vld [tilespmem:s9+$0x11790]  }
0x1e8: {  	v7 =	vld [tilespmem:s9+$0x117A0]  }
0x1e9: {  	v9 =	vld [tilespmem:s9+$0x117B0]  }
0x1ea: {  	v0 =	vld [tilespmem:s9+$0x117C0]  }
0x1eb: {  	v1 =	vld [tilespmem:s9+$0x117D0]  }
0x1ec: {  	v19 =	vld [tilespmem:s9+$0x11700]  }
0x1ed: {  	v21 =	vld [tilespmem:s9+$0x11710]  }
0x1ee: {  	v12 =	vld [tilespmem:s9+$0x11720]  }
0x1ef: {  	v20 =	vld [tilespmem:s9+$0x11730]  }
0x1f0: {  	v4 =	vld [tilespmem:s9+$0x11740]  }
0x1f1: {  	v2 =	vld [tilespmem:s9+$0x11680]  }
0x1f2: {  	v3 =	vld [tilespmem:s9+$0x11690]  }
0x1f3: {  	v8 =	vld [tilespmem:s9+$0x11600]  }
0x1f4: {  	v10 =	vld [tilespmem:s9+$0x11610]  }
0x1f5: {  	v11 =	vld [tilespmem:s9+$0x11620]  }
0x1f6: {  	v14 =	vld [tilespmem:s9+$0x11630]  }
0x1f7: {  	v16 =	vld [tilespmem:s9+$0x116A0]  }
0x1f8: {  	v17 =	vld [tilespmem:s9+$0x116B0]  }
0x1f9: {  	v15 =	vimm.f32 $0.0e+00;
	v13 =	vld [tilespmem:s9+$0x11750]  }
0x1fa: {  	v22 =	vld [tilespmem:s9+$0x116C0];
	v8 =	vadd.f32 v8, v15  }
0x1fb: {  	v26 =	vld [tilespmem:s9+$0x116D0];
	v10 =	vadd.f32 v10, v15;
	v11 =	vadd.f32 v11, v15  }
0x1fc: {  	v27 =	vld [tilespmem:s9+$0x11640];
	v14 =	vadd.f32 v14, v15;
	v30 =	vadd.f32 v2, v8  }
0x1fd: {  	v18 =	vimm.f32 $0.0e+00;
	v28 =	vld [tilespmem:s9+$0x11650];
	v31 =	vadd.f32 v3, v10;
	v32 =	vadd.f32 v16, v11  }
0x1fe: {  	s22 =	simm.s32 $0x800;
	v29 =	vld [tilespmem:s9+$0x11660];
	v33 =	vadd.f32 v17, v14;
	v16 =	vimm.f32 $0.0e+00;
	v17 =	vimm.f32 $0.0e+00  }
.LBB2_15:
0x1ff: {  	p0 =	sne.s32 s22, $0x7800;
	v2 =	vld [tilespmem:s9+$0x11670];
	v3 =	vadd.f32 v19, v30;
	v8 =	vadd.f32 v21, v31  }
0x200: {  	v10 =	vld [tilespmem:s9+$0x116E0];
	v11 =	vadd.f32 v12, v32;
	v12 =	vadd.f32 v20, v33  }
0x201: {  	v14 =	vld [tilespmem:s9+$0x116F0];
	v3 =	vadd.f32 v5, v3;
	v8 =	vadd.f32 v6, v8  }
0x202: {  	v19 =	vld [tilespmem:s9+$0x11760];
	v11 =	vadd.f32 v7, v11;
	v23 =	vadd.f32 v9, v12  }
0x203: {  	v5 =	vadd.f32 v27, v15;
	v6 =	vadd.f32 v28, v18;
	v9 =	vld [tilespmem:s9+$0x11770]  }
0x204: {  	v7 =	vadd.f32 v29, v16;
	v2 =	vadd.f32 v2, v17;
	v12 =	vld [tilespmem:s9+$0x117E0]  }
0x205: {  	v15 =	vadd.f32 v22, v5;
	v16 =	vadd.f32 v26, v6;
	v17 =	vld [tilespmem:s9+$0x117F0];
	s9 =	sshra.s32 s22, $0x2  }
0x206: {  	v10 =	vadd.f32 v10, v7;
	v5 =	vld [tilespmem:s9+$0x11780];
	v2 =	vadd.f32 v14, v2  }
0x207: {  	v4 =	vadd.f32 v4, v15;
	v13 =	vadd.f32 v13, v16;
	v6 =	vld [tilespmem:s9+$0x11790]  }
0x208: {  	v10 =	vadd.f32 v19, v10;
	v7 =	vld [tilespmem:s9+$0x117A0];
	v2 =	vadd.f32 v9, v2  }
0x209: {  	v15 =	vadd.f32 v0, v4;
	v18 =	vadd.f32 v1, v13;
	v9 =	vld [tilespmem:s9+$0x117B0]  }
0x20a: {  	v16 =	vadd.f32 v12, v10;
	v0 =	vld [tilespmem:s9+$0x117C0];
	v17 =	vadd.f32 v17, v2  }
0x20b: {  	v1 =	vld [tilespmem:s9+$0x117D0]  }
0x20c: {  	v19 =	vld [tilespmem:s9+$0x11700]  }
0x20d: {  	v21 =	vld [tilespmem:s9+$0x11710]  }
0x20e: {  	v12 =	vld [tilespmem:s9+$0x11720]  }
0x20f: {  	v20 =	vld [tilespmem:s9+$0x11730]  }
0x210: {  	v4 =	vld [tilespmem:s9+$0x11740]  }
0x211: {  	v13 =	vld [tilespmem:s9+$0x11750]  }
0x212: {  	v2 =	vld [tilespmem:s9+$0x11680]  }
0x213: {  	v10 =	vld [tilespmem:s9+$0x11690]  }
0x214: {  	v14 =	vld [tilespmem:s9+$0x11600]  }
0x215: {  	v24 =	vld [tilespmem:s9+$0x11610]  }
0x216: {  	v25 =	vld [tilespmem:s9+$0x11620]  }
0x217: {  	v27 =	vld [tilespmem:s9+$0x11630]  }
0x218: {  	v32 =	vld [tilespmem:s9+$0x116A0]  }
0x219: {  	v33 =	vld [tilespmem:s9+$0x116B0]  }
.Ltmp6:
0x21a: {  	v22 =	vld [tilespmem:s9+$0x116C0];
	(pc) =	sbr.rel @p0 .LBB2_15-.Ltmp6, $4  }
0x21b: {  	v3 =	vadd.f32 v14, v3;
	v8 =	vadd.f32 v24, v8;
	v26 =	vld [tilespmem:s9+$0x116D0]  }
0x21c: {  	v11 =	vadd.f32 v25, v11;
	v14 =	vadd.f32 v27, v23;
	v27 =	vld [tilespmem:s9+$0x11640]  }
0x21d: {  	v30 =	vadd.f32 v2, v3;
	v31 =	vadd.f32 v10, v8;
	v28 =	vld [tilespmem:s9+$0x11650]  }
0x21e: {  	s22 =	sadd.s32 $0x800, s22;
	v32 =	vadd.f32 v32, v11;
	v29 =	vld [tilespmem:s9+$0x11660];
	v33 =	vadd.f32 v33, v14  }
0x21f: {  	v34 =	vld [tilespmem:s9+$0x11670]  }
0x220: {  	v35 =	vld [tilespmem:s9+$0x116E0]  }
0x221: {  	v36 =	vld [tilespmem:s9+$0x116F0]  }
0x222: {  	v37 =	vld [tilespmem:s9+$0x11760]  }
0x223: {  	v38 =	vld [tilespmem:s9+$0x11770];
	s4 =	sadd.s32 $0x380, s18  }
0x224: {  	v39 =	vld [tilespmem:s9+$0x117E0];
	s4 =	sand.u32 $0x3F80, s4  }
0x225: {  	v40 =	vld [tilespmem:s9+$0x117F0];
	[tilespmem:s23], [sflag:$0x7] =	stream.indirect.gather [hbm4b:s3+s10], $0x40, s4, s10, $0xb8  }
0x226: {  	_ =	swait.ge [sflag:s0], $0x1200  }
0x227: {  	[sflag:s0] =	ssyncset.done $0x0  }
0x228: {  	s9 =	simm.s32 $0x0;
	[sflag:s0] =	ssyncadd.s32 $0xFFFFEE00  }
0x229: {  	v8 =	vld [tilespmem:s9+$0x13780]  }
0x22a: {  	v10 =	vld [tilespmem:s9+$0x13790]  }
0x22b: {  	v11 =	vld [tilespmem:s9+$0x137A0]  }
0x22c: {  	v14 =	vld [tilespmem:s9+$0x137B0]  }
0x22d: {  	v2 =	vld [tilespmem:s9+$0x137C0]  }
0x22e: {  	v3 =	vld [tilespmem:s9+$0x137D0]  }
0x22f: {  	v24 =	vld [tilespmem:s9+$0x13700]  }
0x230: {  	v25 =	vld [tilespmem:s9+$0x13710]  }
0x231: {  	v23 =	vld [tilespmem:s9+$0x13720]  }
0x232: {  	v30 =	vadd.f32 v19, v30;
	v21 =	vadd.f32 v21, v31;
	v19 =	vld [tilespmem:s9+$0x13730]  }
0x233: {  	v61 =	vadd.f32 v12, v32;
	v20 =	vadd.f32 v20, v33;
	v12 =	vld [tilespmem:s9+$0x13740]  }
0x234: {  	v30 =	vadd.f32 v5, v30;
	v21 =	vadd.f32 v6, v21;
	v5 =	vld [tilespmem:s9+$0x13750]  }
0x235: {  	v6 =	vadd.f32 v27, v15;
	v31 =	vadd.f32 v7, v61;
	v62 =	vld [tilespmem:s9+$0x13680]  }
0x236: {  	v20 =	vadd.f32 v9, v20;
	v7 =	vadd.f32 v28, v18;
	v18 =	vld [tilespmem:s9+$0x13690]  }
0x237: {  	v9 =	vadd.f32 v29, v16;
	v15 =	vadd.f32 v34, v17;
	v16 =	vld [tilespmem:s9+$0x13600]  }
0x238: {  	v6 =	vadd.f32 v22, v6;
	v7 =	vadd.f32 v26, v7;
	v17 =	vld [tilespmem:s9+$0x13610]  }
0x239: {  	v9 =	vadd.f32 v35, v9;
	v22 =	vld [tilespmem:s9+$0x13620];
	v15 =	vadd.f32 v36, v15  }
0x23a: {  	v4 =	vadd.f32 v4, v6;
	v7 =	vadd.f32 v13, v7;
	v13 =	vld [tilespmem:s9+$0x13630]  }
0x23b: {  	v26 =	vld [tilespmem:s9+$0x136A0];
	v9 =	vadd.f32 v37, v9;
	v15 =	vadd.f32 v38, v15  }
0x23c: {  	v27 =	vld [tilespmem:s9+$0x136B0];
	v6 =	vadd.f32 v0, v4;
	v1 =	vadd.f32 v1, v7  }
0x23d: {  	v7 =	vld [tilespmem:s9+$0x136C0];
	v4 =	vadd.f32 v39, v9;
	v0 =	vadd.f32 v40, v15  }
0x23e: {  	v9 =	vld [tilespmem:s9+$0x136D0];
	v16 =	vadd.f32 v16, v30;
	v21 =	vadd.f32 v17, v21  }
0x23f: {  	v22 =	vadd.f32 v22, v31;
	v15 =	vld [tilespmem:s9+$0x13640];
	v63 =	vadd.f32 v13, v20  }
0x240: {  	v13 =	vld [tilespmem:s9+$0x13650];
	v17 =	vadd.f32 v62, v16;
	v18 =	vadd.f32 v18, v21  }
0x241: {  	s4 =	simm.s32 $0x800;
	v16 =	vld [tilespmem:s9+$0x13660];
	v20 =	vadd.f32 v26, v22;
	v21 =	vadd.f32 v27, v63  }
.LBB2_17:
0x242: {  	p0 =	sne.s32 s4, $0x4000;
	v22 =	vld [tilespmem:s9+$0x13670];
	v17 =	vadd.f32 v24, v17;
	v18 =	vadd.f32 v25, v18  }
0x243: {  	v24 =	vld [tilespmem:s9+$0x136E0];
	v20 =	vadd.f32 v23, v20;
	v19 =	vadd.f32 v19, v21  }
0x244: {  	v21 =	vld [tilespmem:s9+$0x136F0];
	v17 =	vadd.f32 v8, v17;
	v18 =	vadd.f32 v10, v18  }
0x245: {  	v23 =	vld [tilespmem:s9+$0x13760];
	v20 =	vadd.f32 v11, v20;
	v26 =	vadd.f32 v14, v19  }
0x246: {  	v6 =	vadd.f32 v15, v6;
	v1 =	vadd.f32 v13, v1;
	v13 =	vld [tilespmem:s9+$0x13770]  }
0x247: {  	v4 =	vadd.f32 v16, v4;
	v0 =	vadd.f32 v22, v0;
	v15 =	vld [tilespmem:s9+$0x137E0]  }
0x248: {  	v6 =	vadd.f32 v7, v6;
	v1 =	vadd.f32 v9, v1;
	v7 =	vld [tilespmem:s9+$0x137F0];
	s9 =	sshra.s32 s4, $0x2  }
0x249: {  	v4 =	vadd.f32 v24, v4;
	v8 =	vld [tilespmem:s9+$0x13780];
	v0 =	vadd.f32 v21, v0  }
0x24a: {  	v6 =	vadd.f32 v12, v6;
	v1 =	vadd.f32 v5, v1;
	v10 =	vld [tilespmem:s9+$0x13790]  }
0x24b: {  	v4 =	vadd.f32 v23, v4;
	v11 =	vld [tilespmem:s9+$0x137A0];
	v0 =	vadd.f32 v13, v0  }
0x24c: {  	v6 =	vadd.f32 v2, v6;
	v1 =	vadd.f32 v3, v1;
	v14 =	vld [tilespmem:s9+$0x137B0]  }
0x24d: {  	v4 =	vadd.f32 v15, v4;
	v2 =	vld [tilespmem:s9+$0x137C0];
	v0 =	vadd.f32 v7, v0  }
0x24e: {  	v3 =	vld [tilespmem:s9+$0x137D0]  }
0x24f: {  	v24 =	vld [tilespmem:s9+$0x13700]  }
0x250: {  	v25 =	vld [tilespmem:s9+$0x13710]  }
0x251: {  	v23 =	vld [tilespmem:s9+$0x13720]  }
0x252: {  	v19 =	vld [tilespmem:s9+$0x13730]  }
0x253: {  	v12 =	vld [tilespmem:s9+$0x13740]  }
0x254: {  	v5 =	vld [tilespmem:s9+$0x13750]  }
0x255: {  	v16 =	vld [tilespmem:s9+$0x13680]  }
0x256: {  	v21 =	vld [tilespmem:s9+$0x13690]  }
0x257: {  	v9 =	vld [tilespmem:s9+$0x13600]  }
0x258: {  	v13 =	vld [tilespmem:s9+$0x13610]  }
0x259: {  	v15 =	vld [tilespmem:s9+$0x13620]  }
0x25a: {  	v22 =	vld [tilespmem:s9+$0x13630]  }
0x25b: {  	v27 =	vld [tilespmem:s9+$0x136A0]  }
0x25c: {  	v28 =	vld [tilespmem:s9+$0x136B0]  }
.Ltmp7:
0x25d: {  	v7 =	vld [tilespmem:s9+$0x136C0];
	(pc) =	sbr.rel @p0 .LBB2_17-.Ltmp7, $4  }
0x25e: {  	v17 =	vadd.f32 v9, v17;
	v18 =	vadd.f32 v13, v18;
	v9 =	vld [tilespmem:s9+$0x136D0]  }
0x25f: {  	v20 =	vadd.f32 v15, v20;
	v22 =	vadd.f32 v22, v26;
	v15 =	vld [tilespmem:s9+$0x13640]  }
0x260: {  	v17 =	vadd.f32 v16, v17;
	v18 =	vadd.f32 v21, v18;
	v13 =	vld [tilespmem:s9+$0x13650]  }
0x261: {  	s4 =	sadd.s32 $0x800, s4;
	v20 =	vadd.f32 v27, v20;
	v16 =	vld [tilespmem:s9+$0x13660];
	v21 =	vadd.f32 v28, v22  }
0x262: {  	v17 =	vadd.f32 v24, v17;
	v18 =	vadd.f32 v25, v18  }
0x263: {  	v22 =	vld [tilespmem:s9+$0x13670];
	v20 =	vadd.f32 v23, v20;
	v19 =	vadd.f32 v19, v21  }
0x264: {  	v56 =	vld [tilespmem:s9+$0x136E0];
	v8 =	vadd.f32 v8, v17;
	v10 =	vadd.f32 v10, v18  }
0x265: {  	v57 =	vld [tilespmem:s9+$0x136F0];
	v6 =	vadd.f32 v15, v6;
	v11 =	vadd.f32 v11, v20  }
0x266: {  	v58 =	vld [tilespmem:s9+$0x13760];
	v14 =	vadd.f32 v14, v19;
	v1 =	vadd.f32 v13, v1  }
0x267: {  	v59 =	vld [tilespmem:s9+$0x13770];
	v4 =	vadd.f32 v16, v4;
	v6 =	vadd.f32 v7, v6  }
0x268: {  	v60 =	vld [tilespmem:s9+$0x137E0];
	v0 =	vadd.f32 v22, v0;
	v1 =	vadd.f32 v9, v1  }
0x269: {  	v61 =	vld [tilespmem:s9+$0x137F0];
	v4 =	vadd.f32 v56, v4;
	v6 =	vadd.f32 v12, v6  }
0x26a: {  	v0 =	vadd.f32 v57, v0;
	v1 =	vadd.f32 v5, v1  }
0x26b: {  	v4 =	vadd.f32 v58, v4;
	v2 =	vadd.f32 v2, v6  }
0x26c: {  	v0 =	vadd.f32 v59, v0;
	v1 =	vadd.f32 v3, v1  }
0x26d: {  	v62 =	vadd.f32 v60, v4;
	v2 =	vadd.f32 v2, v8  }
0x26e: {  	s16 =	sadd.s32 $0x1, s16;
	v0 =	vadd.f32 v61, v0;
	v1 =	vadd.f32 v1, v10  }
0x26f: {  	p0 =	sne.s32 s16, $0x20;
	v2 =	vmul.f32 $4.999999890e-03, v2;
	v3 =	vadd.f32 v62, v11  }
.Ltmp8:
0x270: {  	v1 =	vmul.f32 $4.999999890e-03, v1;
	v0 =	vadd.f32 v0, v14;
	(pc) =	sbr.rel @p0 .LBB2_2-.Ltmp8, $4  }
0x271: {  	[tilespmem:s20+$0x148C0] =	vst v2;
	v63 =	vmul.f32 $4.999999890e-03, v3  }
0x272: {  	[tilespmem:s20+$0x148D0] =	vst v1;
	v0 =	vmul.f32 $4.999999890e-03, v0  }
0x273: {  	[tilespmem:s20+$0x148E0] =	vst v63  }
0x274: {  	[tilespmem:s20+$0x148F0] =	vst v0  }
0x275: {  	_ =	swait.ge [sflag:s25], $0x2000  }
0x276: {  	[sflag:s25] =	ssyncset.done $0x0  }
0x277: {  	[sflag:s25] =	ssyncadd.s32 $0xFFFFE000  }
0x278: {  	_ =	swait.ge [sflag:s26], $0x1200  }
0x279: {  	[sflag:s26] =	ssyncset.done $0x0  }
0x27a: {  	[sflag:s26] =	ssyncadd.s32 $0xFFFFEE00  }
0x27b: {  	_ =	swait.ge [sflag:s28], $0x2000  }
0x27c: {  	[sflag:s28] =	ssyncset.done $0x0  }
0x27d: {  	[sflag:s28] =	ssyncadd.s32 $0xFFFFE000  }
0x27e: {  	_ =	swait.ge [sflag:s29], $0x1200  }
0x27f: {  	[sflag:s29] =	ssyncset.done $0x0  }
0x280: {  	[sflag:s29] =	ssyncadd.s32 $0xFFFFEE00  }
0x281: {  	_ =	swait.ge [sflag:s30], $0x2000  }
0x282: {  	[sflag:s30] =	ssyncset.done $0x0  }
0x283: {  	[sflag:s30] =	ssyncadd.s32 $0xFFFFE000  }
0x284: {  	_ =	swait.ge [sflag:s31], $0x1200  }
0x285: {  	[sflag:s31] =	ssyncset.done $0x0  }
0x286: {  	[sflag:s31] =	ssyncadd.s32 $0xFFFFEE00  }
0x287: {  	s13 =	sadd.s32 $0x1, s13;
	_ =	swait.ge [sflag:s1], $0x2000  }
0x288: {  	p0 =	sne.s32 s13, s7;
	[sflag:s1] =	ssyncset.done $0x0  }
.Ltmp9:
0x289: {  	s4 =	simm.s32 $0x14800;
	[sflag:s1] =	ssyncadd.s32 $0xFFFFE000;
	(pc) =	sbr.rel @p0 .LBB2_1-.Ltmp9, $4  }
0x28a: {  	[hbm4b:s6+s2] =	stream.linear.scatter [tilespmem:s4], [sflag:$0x9], $0x2000, $0x38;
	[tilespmem:$0x16800] =	vst v63  }
0x28b: {  	_ =	swait.ge [sflag:s8], $0x2000  }
0x28c: {  	[sflag:s8] =	ssyncset.done $0x0  }
0x28d: {  	[sflag:s8] =	ssyncadd.s32 $0xFFFFE000  }
0x28e: {  	_ =	sfence.sel $0x180000  }
0x28f: {  	[bflag:$0x0] =	sbarrier.arrive $0xFFFF  }
0x290: {  	_ =	strace $0x90000047  }
0x291: {  	s0 =	stileid.u32;
	[bflag:$0x2] =	sbarrier.arrive $0xFFFF  }
0x292: {  	p0 =	sne.s32 s0, $0x0;
	s0 =	rddreg [dreg:$0x1]  }
0x293: {  	s0 =	sadd.s32 @!p0 $0x100000, s0  }
0x294: {  	[sflag:s0] =	ssyncadd.tile.s32 @!p0 $0x1;
	_ =	shalt  }
.Lfunc_end2:
_tile_overlayer_lowered:
.L_overlay_start_2:
0x295: {  	(tag) =	ssettag $0x2  }
0x296: {  	s0 =	rddreg [dreg:$0x0];
	s2 =	stileid.u32  }
0x297: {  	s1 =	rddreg [dreg:$0x1];
	p0 =	sne.s32 s2, $0x0  }
0x298: {  	s3 =	rddreg [dreg:$0x2];
	[bflag:$0x3] =	sbarrier.arrive $0xFFFF;
	s2 =	simm.s32 @!p0 $0x1C09  }
0x299: {  	[timem:s3], [sflag:s2] =	dma.local @!p0 [hbm:s0], s1  }
0x29a: {  	s0 =	simm.s32 @!p0 $0x9  }
0x29b: {  	_ =	swait.ge @!p0 [sflag:s0], s1  }
0x29c: {  	s1 =	ssub.s32 @!p0 $0x0, s1;
	[sflag:s0] =	ssyncset.done @!p0 $0x0  }
0x29d: {  	[sflag:s0] =	ssyncadd.s32 @!p0 s1  }
0x29e: {  	[bflag:$0x3] =	sbarrier.arrive $0xFFFF  }
0x29f: {  	_ =	shalt  }

</sc_bundles>
